<compile_context>
chip_gen: v7x
topology: tpu7x:2x2x1
jax: 0.10.2.dev20260603
libtpu: 0.0.44.dev20260713+nightly
codegen_flags: <defaults>
</compile_context>

<pallas_src>
import functools

import jax
import jax.numpy as jnp
from jax import lax
from jax.experimental import pallas as pl
from jax.experimental.pallas import tpu as pltpu
from jax.experimental.pallas import tpu_sc as plsc

BN = 2
NP = 2048
DM = 256
KN = 17
RB = 128
XP = 128
TW = 2 * DM + XP
NS = 4
BPB = NP // RB
NBLK = BN * NP // RB
TOT = BN * NP
GROWS = KN * TOT


def _mm(a, w):
    return lax.dot_general(a, w, dimension_numbers=(((1,), (1,)), ((), ())),
                           preferred_element_type=jnp.float32)


def _projknn_body(ssr, ssn, xaaug, feat, xyzp, W1, b1, Wq, Wk, Wv,
                  q_o, tab_o, idx_o):
    g = pl.program_id(0)
    b = g // BPB
    x = _mm(feat[...], W1[...]) + b1[...]
    q_o[...] = _mm(x, Wq[...])
    kp = _mm(x, Wk[...])
    vp = _mm(x, Wv[...])
    def rbf(a):
        u = lax.bitcast_convert_type(a, jnp.int32)
        return (u + 0x7FFF + ((u >> 16) & 1)) >> 16
    tab_o[...] = (rbf(kp) << 16) | (rbf(vp) & 0xFFFF)
    dt = _mm(xyzp[...], xaaug[0])
    d = (ssr[...] - 2.0 * dt) + ssn[0]
    sr = RB // NS
    lanes = lax.broadcasted_iota(jnp.int32, (sr, NP), 1).astype(jnp.float32)
    ds = [d[s * sr:(s + 1) * sr] for s in range(NS)]
    colss = [[] for _ in range(NS)]
    for _ in range(KN):
        for s in range(NS):
            m = jnp.min(ds[s], axis=1, keepdims=True)
            hit = ds[s] <= m
            idxj = jnp.min(jnp.where(hit, lanes, 1.0 * NP), axis=1,
                           keepdims=True)
            ds[s] = jnp.where(hit, 1e30, ds[s])
            colss[s].append(idxj)
    for s in range(NS):
        idx = jnp.concatenate(colss[s], axis=1).astype(jnp.int32)
        idx_o[s * sr:(s + 1) * sr, :] = idx + b * NP


def _attn_body(q, kvg, xyg, xyzp, feat, Wd1p, bd1, Wd2, bd2,
               Wg1, bg1, Wg2, bg2, W2, b2, out_o):
    bf16 = jnp.bfloat16
    f32 = jnp.float32
    kv = kvg[...].reshape(KN * RB, DM)
    kk = lax.bitcast_convert_type(kv & jnp.int32(-65536), f32)
    vvpos_src = lax.bitcast_convert_type(kv << 16, f32)
    nx = xyg[...].reshape(KN * RB, XP)
    xt = jnp.concatenate([xyzp[...]] * KN, axis=0)
    qt = jnp.concatenate([q[...]] * KN, axis=0)
    delta = xt - nx
    pe1 = jax.nn.relu(_mm(delta, Wd1p[...]) + bd1[...])
    pos = _mm(pe1.astype(bf16), Wd2[...].astype(bf16)) + bd2[...]
    h = qt - kk + pos
    a1 = jax.nn.relu(_mm(h.astype(bf16), Wg1[...].astype(bf16)) + bg1[...])
    att = (_mm(a1.astype(bf16), Wg2[...].astype(bf16)) + bg2[...]) * (1.0 / 16.0)
    vp = vvpos_src + pos
    m = att[0:RB]
    for j in range(1, KN):
        m = jnp.maximum(m, att[j * RB:(j + 1) * RB])
    s = jnp.zeros((RB, DM), jnp.float32)
    num = jnp.zeros((RB, DM), jnp.float32)
    for j in range(KN):
        e = jnp.exp(att[j * RB:(j + 1) * RB] - m)
        s = s + e
        num = num + e * vp[j * RB:(j + 1) * RB]
    res = num / s
    out_o[...] = _mm(res, W2[...]) + b2[...] + feat[...]


def _gather(kvtab, xyztab, idxg):
    info = plsc.get_sparse_core_info()
    nw = info.num_cores * info.num_subcores
    grows = idxg.size
    per_w = grows // nw
    ch = 64
    nch = per_w // ch
    mesh = plsc.VectorSubcoreMesh(core_axis_name="c", subcore_axis_name="s")

    @functools.partial(
        pl.kernel, mesh=mesh,
        out_type=[
            jax.ShapeDtypeStruct((grows, DM), jnp.int32),
            jax.ShapeDtypeStruct((grows, XP), jnp.float32),
        ],
        scratch_types=[
            pltpu.VMEM((nch, ch), jnp.int32),
            pltpu.VMEM((ch, DM), jnp.int32),
            pltpu.VMEM((ch, DM), jnp.int32),
            pltpu.VMEM((ch, XP), jnp.float32),
            pltpu.VMEM((ch, XP), jnp.float32),
            pltpu.SemaphoreType.DMA,
            pltpu.SemaphoreType.DMA,
            pltpu.SemaphoreType.DMA,
            pltpu.SemaphoreType.DMA,
        ],
    )
    def gk(kv_h, xyz_h, idx_h, okv_h, oxy_h, idx_v,
           kv0, kv1, xy0, xy1, skv0, skv1, sxy0, sxy1):
        wid = lax.axis_index("s") * info.num_cores + lax.axis_index("c")
        base = wid * per_w
        pltpu.sync_copy(idx_h.at[wid], idx_v)
        kvb = (kv0, kv1)
        xyb = (xy0, xy1)
        skv = (skv0, skv1)
        sxy = (sxy0, sxy1)

        def issue(c, slot):
            pltpu.async_copy(kv_h.at[idx_v.at[c]], kvb[slot], skv[slot])
            pltpu.async_copy(xyz_h.at[idx_v.at[c]], xyb[slot], sxy[slot])

        def drain(c, slot):
            pltpu.make_async_copy(kv_h.at[idx_v.at[c]], kvb[slot],
                                  skv[slot]).wait()
            pltpu.make_async_copy(xyz_h.at[idx_v.at[c]], xyb[slot],
                                  sxy[slot]).wait()
            pltpu.sync_copy(kvb[slot], okv_h.at[pl.ds(base + c * ch, ch)])
            pltpu.sync_copy(xyb[slot], oxy_h.at[pl.ds(base + c * ch, ch)])

        issue(0, 0)
        issue(1, 1)

        def body(g, carry):
            for bslot in range(2):
                c = 2 * g + bslot
                drain(c, bslot)

                @pl.when(c + 2 < nch)
                def _():
                    issue(c + 2, bslot)
            return carry

        lax.fori_loop(0, nch // 2, body, 0)
        if nch % 2:
            drain(nch - 1, (nch - 1) % 2)

    return gk(kvtab, xyztab, idxg.reshape(nw, nch, ch))


def _prep(xyzf):
    f32 = jnp.float32
    ss = jnp.sum(xyzf * xyzf, axis=1, keepdims=True)
    xyzp = jnp.concatenate([xyzf, jnp.zeros((NP, XP - 3), f32)], axis=1)
    xaaug = xyzp.reshape(1, NP, XP)
    ssn = ss.reshape(1, 1, NP)
    return ss, ssn, xaaug, xyzp


_wspec = pl.BlockSpec((DM, DM), lambda g: (0, 0))
_bspec = pl.BlockSpec((1, DM), lambda g: (0, 0))
_rspec = pl.BlockSpec((RB, DM), lambda g: (g, 0))
_xspec = pl.BlockSpec((RB, XP), lambda g: (g, 0))


def _stage1(ssr, ssn, xaaug, featf, xyzp, W1, b1r, Wq, Wk, Wv):
    f32 = jnp.float32
    wspec, bspec, rspec, xspec = _wspec, _bspec, _rspec, _xspec
    return pl.pallas_call(
        _projknn_body,
        grid=(BPB,),
        in_specs=[
            pl.BlockSpec((RB, 1), lambda g: (g, 0)),
            pl.BlockSpec((1, 1, NP), lambda g: (g // BPB, 0, 0)),
            pl.BlockSpec((1, NP, XP), lambda g: (g // BPB, 0, 0)),
            rspec,
            xspec,
            wspec, bspec, wspec, wspec, wspec,
        ],
        out_specs=[
            rspec,
            pl.BlockSpec((RB, DM), lambda g: (g, 0)),
            pl.BlockSpec((RB, KN), lambda g: (g, 0)),
        ],
        out_shape=[
            jax.ShapeDtypeStruct((NP, DM), f32),
            jax.ShapeDtypeStruct((NP, DM), jnp.int32),
            jax.ShapeDtypeStruct((NP, KN), jnp.int32),
        ],
    )(ssr, ssn, xaaug, featf, xyzp, W1, b1r, Wq, Wk, Wv)


def _stage2(q, kvg, xyg, xyzp, featf, Wd1p, bd1r, Wd2, bd2r,
            Wg1, bg1r, Wg2, bg2r, W2, b2r):
    f32 = jnp.float32
    wspec, bspec, rspec, xspec = _wspec, _bspec, _rspec, _xspec
    return pl.pallas_call(
        _attn_body,
        grid=(BPB,),
        in_specs=[
            rspec,
            pl.BlockSpec((KN, RB, DM), lambda g: (0, g, 0)),
            pl.BlockSpec((KN, RB, XP), lambda g: (0, g, 0)),
            xspec,
            rspec,
            pl.BlockSpec((DM, XP), lambda g: (0, 0)),
            bspec, wspec, bspec, wspec, bspec, wspec, bspec,
            wspec, bspec,
        ],
        out_specs=rspec,
        out_shape=jax.ShapeDtypeStruct((NP, DM), f32),
    )(q, kvg, xyg, xyzp, featf, Wd1p, bd1r, Wd2, bd2r,
      Wg1, bg1r, Wg2, bg2r, W2, b2r)


def kernel(xyz, features, W1, b1, W2, b2, Wq, Wk, Wv,
           Wd1, bd1, Wd2, bd2, Wg1, bg1, Wg2, bg2):
    f32 = jnp.float32
    Wd1p = jnp.concatenate([Wd1, jnp.zeros((DM, XP - 3), f32)], axis=1)
    b1r, b2r, bd1r, bd2r, bg1r, bg2r = (
        v.reshape(1, DM) for v in (b1, b2, bd1, bd2, bg1, bg2))

    outs = []
    for b in range(BN):
        featf = features[b]
        ssr, ssn, xaaug, xyzp = _prep(xyz[b].astype(f32))
        q, table, idxpm = _stage1(ssr, ssn, xaaug, featf, xyzp,
                                  W1, b1r, Wq, Wk, Wv)
        idxg = idxpm.T.reshape(KN * NP)
        kvg, xyg = _gather(table, xyzp, idxg)
        kvg = kvg.reshape(KN, NP, DM)
        xyg = xyg.reshape(KN, NP, XP)
        outs.append(_stage2(q, kvg, xyg, xyzp, featf, Wd1p, bd1r, Wd2, bd2r,
                            Wg1, bg1r, Wg2, bg2r, W2, b2r))
    return jnp.stack(outs)

# --- scband reference (transcript-rebuilt; emitter-appended) ---
"""Pipeline reference for scband-transformer-block-15710990369322 (READ-ONLY COPY).

The authoritative reference and input builder live on the scoring server;
editing this copy changes nothing except your own understanding.
"""

import jax, jax.numpy as jnp
import numpy as np

B, N, D_POINTS, D_MODEL, K = 2, 2048, 256, 256, 16


def square_distance(src, dst):
    return (jnp.sum(src ** 2, -1)[..., :, None]
            - 2.0 * jnp.einsum('bnc,bmc->bnm', src, dst)
            + jnp.sum(dst ** 2, -1)[..., None, :])


def index_points(points, idx):
    batch = jnp.arange(points.shape[0]).reshape((-1,) + (1,) * (idx.ndim - 1))
    return points[batch, idx]


def setup_inputs(seed: int = 0) -> dict:
    key = jax.random.key(seed)
    ks = jax.random.split(key, 20)
    xyz = jax.random.uniform(ks[0], (B, N, 3), dtype=jnp.float32)
    features = jax.random.normal(ks[1], (B, N, D_POINTS), dtype=jnp.float32)

    def lin(k_, fo, fi):
        return jax.random.normal(k_, (fo, fi), dtype=jnp.float32) / np.sqrt(fi)

    W1 = lin(ks[2], D_MODEL, D_POINTS)
    b1 = jnp.zeros((D_MODEL,), dtype=jnp.float32)
    W2 = lin(ks[3], D_POINTS, D_MODEL)
    b2 = jnp.zeros((D_POINTS,), dtype=jnp.float32)
    Wq = lin(ks[4], D_MODEL, D_MODEL)
    Wk = lin(ks[5], D_MODEL, D_MODEL)
    Wv = lin(ks[6], D_MODEL, D_MODEL)
    Wd1 = lin(ks[7], D_MODEL, 3)
    bd1 = jnp.zeros((D_MODEL,), dtype=jnp.float32)
    Wd2 = lin(ks[8], D_MODEL, D_MODEL)
    bd2 = jnp.zeros((D_MODEL,), dtype=jnp.float32)
    Wg1 = lin(ks[9], D_MODEL, D_MODEL)
    bg1 = jnp.zeros((D_MODEL,), dtype=jnp.float32)
    Wg2 = lin(ks[10], D_MODEL, D_MODEL)
    bg2 = jnp.zeros((D_MODEL,), dtype=jnp.float32)
    return {"xyz": xyz, "features": features, "W1": W1, "b1": b1, "W2": W2, "b2": b2,
            "Wq": Wq, "Wk": Wk, "Wv": Wv, "Wd1": Wd1, "bd1": bd1, "Wd2": Wd2, "bd2": bd2,
            "Wg1": Wg1, "bg1": bg1, "Wg2": Wg2, "bg2": bg2}


def reference(xyz, features, W1, b1, W2, b2, Wq, Wk, Wv, Wd1, bd1, Wd2, bd2, Wg1, bg1, Wg2, bg2):
    dists = square_distance(xyz, xyz)
    knn_idx = jnp.argsort(dists, axis=-1)[:, :, :K + 1]
    knn_xyz = index_points(xyz, knn_idx)
    pre = features
    x = features @ W1.T + b1
    k_proj = x @ Wk.T
    v_proj = x @ Wv.T
    q = x @ Wq.T
    kk = index_points(k_proj, knn_idx)
    vv = index_points(v_proj, knn_idx)
    delta = xyz[:, :, None, :] - knn_xyz
    pos_enc = jax.nn.relu(delta @ Wd1.T + bd1) @ Wd2.T + bd2
    h = q[:, :, None, :] - kk + pos_enc
    attn = jax.nn.relu(h @ Wg1.T + bg1) @ Wg2.T + bg2
    attn = jax.nn.softmax(attn / np.sqrt(kk.shape[-1]), axis=-2)
    res = jnp.einsum('bmnf,bmnf->bmf', attn, vv + pos_enc)
    res = res @ W2.T + b2 + pre
    return res

if __name__ == "__main__":
    import jax
    _d = setup_inputs()
    print(jax.jit(kernel)(*tuple(_d.values())))

</pallas_src>

<mosaic_0001>
#map = affine_map<(d0, d1) -> (0, 0)>
#map1 = affine_map<(d0, d1) -> (0, 0, 0)>
module attributes {stable_mosaic.version = 14 : i64} {
  func.func @gk(%arg0: i32, %arg1: i32, %arg2: memref<2048x256xi32, #tpu.memory_space<hbm>>, %arg3: memref<2048x128xf32, #tpu.memory_space<hbm>>, %arg4: memref<32x17x64xi32, #tpu.memory_space<hbm>>, %arg5: memref<34816x256xi32, #tpu.memory_space<hbm>>, %arg6: memref<34816x128xf32, #tpu.memory_space<hbm>>, %arg7: memref<17x64xi32, #tpu.memory_space<vmem>>, %arg8: memref<64x256xi32, #tpu.memory_space<vmem>>, %arg9: memref<64x256xi32, #tpu.memory_space<vmem>>, %arg10: memref<64x128xf32, #tpu.memory_space<vmem>>, %arg11: memref<64x128xf32, #tpu.memory_space<vmem>>, %arg12: memref<!tpu.dma_semaphore, #tpu.memory_space<semaphore_mem>>, %arg13: memref<!tpu.dma_semaphore, #tpu.memory_space<semaphore_mem>>, %arg14: memref<!tpu.dma_semaphore, #tpu.memory_space<semaphore_mem>>, %arg15: memref<!tpu.dma_semaphore, #tpu.memory_space<semaphore_mem>>) attributes {dimension_semantics = [#tpu.dimension_semantics<core_parallel>, #tpu.dimension_semantics<subcore_parallel>], iteration_bounds = array<i64: 2, 16>, scalar_prefetch = 0 : i64, scratch_operands = 9 : i64, tpu.core_type = #tpu.core_type<sc_vector_subcore>, window_params = [{transform_indices = #map}, {transform_indices = #map}, {transform_indices = #map1}, {transform_indices = #map}, {transform_indices = #map}]} {
    %mul3A = arith.constant 2 : i32
    %mul3A_0 = arith.muli %arg1, %mul3A : i32
    %add3A = arith.addi %mul3A_0, %arg0 : i32
    %mul3A_1 = arith.constant 1088 : i32
    %mul3A_2 = arith.muli %add3A, %mul3A_1 : i32
    "tpu.region"() ({
      %run_scoped3A = tpu.sem_alloc : memref<!tpu.dma_semaphore, #tpu.memory_space<semaphore_mem>>
      %dma_start3A_52 = arith.constant 0 : i32
      %dma_start3A_53 = arith.constant 0 : i32
      %dma_start3A_54 = tpu.memref_slice %arg4[%add3A, %dma_start3A_52, %dma_start3A_53] : memref<32x17x64xi32, #tpu.memory_space<hbm>> -> memref<1x17x64xi32, #tpu.memory_space<hbm>>
      %dma_start3A_55 = tpu.memref_squeeze %dma_start3A_54 : memref<1x17x64xi32, #tpu.memory_space<hbm>> -> memref<17x64xi32, #tpu.memory_space<hbm>>
      %dma_start3A_56 = arith.constant 0 : i32
      %dma_start3A_57 = arith.constant 0 : i32
      %dma_start3A_58 = tpu.memref_slice %arg4[%add3A, %dma_start3A_56, %dma_start3A_57] : memref<32x17x64xi32, #tpu.memory_space<hbm>> -> memref<1x17x64xi32, #tpu.memory_space<hbm>>
      %dma_start3A_59 = tpu.memref_squeeze %dma_start3A_58 : memref<1x17x64xi32, #tpu.memory_space<hbm>> -> memref<17x64xi32, #tpu.memory_space<hbm>>
      tpu.enqueue_dma source(%dma_start3A_59 : memref<17x64xi32, #tpu.memory_space<hbm>>) target(%arg7 : memref<17x64xi32, #tpu.memory_space<vmem>>) target_semaphore(%run_scoped3A : memref<!tpu.dma_semaphore, #tpu.memory_space<semaphore_mem>>)
      %dma_wait3A_60 = arith.constant 0 : i32
      %dma_wait3A_61 = arith.constant 0 : i32
      %dma_wait3A_62 = tpu.memref_slice %arg4[%add3A, %dma_wait3A_60, %dma_wait3A_61] : memref<32x17x64xi32, #tpu.memory_space<hbm>> -> memref<1x17x64xi32, #tpu.memory_space<hbm>>
      %dma_wait3A_63 = tpu.memref_squeeze %dma_wait3A_62 : memref<1x17x64xi32, #tpu.memory_space<hbm>> -> memref<17x64xi32, #tpu.memory_space<hbm>>
      %dma_wait3A_64 = arith.constant 0 : i32
      %dma_wait3A_65 = arith.constant 0 : i32
      %dma_wait3A_66 = tpu.memref_slice %arg4[%add3A, %dma_wait3A_64, %dma_wait3A_65] : memref<32x17x64xi32, #tpu.memory_space<hbm>> -> memref<1x17x64xi32, #tpu.memory_space<hbm>>
      %dma_wait3A_67 = tpu.memref_squeeze %dma_wait3A_66 : memref<1x17x64xi32, #tpu.memory_space<hbm>> -> memref<17x64xi32, #tpu.memory_space<hbm>>
      tpu.wait_dma2 semaphore(%run_scoped3A : memref<!tpu.dma_semaphore, #tpu.memory_space<semaphore_mem>>) src(%dma_wait3A_67 : memref<17x64xi32, #tpu.memory_space<hbm>>) dst(%arg7 : memref<17x64xi32, #tpu.memory_space<vmem>>)
      tpu.yield
    }) : () -> ()
    %dma_start3A = arith.constant 0 : i32
    %dma_start3A_3 = arith.constant 0 : i32
    %dma_start3A_4 = tpu.memref_slice %arg7[%dma_start3A, %dma_start3A_3] : memref<17x64xi32, #tpu.memory_space<vmem>> -> memref<1x64xi32, #tpu.memory_space<vmem>>
    %dma_start3A_5 = tpu.memref_squeeze %dma_start3A_4 : memref<1x64xi32, #tpu.memory_space<vmem>> -> memref<64xi32, #tpu.memory_space<vmem>>
    %dma_start3A_6 = arith.constant 0 : i32
    %dma_start3A_7 = arith.constant 0 : i32
    %dma_start3A_8 = tpu.memref_slice %arg2[%dma_start3A_6, %dma_start3A_7] : memref<2048x256xi32, #tpu.memory_space<hbm>> -> memref<2048x256xi32, #tpu.memory_space<hbm>>
    tpu.enqueue_indirect_dma source(%dma_start3A_8 : memref<2048x256xi32, #tpu.memory_space<hbm>>) target(%arg8 : memref<64x256xi32, #tpu.memory_space<vmem>>) offsets(%dma_start3A_5 : memref<64xi32, #tpu.memory_space<vmem>>) semaphore(%arg12 : memref<!tpu.dma_semaphore, #tpu.memory_space<semaphore_mem>>)
    %dma_start3A_9 = arith.constant 0 : i32
    %dma_start3A_10 = arith.constant 0 : i32
    %dma_start3A_11 = tpu.memref_slice %arg7[%dma_start3A_9, %dma_start3A_10] : memref<17x64xi32, #tpu.memory_space<vmem>> -> memref<1x64xi32, #tpu.memory_space<vmem>>
    %dma_start3A_12 = tpu.memref_squeeze %dma_start3A_11 : memref<1x64xi32, #tpu.memory_space<vmem>> -> memref<64xi32, #tpu.memory_space<vmem>>
    %dma_start3A_13 = arith.constant 0 : i32
    %dma_start3A_14 = arith.constant 0 : i32
    %dma_start3A_15 = tpu.memref_slice %arg3[%dma_start3A_13, %dma_start3A_14] : memref<2048x128xf32, #tpu.memory_space<hbm>> -> memref<2048x128xf32, #tpu.memory_space<hbm>>
    tpu.enqueue_indirect_dma source(%dma_start3A_15 : memref<2048x128xf32, #tpu.memory_space<hbm>>) target(%arg10 : memref<64x128xf32, #tpu.memory_space<vmem>>) offsets(%dma_start3A_12 : memref<64xi32, #tpu.memory_space<vmem>>) semaphore(%arg14 : memref<!tpu.dma_semaphore, #tpu.memory_space<semaphore_mem>>)
    %dma_start3A_16 = arith.constant 1 : i32
    %dma_start3A_17 = arith.constant 0 : i32
    %dma_start3A_18 = tpu.memref_slice %arg7[%dma_start3A_16, %dma_start3A_17] : memref<17x64xi32, #tpu.memory_space<vmem>> -> memref<1x64xi32, #tpu.memory_space<vmem>>
    %dma_start3A_19 = tpu.memref_squeeze %dma_start3A_18 : memref<1x64xi32, #tpu.memory_space<vmem>> -> memref<64xi32, #tpu.memory_space<vmem>>
    %dma_start3A_20 = arith.constant 0 : i32
    %dma_start3A_21 = arith.constant 0 : i32
    %dma_start3A_22 = tpu.memref_slice %arg2[%dma_start3A_20, %dma_start3A_21] : memref<2048x256xi32, #tpu.memory_space<hbm>> -> memref<2048x256xi32, #tpu.memory_space<hbm>>
    tpu.enqueue_indirect_dma source(%dma_start3A_22 : memref<2048x256xi32, #tpu.memory_space<hbm>>) target(%arg9 : memref<64x256xi32, #tpu.memory_space<vmem>>) offsets(%dma_start3A_19 : memref<64xi32, #tpu.memory_space<vmem>>) semaphore(%arg13 : memref<!tpu.dma_semaphore, #tpu.memory_space<semaphore_mem>>)
    %dma_start3A_23 = arith.constant 1 : i32
    %dma_start3A_24 = arith.constant 0 : i32
    %dma_start3A_25 = tpu.memref_slice %arg7[%dma_start3A_23, %dma_start3A_24] : memref<17x64xi32, #tpu.memory_space<vmem>> -> memref<1x64xi32, #tpu.memory_space<vmem>>
    %dma_start3A_26 = tpu.memref_squeeze %dma_start3A_25 : memref<1x64xi32, #tpu.memory_space<vmem>> -> memref<64xi32, #tpu.memory_space<vmem>>
    %dma_start3A_27 = arith.constant 0 : i32
    %dma_start3A_28 = arith.constant 0 : i32
    %dma_start3A_29 = tpu.memref_slice %arg3[%dma_start3A_27, %dma_start3A_28] : memref<2048x128xf32, #tpu.memory_space<hbm>> -> memref<2048x128xf32, #tpu.memory_space<hbm>>
    tpu.enqueue_indirect_dma source(%dma_start3A_29 : memref<2048x128xf32, #tpu.memory_space<hbm>>) target(%arg11 : memref<64x128xf32, #tpu.memory_space<vmem>>) offsets(%dma_start3A_26 : memref<64xi32, #tpu.memory_space<vmem>>) semaphore(%arg15 : memref<!tpu.dma_semaphore, #tpu.memory_space<semaphore_mem>>)
    %scan3A = arith.constant 0 : i32
    %scan3A_30 = arith.constant 0 : i32
    %scan3A_31 = arith.constant 8 : i32
    %scan3A_32 = arith.addi %scan3A_30, %scan3A_31 : i32
    %scan3A_33 = arith.constant 1 : i32
    scf.for %scan3A_52 = %scan3A_30 to %scan3A_32 step %scan3A_33  : i32 {
      %mul3A_53 = arith.constant 2 : i32
      %mul3A_54 = arith.muli %mul3A_53, %scan3A_52 : i32
      %add3A_55 = arith.constant 0 : i32
      %add3A_56 = arith.addi %mul3A_54, %add3A_55 : i32
      %dma_wait3A_57 = arith.constant 0 : i32
      %dma_wait3A_58 = tpu.memref_slice %arg7[%add3A_56, %dma_wait3A_57] : memref<17x64xi32, #tpu.memory_space<vmem>> -> memref<1x64xi32, #tpu.memory_space<vmem>>
      %dma_wait3A_59 = tpu.memref_squeeze %dma_wait3A_58 : memref<1x64xi32, #tpu.memory_space<vmem>> -> memref<64xi32, #tpu.memory_space<vmem>>
      %dma_wait3A_60 = arith.constant 0 : i32
      %dma_wait3A_61 = arith.constant 0 : i32
      %dma_wait3A_62 = tpu.memref_slice %arg2[%dma_wait3A_60, %dma_wait3A_61] : memref<2048x256xi32, #tpu.memory_space<hbm>> -> memref<2048x256xi32, #tpu.memory_space<hbm>>
      tpu.wait_indirect_dma semaphore(%arg12 : memref<!tpu.dma_semaphore, #tpu.memory_space<semaphore_mem>>) src(%dma_wait3A_62 : memref<2048x256xi32, #tpu.memory_space<hbm>>) dst(%arg8 : memref<64x256xi32, #tpu.memory_space<vmem>>)
      %dma_wait3A_63 = arith.constant 0 : i32
      %dma_wait3A_64 = tpu.memref_slice %arg7[%add3A_56, %dma_wait3A_63] : memref<17x64xi32, #tpu.memory_space<vmem>> -> memref<1x64xi32, #tpu.memory_space<vmem>>
      %dma_wait3A_65 = tpu.memref_squeeze %dma_wait3A_64 : memref<1x64xi32, #tpu.memory_space<vmem>> -> memref<64xi32, #tpu.memory_space<vmem>>
      %dma_wait3A_66 = arith.constant 0 : i32
      %dma_wait3A_67 = arith.constant 0 : i32
      %dma_wait3A_68 = tpu.memref_slice %arg3[%dma_wait3A_66, %dma_wait3A_67] : memref<2048x128xf32, #tpu.memory_space<hbm>> -> memref<2048x128xf32, #tpu.memory_space<hbm>>
      tpu.wait_indirect_dma semaphore(%arg14 : memref<!tpu.dma_semaphore, #tpu.memory_space<semaphore_mem>>) src(%dma_wait3A_68 : memref<2048x128xf32, #tpu.memory_space<hbm>>) dst(%arg10 : memref<64x128xf32, #tpu.memory_space<vmem>>)
      %mul3A_69 = arith.constant 64 : i32
      %mul3A_70 = arith.muli %add3A_56, %mul3A_69 : i32
      %add3A_71 = arith.addi %mul3A_2, %mul3A_70 : i32
      "tpu.region"() ({
        %run_scoped3A = tpu.sem_alloc : memref<!tpu.dma_semaphore, #tpu.memory_space<semaphore_mem>>
        %dma_start3A_108 = arith.constant 0 : i32
        %dma_start3A_109 = tpu.memref_slice %arg5[%add3A_71, %dma_start3A_108] : memref<34816x256xi32, #tpu.memory_space<hbm>> -> memref<64x256xi32, #tpu.memory_space<hbm>>
        %dma_start3A_110 = arith.constant 0 : i32
        %dma_start3A_111 = tpu.memref_slice %arg5[%add3A_71, %dma_start3A_110] : memref<34816x256xi32, #tpu.memory_space<hbm>> -> memref<64x256xi32, #tpu.memory_space<hbm>>
        tpu.enqueue_dma source(%arg8 : memref<64x256xi32, #tpu.memory_space<vmem>>) target(%dma_start3A_111 : memref<64x256xi32, #tpu.memory_space<hbm>>) target_semaphore(%run_scoped3A : memref<!tpu.dma_semaphore, #tpu.memory_space<semaphore_mem>>)
        %dma_wait3A_112 = arith.constant 0 : i32
        %dma_wait3A_113 = tpu.memref_slice %arg5[%add3A_71, %dma_wait3A_112] : memref<34816x256xi32, #tpu.memory_space<hbm>> -> memref<64x256xi32, #tpu.memory_space<hbm>>
        %dma_wait3A_114 = arith.constant 0 : i32
        %dma_wait3A_115 = tpu.memref_slice %arg5[%add3A_71, %dma_wait3A_114] : memref<34816x256xi32, #tpu.memory_space<hbm>> -> memref<64x256xi32, #tpu.memory_space<hbm>>
        tpu.wait_dma2 semaphore(%run_scoped3A : memref<!tpu.dma_semaphore, #tpu.memory_space<semaphore_mem>>) src(%arg8 : memref<64x256xi32, #tpu.memory_space<vmem>>) dst(%dma_wait3A_115 : memref<64x256xi32, #tpu.memory_space<hbm>>)
        tpu.yield
      }) : () -> ()
      %mul3A_72 = arith.constant 64 : i32
      %mul3A_73 = arith.muli %add3A_56, %mul3A_72 : i32
      %add3A_74 = arith.addi %mul3A_2, %mul3A_73 : i32
      "tpu.region"() ({
        %run_scoped3A = tpu.sem_alloc : memref<!tpu.dma_semaphore, #tpu.memory_space<semaphore_mem>>
        %dma_start3A_108 = arith.constant 0 : i32
        %dma_start3A_109 = tpu.memref_slice %arg6[%add3A_74, %dma_start3A_108] : memref<34816x128xf32, #tpu.memory_space<hbm>> -> memref<64x128xf32, #tpu.memory_space<hbm>>
        %dma_start3A_110 = arith.constant 0 : i32
        %dma_start3A_111 = tpu.memref_slice %arg6[%add3A_74, %dma_start3A_110] : memref<34816x128xf32, #tpu.memory_space<hbm>> -> memref<64x128xf32, #tpu.memory_space<hbm>>
        tpu.enqueue_dma source(%arg10 : memref<64x128xf32, #tpu.memory_space<vmem>>) target(%dma_start3A_111 : memref<64x128xf32, #tpu.memory_space<hbm>>) target_semaphore(%run_scoped3A : memref<!tpu.dma_semaphore, #tpu.memory_space<semaphore_mem>>)
        %dma_wait3A_112 = arith.constant 0 : i32
        %dma_wait3A_113 = tpu.memref_slice %arg6[%add3A_74, %dma_wait3A_112] : memref<34816x128xf32, #tpu.memory_space<hbm>> -> memref<64x128xf32, #tpu.memory_space<hbm>>
        %dma_wait3A_114 = arith.constant 0 : i32
        %dma_wait3A_115 = tpu.memref_slice %arg6[%add3A_74, %dma_wait3A_114] : memref<34816x128xf32, #tpu.memory_space<hbm>> -> memref<64x128xf32, #tpu.memory_space<hbm>>
        tpu.wait_dma2 semaphore(%run_scoped3A : memref<!tpu.dma_semaphore, #tpu.memory_space<semaphore_mem>>) src(%arg10 : memref<64x128xf32, #tpu.memory_space<vmem>>) dst(%dma_wait3A_115 : memref<64x128xf32, #tpu.memory_space<hbm>>)
        tpu.yield
      }) : () -> ()
      %add3A_75 = arith.constant 2 : i32
      %add3A_76 = arith.addi %add3A_56, %add3A_75 : i32
      %lt3A = arith.constant 17 : i32
      %lt3A_77 = arith.cmpi slt, %add3A_76, %lt3A : i32
      %convert_element_type3A = arith.extui %lt3A_77 : i1 to i32
      %cond3A = arith.constant 0 : i32
      %cond3A_78 = arith.cmpi ne, %convert_element_type3A, %cond3A : i32
      scf.if %cond3A_78 {
        %add3A_108 = arith.constant 2 : i32
        %add3A_109 = arith.addi %add3A_56, %add3A_108 : i32
        %dma_start3A_110 = arith.constant 0 : i32
        %dma_start3A_111 = tpu.memref_slice %arg7[%add3A_109, %dma_start3A_110] : memref<17x64xi32, #tpu.memory_space<vmem>> -> memref<1x64xi32, #tpu.memory_space<vmem>>
        %dma_start3A_112 = tpu.memref_squeeze %dma_start3A_111 : memref<1x64xi32, #tpu.memory_space<vmem>> -> memref<64xi32, #tpu.memory_space<vmem>>
        %dma_start3A_113 = arith.constant 0 : i32
        %dma_start3A_114 = arith.constant 0 : i32
        %dma_start3A_115 = tpu.memref_slice %arg2[%dma_start3A_113, %dma_start3A_114] : memref<2048x256xi32, #tpu.memory_space<hbm>> -> memref<2048x256xi32, #tpu.memory_space<hbm>>
        tpu.enqueue_indirect_dma source(%dma_start3A_115 : memref<2048x256xi32, #tpu.memory_space<hbm>>) target(%arg8 : memref<64x256xi32, #tpu.memory_space<vmem>>) offsets(%dma_start3A_112 : memref<64xi32, #tpu.memory_space<vmem>>) semaphore(%arg12 : memref<!tpu.dma_semaphore, #tpu.memory_space<semaphore_mem>>)
        %dma_start3A_116 = arith.constant 0 : i32
        %dma_start3A_117 = tpu.memref_slice %arg7[%add3A_109, %dma_start3A_116] : memref<17x64xi32, #tpu.memory_space<vmem>> -> memref<1x64xi32, #tpu.memory_space<vmem>>
        %dma_start3A_118 = tpu.memref_squeeze %dma_start3A_117 : memref<1x64xi32, #tpu.memory_space<vmem>> -> memref<64xi32, #tpu.memory_space<vmem>>
        %dma_start3A_119 = arith.constant 0 : i32
        %dma_start3A_120 = arith.constant 0 : i32
        %dma_start3A_121 = tpu.memref_slice %arg3[%dma_start3A_119, %dma_start3A_120] : memref<2048x128xf32, #tpu.memory_space<hbm>> -> memref<2048x128xf32, #tpu.memory_space<hbm>>
        tpu.enqueue_indirect_dma source(%dma_start3A_121 : memref<2048x128xf32, #tpu.memory_space<hbm>>) target(%arg10 : memref<64x128xf32, #tpu.memory_space<vmem>>) offsets(%dma_start3A_118 : memref<64xi32, #tpu.memory_space<vmem>>) semaphore(%arg14 : memref<!tpu.dma_semaphore, #tpu.memory_space<semaphore_mem>>)
      } else {
      }
      %mul3A_79 = arith.constant 2 : i32
      %mul3A_80 = arith.muli %mul3A_79, %scan3A_52 : i32
      %add3A_81 = arith.constant 1 : i32
      %add3A_82 = arith.addi %mul3A_80, %add3A_81 : i32
      %dma_wait3A_83 = arith.constant 0 : i32
      %dma_wait3A_84 = tpu.memref_slice %arg7[%add3A_82, %dma_wait3A_83] : memref<17x64xi32, #tpu.memory_space<vmem>> -> memref<1x64xi32, #tpu.memory_space<vmem>>
      %dma_wait3A_85 = tpu.memref_squeeze %dma_wait3A_84 : memref<1x64xi32, #tpu.memory_space<vmem>> -> memref<64xi32, #tpu.memory_space<vmem>>
      %dma_wait3A_86 = arith.constant 0 : i32
      %dma_wait3A_87 = arith.constant 0 : i32
      %dma_wait3A_88 = tpu.memref_slice %arg2[%dma_wait3A_86, %dma_wait3A_87] : memref<2048x256xi32, #tpu.memory_space<hbm>> -> memref<2048x256xi32, #tpu.memory_space<hbm>>
      tpu.wait_indirect_dma semaphore(%arg13 : memref<!tpu.dma_semaphore, #tpu.memory_space<semaphore_mem>>) src(%dma_wait3A_88 : memref<2048x256xi32, #tpu.memory_space<hbm>>) dst(%arg9 : memref<64x256xi32, #tpu.memory_space<vmem>>)
      %dma_wait3A_89 = arith.constant 0 : i32
      %dma_wait3A_90 = tpu.memref_slice %arg7[%add3A_82, %dma_wait3A_89] : memref<17x64xi32, #tpu.memory_space<vmem>> -> memref<1x64xi32, #tpu.memory_space<vmem>>
      %dma_wait3A_91 = tpu.memref_squeeze %dma_wait3A_90 : memref<1x64xi32, #tpu.memory_space<vmem>> -> memref<64xi32, #tpu.memory_space<vmem>>
      %dma_wait3A_92 = arith.constant 0 : i32
      %dma_wait3A_93 = arith.constant 0 : i32
      %dma_wait3A_94 = tpu.memref_slice %arg3[%dma_wait3A_92, %dma_wait3A_93] : memref<2048x128xf32, #tpu.memory_space<hbm>> -> memref<2048x128xf32, #tpu.memory_space<hbm>>
      tpu.wait_indirect_dma semaphore(%arg15 : memref<!tpu.dma_semaphore, #tpu.memory_space<semaphore_mem>>) src(%dma_wait3A_94 : memref<2048x128xf32, #tpu.memory_space<hbm>>) dst(%arg11 : memref<64x128xf32, #tpu.memory_space<vmem>>)
      %mul3A_95 = arith.constant 64 : i32
      %mul3A_96 = arith.muli %add3A_82, %mul3A_95 : i32
      %add3A_97 = arith.addi %mul3A_2, %mul3A_96 : i32
      "tpu.region"() ({
        %run_scoped3A = tpu.sem_alloc : memref<!tpu.dma_semaphore, #tpu.memory_space<semaphore_mem>>
        %dma_start3A_108 = arith.constant 0 : i32
        %dma_start3A_109 = tpu.memref_slice %arg5[%add3A_97, %dma_start3A_108] : memref<34816x256xi32, #tpu.memory_space<hbm>> -> memref<64x256xi32, #tpu.memory_space<hbm>>
        %dma_start3A_110 = arith.constant 0 : i32
        %dma_start3A_111 = tpu.memref_slice %arg5[%add3A_97, %dma_start3A_110] : memref<34816x256xi32, #tpu.memory_space<hbm>> -> memref<64x256xi32, #tpu.memory_space<hbm>>
        tpu.enqueue_dma source(%arg9 : memref<64x256xi32, #tpu.memory_space<vmem>>) target(%dma_start3A_111 : memref<64x256xi32, #tpu.memory_space<hbm>>) target_semaphore(%run_scoped3A : memref<!tpu.dma_semaphore, #tpu.memory_space<semaphore_mem>>)
        %dma_wait3A_112 = arith.constant 0 : i32
        %dma_wait3A_113 = tpu.memref_slice %arg5[%add3A_97, %dma_wait3A_112] : memref<34816x256xi32, #tpu.memory_space<hbm>> -> memref<64x256xi32, #tpu.memory_space<hbm>>
        %dma_wait3A_114 = arith.constant 0 : i32
        %dma_wait3A_115 = tpu.memref_slice %arg5[%add3A_97, %dma_wait3A_114] : memref<34816x256xi32, #tpu.memory_space<hbm>> -> memref<64x256xi32, #tpu.memory_space<hbm>>
        tpu.wait_dma2 semaphore(%run_scoped3A : memref<!tpu.dma_semaphore, #tpu.memory_space<semaphore_mem>>) src(%arg9 : memref<64x256xi32, #tpu.memory_space<vmem>>) dst(%dma_wait3A_115 : memref<64x256xi32, #tpu.memory_space<hbm>>)
        tpu.yield
      }) : () -> ()
      %mul3A_98 = arith.constant 64 : i32
      %mul3A_99 = arith.muli %add3A_82, %mul3A_98 : i32
      %add3A_100 = arith.addi %mul3A_2, %mul3A_99 : i32
      "tpu.region"() ({
        %run_scoped3A = tpu.sem_alloc : memref<!tpu.dma_semaphore, #tpu.memory_space<semaphore_mem>>
        %dma_start3A_108 = arith.constant 0 : i32
        %dma_start3A_109 = tpu.memref_slice %arg6[%add3A_100, %dma_start3A_108] : memref<34816x128xf32, #tpu.memory_space<hbm>> -> memref<64x128xf32, #tpu.memory_space<hbm>>
        %dma_start3A_110 = arith.constant 0 : i32
        %dma_start3A_111 = tpu.memref_slice %arg6[%add3A_100, %dma_start3A_110] : memref<34816x128xf32, #tpu.memory_space<hbm>> -> memref<64x128xf32, #tpu.memory_space<hbm>>
        tpu.enqueue_dma source(%arg11 : memref<64x128xf32, #tpu.memory_space<vmem>>) target(%dma_start3A_111 : memref<64x128xf32, #tpu.memory_space<hbm>>) target_semaphore(%run_scoped3A : memref<!tpu.dma_semaphore, #tpu.memory_space<semaphore_mem>>)
        %dma_wait3A_112 = arith.constant 0 : i32
        %dma_wait3A_113 = tpu.memref_slice %arg6[%add3A_100, %dma_wait3A_112] : memref<34816x128xf32, #tpu.memory_space<hbm>> -> memref<64x128xf32, #tpu.memory_space<hbm>>
        %dma_wait3A_114 = arith.constant 0 : i32
        %dma_wait3A_115 = tpu.memref_slice %arg6[%add3A_100, %dma_wait3A_114] : memref<34816x128xf32, #tpu.memory_space<hbm>> -> memref<64x128xf32, #tpu.memory_space<hbm>>
        tpu.wait_dma2 semaphore(%run_scoped3A : memref<!tpu.dma_semaphore, #tpu.memory_space<semaphore_mem>>) src(%arg11 : memref<64x128xf32, #tpu.memory_space<vmem>>) dst(%dma_wait3A_115 : memref<64x128xf32, #tpu.memory_space<hbm>>)
        tpu.yield
      }) : () -> ()
      %add3A_101 = arith.constant 2 : i32
      %add3A_102 = arith.addi %add3A_82, %add3A_101 : i32
      %lt3A_103 = arith.constant 17 : i32
      %lt3A_104 = arith.cmpi slt, %add3A_102, %lt3A_103 : i32
      %convert_element_type3A_105 = arith.extui %lt3A_104 : i1 to i32
      %cond3A_106 = arith.constant 0 : i32
      %cond3A_107 = arith.cmpi ne, %convert_element_type3A_105, %cond3A_106 : i32
      scf.if %cond3A_107 {
        %add3A_108 = arith.constant 2 : i32
        %add3A_109 = arith.addi %add3A_82, %add3A_108 : i32
        %dma_start3A_110 = arith.constant 0 : i32
        %dma_start3A_111 = tpu.memref_slice %arg7[%add3A_109, %dma_start3A_110] : memref<17x64xi32, #tpu.memory_space<vmem>> -> memref<1x64xi32, #tpu.memory_space<vmem>>
        %dma_start3A_112 = tpu.memref_squeeze %dma_start3A_111 : memref<1x64xi32, #tpu.memory_space<vmem>> -> memref<64xi32, #tpu.memory_space<vmem>>
        %dma_start3A_113 = arith.constant 0 : i32
        %dma_start3A_114 = arith.constant 0 : i32
        %dma_start3A_115 = tpu.memref_slice %arg2[%dma_start3A_113, %dma_start3A_114] : memref<2048x256xi32, #tpu.memory_space<hbm>> -> memref<2048x256xi32, #tpu.memory_space<hbm>>
        tpu.enqueue_indirect_dma source(%dma_start3A_115 : memref<2048x256xi32, #tpu.memory_space<hbm>>) target(%arg9 : memref<64x256xi32, #tpu.memory_space<vmem>>) offsets(%dma_start3A_112 : memref<64xi32, #tpu.memory_space<vmem>>) semaphore(%arg13 : memref<!tpu.dma_semaphore, #tpu.memory_space<semaphore_mem>>)
        %dma_start3A_116 = arith.constant 0 : i32
        %dma_start3A_117 = tpu.memref_slice %arg7[%add3A_109, %dma_start3A_116] : memref<17x64xi32, #tpu.memory_space<vmem>> -> memref<1x64xi32, #tpu.memory_space<vmem>>
        %dma_start3A_118 = tpu.memref_squeeze %dma_start3A_117 : memref<1x64xi32, #tpu.memory_space<vmem>> -> memref<64xi32, #tpu.memory_space<vmem>>
        %dma_start3A_119 = arith.constant 0 : i32
        %dma_start3A_120 = arith.constant 0 : i32
        %dma_start3A_121 = tpu.memref_slice %arg3[%dma_start3A_119, %dma_start3A_120] : memref<2048x128xf32, #tpu.memory_space<hbm>> -> memref<2048x128xf32, #tpu.memory_space<hbm>>
        tpu.enqueue_indirect_dma source(%dma_start3A_121 : memref<2048x128xf32, #tpu.memory_space<hbm>>) target(%arg11 : memref<64x128xf32, #tpu.memory_space<vmem>>) offsets(%dma_start3A_118 : memref<64xi32, #tpu.memory_space<vmem>>) semaphore(%arg15 : memref<!tpu.dma_semaphore, #tpu.memory_space<semaphore_mem>>)
      } else {
      }
    }
    %scan3A_34 = arith.constant 8 : i32
    %dma_wait3A = arith.constant 16 : i32
    %dma_wait3A_35 = arith.constant 0 : i32
    %dma_wait3A_36 = tpu.memref_slice %arg7[%dma_wait3A, %dma_wait3A_35] : memref<17x64xi32, #tpu.memory_space<vmem>> -> memref<1x64xi32, #tpu.memory_space<vmem>>
    %dma_wait3A_37 = tpu.memref_squeeze %dma_wait3A_36 : memref<1x64xi32, #tpu.memory_space<vmem>> -> memref<64xi32, #tpu.memory_space<vmem>>
    %dma_wait3A_38 = arith.constant 0 : i32
    %dma_wait3A_39 = arith.constant 0 : i32
    %dma_wait3A_40 = tpu.memref_slice %arg2[%dma_wait3A_38, %dma_wait3A_39] : memref<2048x256xi32, #tpu.memory_space<hbm>> -> memref<2048x256xi32, #tpu.memory_space<hbm>>
    tpu.wait_indirect_dma semaphore(%arg12 : memref<!tpu.dma_semaphore, #tpu.memory_space<semaphore_mem>>) src(%dma_wait3A_40 : memref<2048x256xi32, #tpu.memory_space<hbm>>) dst(%arg8 : memref<64x256xi32, #tpu.memory_space<vmem>>)
    %dma_wait3A_41 = arith.constant 16 : i32
    %dma_wait3A_42 = arith.constant 0 : i32
    %dma_wait3A_43 = tpu.memref_slice %arg7[%dma_wait3A_41, %dma_wait3A_42] : memref<17x64xi32, #tpu.memory_space<vmem>> -> memref<1x64xi32, #tpu.memory_space<vmem>>
    %dma_wait3A_44 = tpu.memref_squeeze %dma_wait3A_43 : memref<1x64xi32, #tpu.memory_space<vmem>> -> memref<64xi32, #tpu.memory_space<vmem>>
    %dma_wait3A_45 = arith.constant 0 : i32
    %dma_wait3A_46 = arith.constant 0 : i32
    %dma_wait3A_47 = tpu.memref_slice %arg3[%dma_wait3A_45, %dma_wait3A_46] : memref<2048x128xf32, #tpu.memory_space<hbm>> -> memref<2048x128xf32, #tpu.memory_space<hbm>>
    tpu.wait_indirect_dma semaphore(%arg14 : memref<!tpu.dma_semaphore, #tpu.memory_space<semaphore_mem>>) src(%dma_wait3A_47 : memref<2048x128xf32, #tpu.memory_space<hbm>>) dst(%arg10 : memref<64x128xf32, #tpu.memory_space<vmem>>)
    %add3A_48 = arith.constant 1024 : i32
    %add3A_49 = arith.addi %mul3A_2, %add3A_48 : i32
    "tpu.region"() ({
      %run_scoped3A = tpu.sem_alloc : memref<!tpu.dma_semaphore, #tpu.memory_space<semaphore_mem>>
      %dma_start3A_52 = arith.constant 0 : i32
      %dma_start3A_53 = tpu.memref_slice %arg5[%add3A_49, %dma_start3A_52] : memref<34816x256xi32, #tpu.memory_space<hbm>> -> memref<64x256xi32, #tpu.memory_space<hbm>>
      %dma_start3A_54 = arith.constant 0 : i32
      %dma_start3A_55 = tpu.memref_slice %arg5[%add3A_49, %dma_start3A_54] : memref<34816x256xi32, #tpu.memory_space<hbm>> -> memref<64x256xi32, #tpu.memory_space<hbm>>
      tpu.enqueue_dma source(%arg8 : memref<64x256xi32, #tpu.memory_space<vmem>>) target(%dma_start3A_55 : memref<64x256xi32, #tpu.memory_space<hbm>>) target_semaphore(%run_scoped3A : memref<!tpu.dma_semaphore, #tpu.memory_space<semaphore_mem>>)
      %dma_wait3A_56 = arith.constant 0 : i32
      %dma_wait3A_57 = tpu.memref_slice %arg5[%add3A_49, %dma_wait3A_56] : memref<34816x256xi32, #tpu.memory_space<hbm>> -> memref<64x256xi32, #tpu.memory_space<hbm>>
      %dma_wait3A_58 = arith.constant 0 : i32
      %dma_wait3A_59 = tpu.memref_slice %arg5[%add3A_49, %dma_wait3A_58] : memref<34816x256xi32, #tpu.memory_space<hbm>> -> memref<64x256xi32, #tpu.memory_space<hbm>>
      tpu.wait_dma2 semaphore(%run_scoped3A : memref<!tpu.dma_semaphore, #tpu.memory_space<semaphore_mem>>) src(%arg8 : memref<64x256xi32, #tpu.memory_space<vmem>>) dst(%dma_wait3A_59 : memref<64x256xi32, #tpu.memory_space<hbm>>)
      tpu.yield
    }) : () -> ()
    %add3A_50 = arith.constant 1024 : i32
    %add3A_51 = arith.addi %mul3A_2, %add3A_50 : i32
    "tpu.region"() ({
      %run_scoped3A = tpu.sem_alloc : memref<!tpu.dma_semaphore, #tpu.memory_space<semaphore_mem>>
      %dma_start3A_52 = arith.constant 0 : i32
      %dma_start3A_53 = tpu.memref_slice %arg6[%add3A_51, %dma_start3A_52] : memref<34816x128xf32, #tpu.memory_space<hbm>> -> memref<64x128xf32, #tpu.memory_space<hbm>>
      %dma_start3A_54 = arith.constant 0 : i32
      %dma_start3A_55 = tpu.memref_slice %arg6[%add3A_51, %dma_start3A_54] : memref<34816x128xf32, #tpu.memory_space<hbm>> -> memref<64x128xf32, #tpu.memory_space<hbm>>
      tpu.enqueue_dma source(%arg10 : memref<64x128xf32, #tpu.memory_space<vmem>>) target(%dma_start3A_55 : memref<64x128xf32, #tpu.memory_space<hbm>>) target_semaphore(%run_scoped3A : memref<!tpu.dma_semaphore, #tpu.memory_space<semaphore_mem>>)
      %dma_wait3A_56 = arith.constant 0 : i32
      %dma_wait3A_57 = tpu.memref_slice %arg6[%add3A_51, %dma_wait3A_56] : memref<34816x128xf32, #tpu.memory_space<hbm>> -> memref<64x128xf32, #tpu.memory_space<hbm>>
      %dma_wait3A_58 = arith.constant 0 : i32
      %dma_wait3A_59 = tpu.memref_slice %arg6[%add3A_51, %dma_wait3A_58] : memref<34816x128xf32, #tpu.memory_space<hbm>> -> memref<64x128xf32, #tpu.memory_space<hbm>>
      tpu.wait_dma2 semaphore(%run_scoped3A : memref<!tpu.dma_semaphore, #tpu.memory_space<semaphore_mem>>) src(%arg10 : memref<64x128xf32, #tpu.memory_space<vmem>>) dst(%dma_wait3A_59 : memref<64x128xf32, #tpu.memory_space<hbm>>)
      tpu.yield
    }) : () -> ()
    return
  }
}

#map = affine_map<(d0, d1) -> (0, 0)>
#map1 = affine_map<(d0, d1) -> (0, 0, 0)>
module attributes {stable_mosaic.version = 14 : i64} {
  func.func @gk(%arg0: i32, %arg1: i32, %arg2: memref<2048x256xi32, #tpu.memory_space<hbm>>, %arg3: memref<2048x128xf32, #tpu.memory_space<hbm>>, %arg4: memref<32x17x64xi32, #tpu.memory_space<hbm>>, %arg5: memref<34816x256xi32, #tpu.memory_space<hbm>>, %arg6: memref<34816x128xf32, #tpu.memory_space<hbm>>, %arg7: memref<17x64xi32, #tpu.memory_space<vmem>>, %arg8: memref<64x256xi32, #tpu.memory_space<vmem>>, %arg9: memref<64x256xi32, #tpu.memory_space<vmem>>, %arg10: memref<64x128xf32, #tpu.memory_space<vmem>>, %arg11: memref<64x128xf32, #tpu.memory_space<vmem>>, %arg12: memref<!tpu.dma_semaphore, #tpu.memory_space<semaphore_mem>>, %arg13: memref<!tpu.dma_semaphore, #tpu.memory_space<semaphore_mem>>, %arg14: memref<!tpu.dma_semaphore, #tpu.memory_space<semaphore_mem>>, %arg15: memref<!tpu.dma_semaphore, #tpu.memory_space<semaphore_mem>>) attributes {dimension_semantics = [#tpu.dimension_semantics<core_parallel>, #tpu.dimension_semantics<subcore_parallel>], iteration_bounds = array<i64: 2, 16>, scalar_prefetch = 0 : i64, scratch_operands = 9 : i64, tpu.core_type = #tpu.core_type<sc_vector_subcore>, window_params = [{transform_indices = #map}, {transform_indices = #map}, {transform_indices = #map1}, {transform_indices = #map}, {transform_indices = #map}]} {
    %mul3A = arith.constant 2 : i32
    %mul3A_0 = arith.muli %arg1, %mul3A : i32
    %add3A = arith.addi %mul3A_0, %arg0 : i32
    %mul3A_1 = arith.constant 1088 : i32
    %mul3A_2 = arith.muli %add3A, %mul3A_1 : i32
    "tpu.region"() ({
      %run_scoped3A = tpu.sem_alloc : memref<!tpu.dma_semaphore, #tpu.memory_space<semaphore_mem>>
      %dma_start3A_52 = arith.constant 0 : i32
      %dma_start3A_53 = arith.constant 0 : i32
      %dma_start3A_54 = tpu.memref_slice %arg4[%add3A, %dma_start3A_52, %dma_start3A_53] : memref<32x17x64xi32, #tpu.memory_space<hbm>> -> memref<1x17x64xi32, #tpu.memory_space<hbm>>
      %dma_start3A_55 = tpu.memref_squeeze %dma_start3A_54 : memref<1x17x64xi32, #tpu.memory_space<hbm>> -> memref<17x64xi32, #tpu.memory_space<hbm>>
      %dma_start3A_56 = arith.constant 0 : i32
      %dma_start3A_57 = arith.constant 0 : i32
      %dma_start3A_58 = tpu.memref_slice %arg4[%add3A, %dma_start3A_56, %dma_start3A_57] : memref<32x17x64xi32, #tpu.memory_space<hbm>> -> memref<1x17x64xi32, #tpu.memory_space<hbm>>
      %dma_start3A_59 = tpu.memref_squeeze %dma_start3A_58 : memref<1x17x64xi32, #tpu.memory_space<hbm>> -> memref<17x64xi32, #tpu.memory_space<hbm>>
      tpu.enqueue_dma source(%dma_start3A_59 : memref<17x64xi32, #tpu.memory_space<hbm>>) target(%arg7 : memref<17x64xi32, #tpu.memory_space<vmem>>) target_semaphore(%run_scoped3A : memref<!tpu.dma_semaphore, #tpu.memory_space<semaphore_mem>>)
      %dma_wait3A_60 = arith.constant 0 : i32
      %dma_wait3A_61 = arith.constant 0 : i32
      %dma_wait3A_62 = tpu.memref_slice %arg4[%add3A, %dma_wait3A_60, %dma_wait3A_61] : memref<32x17x64xi32, #tpu.memory_space<hbm>> -> memref<1x17x64xi32, #tpu.memory_space<hbm>>
      %dma_wait3A_63 = tpu.memref_squeeze %dma_wait3A_62 : memref<1x17x64xi32, #tpu.memory_space<hbm>> -> memref<17x64xi32, #tpu.memory_space<hbm>>
      %dma_wait3A_64 = arith.constant 0 : i32
      %dma_wait3A_65 = arith.constant 0 : i32
      %dma_wait3A_66 = tpu.memref_slice %arg4[%add3A, %dma_wait3A_64, %dma_wait3A_65] : memref<32x17x64xi32, #tpu.memory_space<hbm>> -> memref<1x17x64xi32, #tpu.memory_space<hbm>>
      %dma_wait3A_67 = tpu.memref_squeeze %dma_wait3A_66 : memref<1x17x64xi32, #tpu.memory_space<hbm>> -> memref<17x64xi32, #tpu.memory_space<hbm>>
      tpu.wait_dma2 semaphore(%run_scoped3A : memref<!tpu.dma_semaphore, #tpu.memory_space<semaphore_mem>>) src(%dma_wait3A_67 : memref<17x64xi32, #tpu.memory_space<hbm>>) dst(%arg7 : memref<17x64xi32, #tpu.memory_space<vmem>>)
      tpu.yield
    }) : () -> ()
    %dma_start3A = arith.constant 0 : i32
    %dma_start3A_3 = arith.constant 0 : i32
    %dma_start3A_4 = tpu.memref_slice %arg7[%dma_start3A, %dma_start3A_3] : memref<17x64xi32, #tpu.memory_space<vmem>> -> memref<1x64xi32, #tpu.memory_space<vmem>>
    %dma_start3A_5 = tpu.memref_squeeze %dma_start3A_4 : memref<1x64xi32, #tpu.memory_space<vmem>> -> memref<64xi32, #tpu.memory_space<vmem>>
    %dma_start3A_6 = arith.constant 0 : i32
    %dma_start3A_7 = arith.constant 0 : i32
    %dma_start3A_8 = tpu.memref_slice %arg2[%dma_start3A_6, %dma_start3A_7] : memref<2048x256xi32, #tpu.memory_space<hbm>> -> memref<2048x256xi32, #tpu.memory_space<hbm>>
    tpu.enqueue_indirect_dma source(%dma_start3A_8 : memref<2048x256xi32, #tpu.memory_space<hbm>>) target(%arg8 : memref<64x256xi32, #tpu.memory_space<vmem>>) offsets(%dma_start3A_5 : memref<64xi32, #tpu.memory_space<vmem>>) semaphore(%arg12 : memref<!tpu.dma_semaphore, #tpu.memory_space<semaphore_mem>>)
    %dma_start3A_9 = arith.constant 0 : i32
    %dma_start3A_10 = arith.constant 0 : i32
    %dma_start3A_11 = tpu.memref_slice %arg7[%dma_start3A_9, %dma_start3A_10] : memref<17x64xi32, #tpu.memory_space<vmem>> -> memref<1x64xi32, #tpu.memory_space<vmem>>
    %dma_start3A_12 = tpu.memref_squeeze %dma_start3A_11 : memref<1x64xi32, #tpu.memory_space<vmem>> -> memref<64xi32, #tpu.memory_space<vmem>>
    %dma_start3A_13 = arith.constant 0 : i32
    %dma_start3A_14 = arith.constant 0 : i32
    %dma_start3A_15 = tpu.memref_slice %arg3[%dma_start3A_13, %dma_start3A_14] : memref<2048x128xf32, #tpu.memory_space<hbm>> -> memref<2048x128xf32, #tpu.memory_space<hbm>>
    tpu.enqueue_indirect_dma source(%dma_start3A_15 : memref<2048x128xf32, #tpu.memory_space<hbm>>) target(%arg10 : memref<64x128xf32, #tpu.memory_space<vmem>>) offsets(%dma_start3A_12 : memref<64xi32, #tpu.memory_space<vmem>>) semaphore(%arg14 : memref<!tpu.dma_semaphore, #tpu.memory_space<semaphore_mem>>)
    %dma_start3A_16 = arith.constant 1 : i32
    %dma_start3A_17 = arith.constant 0 : i32
    %dma_start3A_18 = tpu.memref_slice %arg7[%dma_start3A_16, %dma_start3A_17] : memref<17x64xi32, #tpu.memory_space<vmem>> -> memref<1x64xi32, #tpu.memory_space<vmem>>
    %dma_start3A_19 = tpu.memref_squeeze %dma_start3A_18 : memref<1x64xi32, #tpu.memory_space<vmem>> -> memref<64xi32, #tpu.memory_space<vmem>>
    %dma_start3A_20 = arith.constant 0 : i32
    %dma_start3A_21 = arith.constant 0 : i32
    %dma_start3A_22 = tpu.memref_slice %arg2[%dma_start3A_20, %dma_start3A_21] : memref<2048x256xi32, #tpu.memory_space<hbm>> -> memref<2048x256xi32, #tpu.memory_space<hbm>>
    tpu.enqueue_indirect_dma source(%dma_start3A_22 : memref<2048x256xi32, #tpu.memory_space<hbm>>) target(%arg9 : memref<64x256xi32, #tpu.memory_space<vmem>>) offsets(%dma_start3A_19 : memref<64xi32, #tpu.memory_space<vmem>>) semaphore(%arg13 : memref<!tpu.dma_semaphore, #tpu.memory_space<semaphore_mem>>)
    %dma_start3A_23 = arith.constant 1 : i32
    %dma_start3A_24 = arith.constant 0 : i32
    %dma_start3A_25 = tpu.memref_slice %arg7[%dma_start3A_23, %dma_start3A_24] : memref<17x64xi32, #tpu.memory_space<vmem>> -> memref<1x64xi32, #tpu.memory_space<vmem>>
    %dma_start3A_26 = tpu.memref_squeeze %dma_start3A_25 : memref<1x64xi32, #tpu.memory_space<vmem>> -> memref<64xi32, #tpu.memory_space<vmem>>
    %dma_start3A_27 = arith.constant 0 : i32
    %dma_start3A_28 = arith.constant 0 : i32
    %dma_start3A_29 = tpu.memref_slice %arg3[%dma_start3A_27, %dma_start3A_28] : memref<2048x128xf32, #tpu.memory_space<hbm>> -> memref<2048x128xf32, #tpu.memory_space<hbm>>
    tpu.enqueue_indirect_dma source(%dma_start3A_29 : memref<2048x128xf32, #tpu.memory_space<hbm>>) target(%arg11 : memref<64x128xf32, #tpu.memory_space<vmem>>) offsets(%dma_start3A_26 : memref<64xi32, #tpu.memory_space<vmem>>) semaphore(%arg15 : memref<!tpu.dma_semaphore, #tpu.memory_space<semaphore_mem>>)
    %scan3A = arith.constant 0 : i32
    %scan3A_30 = arith.constant 0 : i32
    %scan3A_31 = arith.constant 8 : i32
    %scan3A_32 = arith.addi %scan3A_30, %scan3A_31 : i32
    %scan3A_33 = arith.constant 1 : i32
    scf.for %scan3A_52 = %scan3A_30 to %scan3A_32 step %scan3A_33  : i32 {
      %mul3A_53 = arith.constant 2 : i32
      %mul3A_54 = arith.muli %mul3A_53, %scan3A_52 : i32
      %add3A_55 = arith.constant 0 : i32
      %add3A_56 = arith.addi %mul3A_54, %add3A_55 : i32
      %dma_wait3A_57 = arith.constant 0 : i32
      %dma_wait3A_58 = tpu.memref_slice %arg7[%add3A_56, %dma_wait3A_57] : memref<17x64xi32, #tpu.memory_space<vmem>> -> memref<1x64xi32, #tpu.memory_space<vmem>>
      %dma_wait3A_59 = tpu.memref_squeeze %dma_wait3A_58 : memref<1x64xi32, #tpu.memory_space<vmem>> -> memref<64xi32, #tpu.memory_space<vmem>>
      %dma_wait3A_60 = arith.constant 0 : i32
      %dma_wait3A_61 = arith.constant 0 : i32
      %dma_wait3A_62 = tpu.memref_slice %arg2[%dma_wait3A_60, %dma_wait3A_61] : memref<2048x256xi32, #tpu.memory_space<hbm>> -> memref<2048x256xi32, #tpu.memory_space<hbm>>
      tpu.wait_indirect_dma semaphore(%arg12 : memref<!tpu.dma_semaphore, #tpu.memory_space<semaphore_mem>>) src(%dma_wait3A_62 : memref<2048x256xi32, #tpu.memory_space<hbm>>) dst(%arg8 : memref<64x256xi32, #tpu.memory_space<vmem>>)
      %dma_wait3A_63 = arith.constant 0 : i32
      %dma_wait3A_64 = tpu.memref_slice %arg7[%add3A_56, %dma_wait3A_63] : memref<17x64xi32, #tpu.memory_space<vmem>> -> memref<1x64xi32, #tpu.memory_space<vmem>>
      %dma_wait3A_65 = tpu.memref_squeeze %dma_wait3A_64 : memref<1x64xi32, #tpu.memory_space<vmem>> -> memref<64xi32, #tpu.memory_space<vmem>>
      %dma_wait3A_66 = arith.constant 0 : i32
      %dma_wait3A_67 = arith.constant 0 : i32
      %dma_wait3A_68 = tpu.memref_slice %arg3[%dma_wait3A_66, %dma_wait3A_67] : memref<2048x128xf32, #tpu.memory_space<hbm>> -> memref<2048x128xf32, #tpu.memory_space<hbm>>
      tpu.wait_indirect_dma semaphore(%arg14 : memref<!tpu.dma_semaphore, #tpu.memory_space<semaphore_mem>>) src(%dma_wait3A_68 : memref<2048x128xf32, #tpu.memory_space<hbm>>) dst(%arg10 : memref<64x128xf32, #tpu.memory_space<vmem>>)
      %mul3A_69 = arith.constant 64 : i32
      %mul3A_70 = arith.muli %add3A_56, %mul3A_69 : i32
      %add3A_71 = arith.addi %mul3A_2, %mul3A_70 : i32
      "tpu.region"() ({
        %run_scoped3A = tpu.sem_alloc : memref<!tpu.dma_semaphore, #tpu.memory_space<semaphore_mem>>
        %dma_start3A_108 = arith.constant 0 : i32
        %dma_start3A_109 = tpu.memref_slice %arg5[%add3A_71, %dma_start3A_108] : memref<34816x256xi32, #tpu.memory_space<hbm>> -> memref<64x256xi32, #tpu.memory_space<hbm>>
        %dma_start3A_110 = arith.constant 0 : i32
        %dma_start3A_111 = tpu.memref_slice %arg5[%add3A_71, %dma_start3A_110] : memref<34816x256xi32, #tpu.memory_space<hbm>> -> memref<64x256xi32, #tpu.memory_space<hbm>>
        tpu.enqueue_dma source(%arg8 : memref<64x256xi32, #tpu.memory_space<vmem>>) target(%dma_start3A_111 : memref<64x256xi32, #tpu.memory_space<hbm>>) target_semaphore(%run_scoped3A : memref<!tpu.dma_semaphore, #tpu.memory_space<semaphore_mem>>)
        %dma_wait3A_112 = arith.constant 0 : i32
        %dma_wait3A_113 = tpu.memref_slice %arg5[%add3A_71, %dma_wait3A_112] : memref<34816x256xi32, #tpu.memory_space<hbm>> -> memref<64x256xi32, #tpu.memory_space<hbm>>
        %dma_wait3A_114 = arith.constant 0 : i32
        %dma_wait3A_115 = tpu.memref_slice %arg5[%add3A_71, %dma_wait3A_114] : memref<34816x256xi32, #tpu.memory_space<hbm>> -> memref<64x256xi32, #tpu.memory_space<hbm>>
        tpu.wait_dma2 semaphore(%run_scoped3A : memref<!tpu.dma_semaphore, #tpu.memory_space<semaphore_mem>>) src(%arg8 : memref<64x256xi32, #tpu.memory_space<vmem>>) dst(%dma_wait3A_115 : memref<64x256xi32, #tpu.memory_space<hbm>>)
        tpu.yield
      }) : () -> ()
      %mul3A_72 = arith.constant 64 : i32
      %mul3A_73 = arith.muli %add3A_56, %mul3A_72 : i32
      %add3A_74 = arith.addi %mul3A_2, %mul3A_73 : i32
      "tpu.region"() ({
        %run_scoped3A = tpu.sem_alloc : memref<!tpu.dma_semaphore, #tpu.memory_space<semaphore_mem>>
        %dma_start3A_108 = arith.constant 0 : i32
        %dma_start3A_109 = tpu.memref_slice %arg6[%add3A_74, %dma_start3A_108] : memref<34816x128xf32, #tpu.memory_space<hbm>> -> memref<64x128xf32, #tpu.memory_space<hbm>>
        %dma_start3A_110 = arith.constant 0 : i32
        %dma_start3A_111 = tpu.memref_slice %arg6[%add3A_74, %dma_start3A_110] : memref<34816x128xf32, #tpu.memory_space<hbm>> -> memref<64x128xf32, #tpu.memory_space<hbm>>
        tpu.enqueue_dma source(%arg10 : memref<64x128xf32, #tpu.memory_space<vmem>>) target(%dma_start3A_111 : memref<64x128xf32, #tpu.memory_space<hbm>>) target_semaphore(%run_scoped3A : memref<!tpu.dma_semaphore, #tpu.memory_space<semaphore_mem>>)
        %dma_wait3A_112 = arith.constant 0 : i32
        %dma_wait3A_113 = tpu.memref_slice %arg6[%add3A_74, %dma_wait3A_112] : memref<34816x128xf32, #tpu.memory_space<hbm>> -> memref<64x128xf32, #tpu.memory_space<hbm>>
        %dma_wait3A_114 = arith.constant 0 : i32
        %dma_wait3A_115 = tpu.memref_slice %arg6[%add3A_74, %dma_wait3A_114] : memref<34816x128xf32, #tpu.memory_space<hbm>> -> memref<64x128xf32, #tpu.memory_space<hbm>>
        tpu.wait_dma2 semaphore(%run_scoped3A : memref<!tpu.dma_semaphore, #tpu.memory_space<semaphore_mem>>) src(%arg10 : memref<64x128xf32, #tpu.memory_space<vmem>>) dst(%dma_wait3A_115 : memref<64x128xf32, #tpu.memory_space<hbm>>)
        tpu.yield
      }) : () -> ()
      %add3A_75 = arith.constant 2 : i32
      %add3A_76 = arith.addi %add3A_56, %add3A_75 : i32
      %lt3A = arith.constant 17 : i32
      %lt3A_77 = arith.cmpi slt, %add3A_76, %lt3A : i32
      %convert_element_type3A = arith.extui %lt3A_77 : i1 to i32
      %cond3A = arith.constant 0 : i32
      %cond3A_78 = arith.cmpi ne, %convert_element_type3A, %cond3A : i32
      scf.if %cond3A_78 {
        %add3A_108 = arith.constant 2 : i32
        %add3A_109 = arith.addi %add3A_56, %add3A_108 : i32
        %dma_start3A_110 = arith.constant 0 : i32
        %dma_start3A_111 = tpu.memref_slice %arg7[%add3A_109, %dma_start3A_110] : memref<17x64xi32, #tpu.memory_space<vmem>> -> memref<1x64xi32, #tpu.memory_space<vmem>>
        %dma_start3A_112 = tpu.memref_squeeze %dma_start3A_111 : memref<1x64xi32, #tpu.memory_space<vmem>> -> memref<64xi32, #tpu.memory_space<vmem>>
        %dma_start3A_113 = arith.constant 0 : i32
        %dma_start3A_114 = arith.constant 0 : i32
        %dma_start3A_115 = tpu.memref_slice %arg2[%dma_start3A_113, %dma_start3A_114] : memref<2048x256xi32, #tpu.memory_space<hbm>> -> memref<2048x256xi32, #tpu.memory_space<hbm>>
        tpu.enqueue_indirect_dma source(%dma_start3A_115 : memref<2048x256xi32, #tpu.memory_space<hbm>>) target(%arg8 : memref<64x256xi32, #tpu.memory_space<vmem>>) offsets(%dma_start3A_112 : memref<64xi32, #tpu.memory_space<vmem>>) semaphore(%arg12 : memref<!tpu.dma_semaphore, #tpu.memory_space<semaphore_mem>>)
        %dma_start3A_116 = arith.constant 0 : i32
        %dma_start3A_117 = tpu.memref_slice %arg7[%add3A_109, %dma_start3A_116] : memref<17x64xi32, #tpu.memory_space<vmem>> -> memref<1x64xi32, #tpu.memory_space<vmem>>
        %dma_start3A_118 = tpu.memref_squeeze %dma_start3A_117 : memref<1x64xi32, #tpu.memory_space<vmem>> -> memref<64xi32, #tpu.memory_space<vmem>>
        %dma_start3A_119 = arith.constant 0 : i32
        %dma_start3A_120 = arith.constant 0 : i32
        %dma_start3A_121 = tpu.memref_slice %arg3[%dma_start3A_119, %dma_start3A_120] : memref<2048x128xf32, #tpu.memory_space<hbm>> -> memref<2048x128xf32, #tpu.memory_space<hbm>>
        tpu.enqueue_indirect_dma source(%dma_start3A_121 : memref<2048x128xf32, #tpu.memory_space<hbm>>) target(%arg10 : memref<64x128xf32, #tpu.memory_space<vmem>>) offsets(%dma_start3A_118 : memref<64xi32, #tpu.memory_space<vmem>>) semaphore(%arg14 : memref<!tpu.dma_semaphore, #tpu.memory_space<semaphore_mem>>)
      } else {
      }
      %mul3A_79 = arith.constant 2 : i32
      %mul3A_80 = arith.muli %mul3A_79, %scan3A_52 : i32
      %add3A_81 = arith.constant 1 : i32
      %add3A_82 = arith.addi %mul3A_80, %add3A_81 : i32
      %dma_wait3A_83 = arith.constant 0 : i32
      %dma_wait3A_84 = tpu.memref_slice %arg7[%add3A_82, %dma_wait3A_83] : memref<17x64xi32, #tpu.memory_space<vmem>> -> memref<1x64xi32, #tpu.memory_space<vmem>>
      %dma_wait3A_85 = tpu.memref_squeeze %dma_wait3A_84 : memref<1x64xi32, #tpu.memory_space<vmem>> -> memref<64xi32, #tpu.memory_space<vmem>>
      %dma_wait3A_86 = arith.constant 0 : i32
      %dma_wait3A_87 = arith.constant 0 : i32
      %dma_wait3A_88 = tpu.memref_slice %arg2[%dma_wait3A_86, %dma_wait3A_87] : memref<2048x256xi32, #tpu.memory_space<hbm>> -> memref<2048x256xi32, #tpu.memory_space<hbm>>
      tpu.wait_indirect_dma semaphore(%arg13 : memref<!tpu.dma_semaphore, #tpu.memory_space<semaphore_mem>>) src(%dma_wait3A_88 : memref<2048x256xi32, #tpu.memory_space<hbm>>) dst(%arg9 : memref<64x256xi32, #tpu.memory_space<vmem>>)
      %dma_wait3A_89 = arith.constant 0 : i32
      %dma_wait3A_90 = tpu.memref_slice %arg7[%add3A_82, %dma_wait3A_89] : memref<17x64xi32, #tpu.memory_space<vmem>> -> memref<1x64xi32, #tpu.memory_space<vmem>>
      %dma_wait3A_91 = tpu.memref_squeeze %dma_wait3A_90 : memref<1x64xi32, #tpu.memory_space<vmem>> -> memref<64xi32, #tpu.memory_space<vmem>>
      %dma_wait3A_92 = arith.constant 0 : i32
      %dma_wait3A_93 = arith.constant 0 : i32
      %dma_wait3A_94 = tpu.memref_slice %arg3[%dma_wait3A_92, %dma_wait3A_93] : memref<2048x128xf32, #tpu.memory_space<hbm>> -> memref<2048x128xf32, #tpu.memory_space<hbm>>
      tpu.wait_indirect_dma semaphore(%arg15 : memref<!tpu.dma_semaphore, #tpu.memory_space<semaphore_mem>>) src(%dma_wait3A_94 : memref<2048x128xf32, #tpu.memory_space<hbm>>) dst(%arg11 : memref<64x128xf32, #tpu.memory_space<vmem>>)
      %mul3A_95 = arith.constant 64 : i32
      %mul3A_96 = arith.muli %add3A_82, %mul3A_95 : i32
      %add3A_97 = arith.addi %mul3A_2, %mul3A_96 : i32
      "tpu.region"() ({
        %run_scoped3A = tpu.sem_alloc : memref<!tpu.dma_semaphore, #tpu.memory_space<semaphore_mem>>
        %dma_start3A_108 = arith.constant 0 : i32
        %dma_start3A_109 = tpu.memref_slice %arg5[%add3A_97, %dma_start3A_108] : memref<34816x256xi32, #tpu.memory_space<hbm>> -> memref<64x256xi32, #tpu.memory_space<hbm>>
        %dma_start3A_110 = arith.constant 0 : i32
        %dma_start3A_111 = tpu.memref_slice %arg5[%add3A_97, %dma_start3A_110] : memref<34816x256xi32, #tpu.memory_space<hbm>> -> memref<64x256xi32, #tpu.memory_space<hbm>>
        tpu.enqueue_dma source(%arg9 : memref<64x256xi32, #tpu.memory_space<vmem>>) target(%dma_start3A_111 : memref<64x256xi32, #tpu.memory_space<hbm>>) target_semaphore(%run_scoped3A : memref<!tpu.dma_semaphore, #tpu.memory_space<semaphore_mem>>)
        %dma_wait3A_112 = arith.constant 0 : i32
        %dma_wait3A_113 = tpu.memref_slice %arg5[%add3A_97, %dma_wait3A_112] : memref<34816x256xi32, #tpu.memory_space<hbm>> -> memref<64x256xi32, #tpu.memory_space<hbm>>
        %dma_wait3A_114 = arith.constant 0 : i32
        %dma_wait3A_115 = tpu.memref_slice %arg5[%add3A_97, %dma_wait3A_114] : memref<34816x256xi32, #tpu.memory_space<hbm>> -> memref<64x256xi32, #tpu.memory_space<hbm>>
        tpu.wait_dma2 semaphore(%run_scoped3A : memref<!tpu.dma_semaphore, #tpu.memory_space<semaphore_mem>>) src(%arg9 : memref<64x256xi32, #tpu.memory_space<vmem>>) dst(%dma_wait3A_115 : memref<64x256xi32, #tpu.memory_space<hbm>>)
        tpu.yield
      }) : () -> ()
      %mul3A_98 = arith.constant 64 : i32
      %mul3A_99 = arith.muli %add3A_82, %mul3A_98 : i32
      %add3A_100 = arith.addi %mul3A_2, %mul3A_99 : i32
      "tpu.region"() ({
        %run_scoped3A = tpu.sem_alloc : memref<!tpu.dma_semaphore, #tpu.memory_space<semaphore_mem>>
        %dma_start3A_108 = arith.constant 0 : i32
        %dma_start3A_109 = tpu.memref_slice %arg6[%add3A_100, %dma_start3A_108] : memref<34816x128xf32, #tpu.memory_space<hbm>> -> memref<64x128xf32, #tpu.memory_space<hbm>>
        %dma_start3A_110 = arith.constant 0 : i32
        %dma_start3A_111 = tpu.memref_slice %arg6[%add3A_100, %dma_start3A_110] : memref<34816x128xf32, #tpu.memory_space<hbm>> -> memref<64x128xf32, #tpu.memory_space<hbm>>
        tpu.enqueue_dma source(%arg11 : memref<64x128xf32, #tpu.memory_space<vmem>>) target(%dma_start3A_111 : memref<64x128xf32, #tpu.memory_space<hbm>>) target_semaphore(%run_scoped3A : memref<!tpu.dma_semaphore, #tpu.memory_space<semaphore_mem>>)
        %dma_wait3A_112 = arith.constant 0 : i32
        %dma_wait3A_113 = tpu.memref_slice %arg6[%add3A_100, %dma_wait3A_112] : memref<34816x128xf32, #tpu.memory_space<hbm>> -> memref<64x128xf32, #tpu.memory_space<hbm>>
        %dma_wait3A_114 = arith.constant 0 : i32
        %dma_wait3A_115 = tpu.memref_slice %arg6[%add3A_100, %dma_wait3A_114] : memref<34816x128xf32, #tpu.memory_space<hbm>> -> memref<64x128xf32, #tpu.memory_space<hbm>>
        tpu.wait_dma2 semaphore(%run_scoped3A : memref<!tpu.dma_semaphore, #tpu.memory_space<semaphore_mem>>) src(%arg11 : memref<64x128xf32, #tpu.memory_space<vmem>>) dst(%dma_wait3A_115 : memref<64x128xf32, #tpu.memory_space<hbm>>)
        tpu.yield
      }) : () -> ()
      %add3A_101 = arith.constant 2 : i32
      %add3A_102 = arith.addi %add3A_82, %add3A_101 : i32
      %lt3A_103 = arith.constant 17 : i32
      %lt3A_104 = arith.cmpi slt, %add3A_102, %lt3A_103 : i32
      %convert_element_type3A_105 = arith.extui %lt3A_104 : i1 to i32
      %cond3A_106 = arith.constant 0 : i32
      %cond3A_107 = arith.cmpi ne, %convert_element_type3A_105, %cond3A_106 : i32
      scf.if %cond3A_107 {
        %add3A_108 = arith.constant 2 : i32
        %add3A_109 = arith.addi %add3A_82, %add3A_108 : i32
        %dma_start3A_110 = arith.constant 0 : i32
        %dma_start3A_111 = tpu.memref_slice %arg7[%add3A_109, %dma_start3A_110] : memref<17x64xi32, #tpu.memory_space<vmem>> -> memref<1x64xi32, #tpu.memory_space<vmem>>
        %dma_start3A_112 = tpu.memref_squeeze %dma_start3A_111 : memref<1x64xi32, #tpu.memory_space<vmem>> -> memref<64xi32, #tpu.memory_space<vmem>>
        %dma_start3A_113 = arith.constant 0 : i32
        %dma_start3A_114 = arith.constant 0 : i32
        %dma_start3A_115 = tpu.memref_slice %arg2[%dma_start3A_113, %dma_start3A_114] : memref<2048x256xi32, #tpu.memory_space<hbm>> -> memref<2048x256xi32, #tpu.memory_space<hbm>>
        tpu.enqueue_indirect_dma source(%dma_start3A_115 : memref<2048x256xi32, #tpu.memory_space<hbm>>) target(%arg9 : memref<64x256xi32, #tpu.memory_space<vmem>>) offsets(%dma_start3A_112 : memref<64xi32, #tpu.memory_space<vmem>>) semaphore(%arg13 : memref<!tpu.dma_semaphore, #tpu.memory_space<semaphore_mem>>)
        %dma_start3A_116 = arith.constant 0 : i32
        %dma_start3A_117 = tpu.memref_slice %arg7[%add3A_109, %dma_start3A_116] : memref<17x64xi32, #tpu.memory_space<vmem>> -> memref<1x64xi32, #tpu.memory_space<vmem>>
        %dma_start3A_118 = tpu.memref_squeeze %dma_start3A_117 : memref<1x64xi32, #tpu.memory_space<vmem>> -> memref<64xi32, #tpu.memory_space<vmem>>
        %dma_start3A_119 = arith.constant 0 : i32
        %dma_start3A_120 = arith.constant 0 : i32
        %dma_start3A_121 = tpu.memref_slice %arg3[%dma_start3A_119, %dma_start3A_120] : memref<2048x128xf32, #tpu.memory_space<hbm>> -> memref<2048x128xf32, #tpu.memory_space<hbm>>
        tpu.enqueue_indirect_dma source(%dma_start3A_121 : memref<2048x128xf32, #tpu.memory_space<hbm>>) target(%arg11 : memref<64x128xf32, #tpu.memory_space<vmem>>) offsets(%dma_start3A_118 : memref<64xi32, #tpu.memory_space<vmem>>) semaphore(%arg15 : memref<!tpu.dma_semaphore, #tpu.memory_space<semaphore_mem>>)
      } else {
      }
    }
    %scan3A_34 = arith.constant 8 : i32
    %dma_wait3A = arith.constant 16 : i32
    %dma_wait3A_35 = arith.constant 0 : i32
    %dma_wait3A_36 = tpu.memref_slice %arg7[%dma_wait3A, %dma_wait3A_35] : memref<17x64xi32, #tpu.memory_space<vmem>> -> memref<1x64xi32, #tpu.memory_space<vmem>>
    %dma_wait3A_37 = tpu.memref_squeeze %dma_wait3A_36 : memref<1x64xi32, #tpu.memory_space<vmem>> -> memref<64xi32, #tpu.memory_space<vmem>>
    %dma_wait3A_38 = arith.constant 0 : i32
    %dma_wait3A_39 = arith.constant 0 : i32
    %dma_wait3A_40 = tpu.memref_slice %arg2[%dma_wait3A_38, %dma_wait3A_39] : memref<2048x256xi32, #tpu.memory_space<hbm>> -> memref<2048x256xi32, #tpu.memory_space<hbm>>
    tpu.wait_indirect_dma semaphore(%arg12 : memref<!tpu.dma_semaphore, #tpu.memory_space<semaphore_mem>>) src(%dma_wait3A_40 : memref<2048x256xi32, #tpu.memory_space<hbm>>) dst(%arg8 : memref<64x256xi32, #tpu.memory_space<vmem>>)
    %dma_wait3A_41 = arith.constant 16 : i32
    %dma_wait3A_42 = arith.constant 0 : i32
    %dma_wait3A_43 = tpu.memref_slice %arg7[%dma_wait3A_41, %dma_wait3A_42] : memref<17x64xi32, #tpu.memory_space<vmem>> -> memref<1x64xi32, #tpu.memory_space<vmem>>
    %dma_wait3A_44 = tpu.memref_squeeze %dma_wait3A_43 : memref<1x64xi32, #tpu.memory_space<vmem>> -> memref<64xi32, #tpu.memory_space<vmem>>
    %dma_wait3A_45 = arith.constant 0 : i32
    %dma_wait3A_46 = arith.constant 0 : i32
    %dma_wait3A_47 = tpu.memref_slice %arg3[%dma_wait3A_45, %dma_wait3A_46] : memref<2048x128xf32, #tpu.memory_space<hbm>> -> memref<2048x128xf32, #tpu.memory_space<hbm>>
    tpu.wait_indirect_dma semaphore(%arg14 : memref<!tpu.dma_semaphore, #tpu.memory_space<semaphore_mem>>) src(%dma_wait3A_47 : memref<2048x128xf32, #tpu.memory_space<hbm>>) dst(%arg10 : memref<64x128xf32, #tpu.memory_space<vmem>>)
    %add3A_48 = arith.constant 1024 : i32
    %add3A_49 = arith.addi %mul3A_2, %add3A_48 : i32
    "tpu.region"() ({
      %run_scoped3A = tpu.sem_alloc : memref<!tpu.dma_semaphore, #tpu.memory_space<semaphore_mem>>
      %dma_start3A_52 = arith.constant 0 : i32
      %dma_start3A_53 = tpu.memref_slice %arg5[%add3A_49, %dma_start3A_52] : memref<34816x256xi32, #tpu.memory_space<hbm>> -> memref<64x256xi32, #tpu.memory_space<hbm>>
      %dma_start3A_54 = arith.constant 0 : i32
      %dma_start3A_55 = tpu.memref_slice %arg5[%add3A_49, %dma_start3A_54] : memref<34816x256xi32, #tpu.memory_space<hbm>> -> memref<64x256xi32, #tpu.memory_space<hbm>>
      tpu.enqueue_dma source(%arg8 : memref<64x256xi32, #tpu.memory_space<vmem>>) target(%dma_start3A_55 : memref<64x256xi32, #tpu.memory_space<hbm>>) target_semaphore(%run_scoped3A : memref<!tpu.dma_semaphore, #tpu.memory_space<semaphore_mem>>)
      %dma_wait3A_56 = arith.constant 0 : i32
      %dma_wait3A_57 = tpu.memref_slice %arg5[%add3A_49, %dma_wait3A_56] : memref<34816x256xi32, #tpu.memory_space<hbm>> -> memref<64x256xi32, #tpu.memory_space<hbm>>
      %dma_wait3A_58 = arith.constant 0 : i32
      %dma_wait3A_59 = tpu.memref_slice %arg5[%add3A_49, %dma_wait3A_58] : memref<34816x256xi32, #tpu.memory_space<hbm>> -> memref<64x256xi32, #tpu.memory_space<hbm>>
      tpu.wait_dma2 semaphore(%run_scoped3A : memref<!tpu.dma_semaphore, #tpu.memory_space<semaphore_mem>>) src(%arg8 : memref<64x256xi32, #tpu.memory_space<vmem>>) dst(%dma_wait3A_59 : memref<64x256xi32, #tpu.memory_space<hbm>>)
      tpu.yield
    }) : () -> ()
    %add3A_50 = arith.constant 1024 : i32
    %add3A_51 = arith.addi %mul3A_2, %add3A_50 : i32
    "tpu.region"() ({
      %run_scoped3A = tpu.sem_alloc : memref<!tpu.dma_semaphore, #tpu.memory_space<semaphore_mem>>
      %dma_start3A_52 = arith.constant 0 : i32
      %dma_start3A_53 = tpu.memref_slice %arg6[%add3A_51, %dma_start3A_52] : memref<34816x128xf32, #tpu.memory_space<hbm>> -> memref<64x128xf32, #tpu.memory_space<hbm>>
      %dma_start3A_54 = arith.constant 0 : i32
      %dma_start3A_55 = tpu.memref_slice %arg6[%add3A_51, %dma_start3A_54] : memref<34816x128xf32, #tpu.memory_space<hbm>> -> memref<64x128xf32, #tpu.memory_space<hbm>>
      tpu.enqueue_dma source(%arg10 : memref<64x128xf32, #tpu.memory_space<vmem>>) target(%dma_start3A_55 : memref<64x128xf32, #tpu.memory_space<hbm>>) target_semaphore(%run_scoped3A : memref<!tpu.dma_semaphore, #tpu.memory_space<semaphore_mem>>)
      %dma_wait3A_56 = arith.constant 0 : i32
      %dma_wait3A_57 = tpu.memref_slice %arg6[%add3A_51, %dma_wait3A_56] : memref<34816x128xf32, #tpu.memory_space<hbm>> -> memref<64x128xf32, #tpu.memory_space<hbm>>
      %dma_wait3A_58 = arith.constant 0 : i32
      %dma_wait3A_59 = tpu.memref_slice %arg6[%add3A_51, %dma_wait3A_58] : memref<34816x128xf32, #tpu.memory_space<hbm>> -> memref<64x128xf32, #tpu.memory_space<hbm>>
      tpu.wait_dma2 semaphore(%run_scoped3A : memref<!tpu.dma_semaphore, #tpu.memory_space<semaphore_mem>>) src(%arg10 : memref<64x128xf32, #tpu.memory_space<vmem>>) dst(%dma_wait3A_59 : memref<64x128xf32, #tpu.memory_space<hbm>>)
      tpu.yield
    }) : () -> ()
    return
  }
}

module attributes {stable_mosaic.version = 14 : i64} {
  func.func @_projknn_body(%arg0: i32, %arg1: memref<128x1xf32, #tpu.memory_space<vmem>>, %arg2: memref<1x1x2048xf32, #tpu.memory_space<vmem>>, %arg3: memref<1x2048x128xf32, #tpu.memory_space<vmem>>, %arg4: memref<128x256xf32, #tpu.memory_space<vmem>>, %arg5: memref<128x128xf32, #tpu.memory_space<vmem>>, %arg6: memref<256x256xf32, #tpu.memory_space<vmem>>, %arg7: memref<1x256xf32, #tpu.memory_space<vmem>>, %arg8: memref<256x256xf32, #tpu.memory_space<vmem>>, %arg9: memref<256x256xf32, #tpu.memory_space<vmem>>, %arg10: memref<256x256xf32, #tpu.memory_space<vmem>>, %arg11: memref<128x256xf32, #tpu.memory_space<vmem>>, %arg12: memref<128x256xi32, #tpu.memory_space<vmem>>, %arg13: memref<128x17xi32, #tpu.memory_space<vmem>>) attributes {dimension_semantics = [#tpu.dimension_semantics<arbitrary>], iteration_bounds = array<i64: 16>, scalar_prefetch = 0 : i64, scratch_operands = 0 : i64, tpu.core_type = #tpu.core_type<tc>, window_params = [{transform_indices = @transform_0, window_bounds = array<i64: 128, 1>}, {transform_indices = @transform_1, window_bounds = array<i64: 1, 1, 2048>}, {transform_indices = @transform_2, window_bounds = array<i64: 1, 2048, 128>}, {transform_indices = @transform_3, window_bounds = array<i64: 128, 256>}, {transform_indices = @transform_4, window_bounds = array<i64: 128, 128>}, {pipeline_mode = #tpu.pipeline_mode<synchronous>, transform_indices = @transform_5, window_bounds = array<i64: 256, 256>}, {pipeline_mode = #tpu.pipeline_mode<synchronous>, transform_indices = @transform_6, window_bounds = array<i64: 1, 256>}, {pipeline_mode = #tpu.pipeline_mode<synchronous>, transform_indices = @transform_7, window_bounds = array<i64: 256, 256>}, {pipeline_mode = #tpu.pipeline_mode<synchronous>, transform_indices = @transform_8, window_bounds = array<i64: 256, 256>}, {pipeline_mode = #tpu.pipeline_mode<synchronous>, transform_indices = @transform_9, window_bounds = array<i64: 256, 256>}, {transform_indices = @transform_10, window_bounds = array<i64: 128, 256>}, {transform_indices = @transform_11, window_bounds = array<i64: 128, 256>}, {transform_indices = @transform_12, window_bounds = array<i64: 128, 17>}]} {
    %jit3A = arith.constant 16 : i32
    %div3A = arith.divsi %arg0, %jit3A : i32
    %sign3A = arith.constant 0 : i32
    %sign3A_0 = arith.cmpi sgt, %arg0, %sign3A : i32
    %sign3A_1 = arith.extui %sign3A_0 : i1 to i32
    %sign3A_2 = arith.constant 0 : i32
    %sign3A_3 = arith.cmpi slt, %arg0, %sign3A_2 : i32
    %sign3A_4 = arith.extui %sign3A_3 : i1 to i32
    %sign3A_5 = arith.subi %sign3A_1, %sign3A_4 : i32
    %sign3A_6 = arith.constant 0 : i32
    %sign3A_7 = arith.cmpi sgt, %jit3A, %sign3A_6 : i32
    %sign3A_8 = arith.extui %sign3A_7 : i1 to i32
    %sign3A_9 = arith.constant 0 : i32
    %sign3A_10 = arith.cmpi slt, %jit3A, %sign3A_9 : i32
    %sign3A_11 = arith.extui %sign3A_10 : i1 to i32
    %sign3A_12 = arith.subi %sign3A_8, %sign3A_11 : i32
    %ne3A = arith.cmpi ne, %sign3A_5, %sign3A_12 : i32
    %rem3A = arith.remsi %arg0, %jit3A : i32
    %ne3A_13 = arith.constant 0 : i32
    %ne3A_14 = arith.cmpi ne, %rem3A, %ne3A_13 : i32
    %and3A = arith.andi %ne3A, %ne3A_14 : i1
    %sub3A = arith.constant 1 : i32
    %sub3A_15 = arith.subi %div3A, %sub3A : i32
    %select_n3A = arith.select %and3A, %sub3A_15, %div3A : i32
    %get3A = arith.constant 0 : index
    %get3A_16 = arith.constant 0 : index
    %get3A_17 = vector.load %arg4[%get3A, %get3A_16] : memref<128x256xf32, #tpu.memory_space<vmem>>, vector<128x256xf32>
    %get3A_18 = arith.constant 0 : index
    %get3A_19 = arith.constant 0 : index
    %get3A_20 = vector.load %arg6[%get3A_18, %get3A_19] : memref<256x256xf32, #tpu.memory_space<vmem>>, vector<256x256xf32>
    %dot_general3A = arith.constant dense<0.000000e+00> : vector<128x256xf32>
    %dot_general3A_21 = tpu.matmul %get3A_17, %get3A_20, %dot_general3A {dimension_numbers = #tpu.dot_dimension_numbers<[1], [1], [0], [0], [0, 0, 1, 0], [], []>, transpose_lhs_hint = false} : vector<128x256xf32>, vector<256x256xf32>, vector<128x256xf32> -> vector<128x256xf32>
    %get3A_22 = arith.constant 0 : index
    %get3A_23 = arith.constant 0 : index
    %get3A_24 = vector.load %arg7[%get3A_22, %get3A_23] : memref<1x256xf32, #tpu.memory_space<vmem>>, vector<1x256xf32>
    %add3A = vector.broadcast %get3A_24 : vector<1x256xf32> to vector<128x256xf32>
    %add3A_25 = arith.addf %dot_general3A_21, %add3A : vector<128x256xf32>
    %get3A_26 = arith.constant 0 : index
    %get3A_27 = arith.constant 0 : index
    %get3A_28 = vector.load %arg8[%get3A_26, %get3A_27] : memref<256x256xf32, #tpu.memory_space<vmem>>, vector<256x256xf32>
    %dot_general3A_29 = arith.constant dense<0.000000e+00> : vector<128x256xf32>
    %dot_general3A_30 = tpu.matmul %add3A_25, %get3A_28, %dot_general3A_29 {dimension_numbers = #tpu.dot_dimension_numbers<[1], [1], [0], [0], [0, 0, 1, 0], [], []>, transpose_lhs_hint = false} : vector<128x256xf32>, vector<256x256xf32>, vector<128x256xf32> -> vector<128x256xf32>
    %swap3A = arith.constant 0 : index
    %swap3A_31 = arith.constant 0 : index
    %swap3A_32 = vector.load %arg11[%swap3A, %swap3A_31] : memref<128x256xf32, #tpu.memory_space<vmem>>, vector<128x256xf32>
    tpu.vector_store %arg11[%swap3A, %swap3A_31], %dot_general3A_30 {strides = array<i32>} : memref<128x256xf32, #tpu.memory_space<vmem>>, vector<128x256xf32>,
    %get3A_33 = arith.constant 0 : index
    %get3A_34 = arith.constant 0 : index
    %get3A_35 = vector.load %arg9[%get3A_33, %get3A_34] : memref<256x256xf32, #tpu.memory_space<vmem>>, vector<256x256xf32>
    %dot_general3A_36 = arith.constant dense<0.000000e+00> : vector<128x256xf32>
    %dot_general3A_37 = tpu.matmul %add3A_25, %get3A_35, %dot_general3A_36 {dimension_numbers = #tpu.dot_dimension_numbers<[1], [1], [0], [0], [0, 0, 1, 0], [], []>, transpose_lhs_hint = false} : vector<128x256xf32>, vector<256x256xf32>, vector<128x256xf32> -> vector<128x256xf32>
    %get3A_38 = arith.constant 0 : index
    %get3A_39 = arith.constant 0 : index
    %get3A_40 = vector.load %arg10[%get3A_38, %get3A_39] : memref<256x256xf32, #tpu.memory_space<vmem>>, vector<256x256xf32>
    %dot_general3A_41 = arith.constant dense<0.000000e+00> : vector<128x256xf32>
    %dot_general3A_42 = tpu.matmul %add3A_25, %get3A_40, %dot_general3A_41 {dimension_numbers = #tpu.dot_dimension_numbers<[1], [1], [0], [0], [0, 0, 1, 0], [], []>, transpose_lhs_hint = false} : vector<128x256xf32>, vector<256x256xf32>, vector<128x256xf32> -> vector<128x256xf32>
    %bitcast_convert_type3A = tpu.bitcast %dot_general3A_37 : vector<128x256xf32> -> vector<128x256xi32>
    %add3A_43 = arith.constant 32767 : i32
    %add3A_44 = vector.broadcast %add3A_43 : i32 to vector<128x256xi32>
    %add3A_45 = arith.addi %bitcast_convert_type3A, %add3A_44 : vector<128x256xi32>
    %shift_right_arithmetic3A = arith.constant 16 : i32
    %shift_right_arithmetic3A_46 = vector.broadcast %shift_right_arithmetic3A : i32 to vector<128x256xi32>
    %shift_right_arithmetic3A_47 = arith.shrsi %bitcast_convert_type3A, %shift_right_arithmetic3A_46 : vector<128x256xi32>
    %and3A_48 = arith.constant 1 : i32
    %and3A_49 = vector.broadcast %and3A_48 : i32 to vector<128x256xi32>
    %and3A_50 = arith.andi %shift_right_arithmetic3A_47, %and3A_49 : vector<128x256xi32>
    %add3A_51 = arith.addi %add3A_45, %and3A_50 : vector<128x256xi32>
    %shift_right_arithmetic3A_52 = arith.constant 16 : i32
    %shift_right_arithmetic3A_53 = vector.broadcast %shift_right_arithmetic3A_52 : i32 to vector<128x256xi32>
    %shift_right_arithmetic3A_54 = arith.shrsi %add3A_51, %shift_right_arithmetic3A_53 : vector<128x256xi32>
    %shift_left3A = arith.constant 16 : i32
    %shift_left3A_55 = vector.broadcast %shift_left3A : i32 to vector<128x256xi32>
    %shift_left3A_56 = arith.shli %shift_right_arithmetic3A_54, %shift_left3A_55 : vector<128x256xi32>
    %bitcast_convert_type3A_57 = tpu.bitcast %dot_general3A_42 : vector<128x256xf32> -> vector<128x256xi32>
    %add3A_58 = arith.constant 32767 : i32
    %add3A_59 = vector.broadcast %add3A_58 : i32 to vector<128x256xi32>
    %add3A_60 = arith.addi %bitcast_convert_type3A_57, %add3A_59 : vector<128x256xi32>
    %shift_right_arithmetic3A_61 = arith.constant 16 : i32
    %shift_right_arithmetic3A_62 = vector.broadcast %shift_right_arithmetic3A_61 : i32 to vector<128x256xi32>
    %shift_right_arithmetic3A_63 = arith.shrsi %bitcast_convert_type3A_57, %shift_right_arithmetic3A_62 : vector<128x256xi32>
    %and3A_64 = arith.constant 1 : i32
    %and3A_65 = vector.broadcast %and3A_64 : i32 to vector<128x256xi32>
    %and3A_66 = arith.andi %shift_right_arithmetic3A_63, %and3A_65 : vector<128x256xi32>
    %add3A_67 = arith.addi %add3A_60, %and3A_66 : vector<128x256xi32>
    %shift_right_arithmetic3A_68 = arith.constant 16 : i32
    %shift_right_arithmetic3A_69 = vector.broadcast %shift_right_arithmetic3A_68 : i32 to vector<128x256xi32>
    %shift_right_arithmetic3A_70 = arith.shrsi %add3A_67, %shift_right_arithmetic3A_69 : vector<128x256xi32>
    %and3A_71 = arith.constant 65535 : i32
    %and3A_72 = vector.broadcast %and3A_71 : i32 to vector<128x256xi32>
    %and3A_73 = arith.andi %shift_right_arithmetic3A_70, %and3A_72 : vector<128x256xi32>
    %or3A = arith.ori %shift_left3A_56, %and3A_73 : vector<128x256xi32>
    %swap3A_74 = arith.constant 0 : index
    %swap3A_75 = arith.constant 0 : index
    %swap3A_76 = vector.load %arg12[%swap3A_74, %swap3A_75] : memref<128x256xi32, #tpu.memory_space<vmem>>, vector<128x256xi32>
    tpu.vector_store %arg12[%swap3A_74, %swap3A_75], %or3A {strides = array<i32>} : memref<128x256xi32, #tpu.memory_space<vmem>>, vector<128x256xi32>,
    %get3A_77 = arith.constant 0 : index
    %get3A_78 = arith.constant 0 : index
    %get3A_79 = vector.load %arg5[%get3A_77, %get3A_78] : memref<128x128xf32, #tpu.memory_space<vmem>>, vector<128x128xf32>
    %get3A_80 = arith.constant 0 : index
    %get3A_81 = arith.constant 0 : index
    %get3A_82 = arith.constant 0 : index
    %get3A_83 = vector.load %arg3[%get3A_80, %get3A_81, %get3A_82] : memref<1x2048x128xf32, #tpu.memory_space<vmem>>, vector<1x2048x128xf32>
    %get3A_84 = vector.shape_cast %get3A_83 : vector<1x2048x128xf32> to vector<2048x128xf32>
    %dot_general3A_85 = arith.constant dense<0.000000e+00> : vector<128x2048xf32>
    %dot_general3A_86 = tpu.matmul %get3A_79, %get3A_84, %dot_general3A_85 {dimension_numbers = #tpu.dot_dimension_numbers<[1], [1], [0], [0], [0, 0, 1, 0], [], []>, transpose_lhs_hint = false} : vector<128x128xf32>, vector<2048x128xf32>, vector<128x2048xf32> -> vector<128x2048xf32>
    %get3A_87 = arith.constant 0 : index
    %get3A_88 = arith.constant 0 : index
    %get3A_89 = vector.load %arg1[%get3A_87, %get3A_88] : memref<128x1xf32, #tpu.memory_space<vmem>>, vector<128x1xf32>
    %mul3A = arith.constant 2.000000e+00 : f32
    %mul3A_90 = vector.broadcast %mul3A : f32 to vector<128x2048xf32>
    %mul3A_91 = arith.mulf %mul3A_90, %dot_general3A_86 : vector<128x2048xf32>
    %sub3A_92 = vector.broadcast %get3A_89 : vector<128x1xf32> to vector<128x2048xf32>
    %sub3A_93 = arith.subf %sub3A_92, %mul3A_91 : vector<128x2048xf32>
    %get3A_94 = arith.constant 0 : index
    %get3A_95 = arith.constant 0 : index
    %get3A_96 = arith.constant 0 : index
    %get3A_97 = vector.load %arg2[%get3A_94, %get3A_95, %get3A_96] : memref<1x1x2048xf32, #tpu.memory_space<vmem>>, vector<1x1x2048xf32>
    %get3A_98 = vector.shape_cast %get3A_97 : vector<1x1x2048xf32> to vector<1x2048xf32>
    %add3A_99 = vector.broadcast %get3A_98 : vector<1x2048xf32> to vector<128x2048xf32>
    %add3A_100 = arith.addf %sub3A_93, %add3A_99 : vector<128x2048xf32>
    %iota3A = tpu.iota {dimensions = array<i32: 1>} : vector<32x2048xi32>
    %convert_element_type3A = arith.sitofp %iota3A : vector<32x2048xi32> to vector<32x2048xf32>
    %slice3A = vector.extract_strided_slice %add3A_100 {offsets = [0, 0], sizes = [32, 2048], strides = [1, 1]} : vector<128x2048xf32> to vector<32x2048xf32>
    %slice3A_101 = vector.extract_strided_slice %add3A_100 {offsets = [32, 0], sizes = [32, 2048], strides = [1, 1]} : vector<128x2048xf32> to vector<32x2048xf32>
    %slice3A_102 = vector.extract_strided_slice %add3A_100 {offsets = [64, 0], sizes = [32, 2048], strides = [1, 1]} : vector<128x2048xf32> to vector<32x2048xf32>
    %slice3A_103 = vector.extract_strided_slice %add3A_100 {offsets = [96, 0], sizes = [32, 2048], strides = [1, 1]} : vector<128x2048xf32> to vector<32x2048xf32>
    %reduce_min3A = arith.constant dense<0x7F800000> : vector<32xf32>
    %reduce_min3A_104 = vector.multi_reduction <minimumf>, %slice3A, %reduce_min3A [1] : vector<32x2048xf32> to vector<32xf32>
    %broadcast_in_dim3A = vector.shape_cast %reduce_min3A_104 : vector<32xf32> to vector<32x1xf32>
    %le3A = vector.broadcast %broadcast_in_dim3A : vector<32x1xf32> to vector<32x2048xf32>
    %le3A_105 = arith.cmpf ole, %slice3A, %le3A : vector<32x2048xf32>
    %jit3A_106 = arith.constant 2.048000e+03 : f32
    %broadcast_in_dim3A_107 = vector.broadcast %jit3A_106 : f32 to vector<32x2048xf32>
    %select_n3A_108 = arith.select %le3A_105, %convert_element_type3A, %broadcast_in_dim3A_107 : vector<32x2048xi1>, vector<32x2048xf32>
    %reduce_min3A_109 = arith.constant dense<0x7F800000> : vector<32xf32>
    %reduce_min3A_110 = vector.multi_reduction <minimumf>, %select_n3A_108, %reduce_min3A_109 [1] : vector<32x2048xf32> to vector<32xf32>
    %broadcast_in_dim3A_111 = vector.shape_cast %reduce_min3A_110 : vector<32xf32> to vector<32x1xf32>
    %jit3A_112 = arith.constant 1.000000e+30 : f32
    %broadcast_in_dim3A_113 = vector.broadcast %jit3A_112 : f32 to vector<32x2048xf32>
    %select_n3A_114 = arith.select %le3A_105, %broadcast_in_dim3A_113, %slice3A : vector<32x2048xi1>, vector<32x2048xf32>
    %reduce_min3A_115 = arith.constant dense<0x7F800000> : vector<32xf32>
    %reduce_min3A_116 = vector.multi_reduction <minimumf>, %slice3A_101, %reduce_min3A_115 [1] : vector<32x2048xf32> to vector<32xf32>
    %broadcast_in_dim3A_117 = vector.shape_cast %reduce_min3A_116 : vector<32xf32> to vector<32x1xf32>
    %le3A_118 = vector.broadcast %broadcast_in_dim3A_117 : vector<32x1xf32> to vector<32x2048xf32>
    %le3A_119 = arith.cmpf ole, %slice3A_101, %le3A_118 : vector<32x2048xf32>
    %jit3A_120 = arith.constant 2.048000e+03 : f32
    %broadcast_in_dim3A_121 = vector.broadcast %jit3A_120 : f32 to vector<32x2048xf32>
    %select_n3A_122 = arith.select %le3A_119, %convert_element_type3A, %broadcast_in_dim3A_121 : vector<32x2048xi1>, vector<32x2048xf32>
    %reduce_min3A_123 = arith.constant dense<0x7F800000> : vector<32xf32>
    %reduce_min3A_124 = vector.multi_reduction <minimumf>, %select_n3A_122, %reduce_min3A_123 [1] : vector<32x2048xf32> to vector<32xf32>
    %broadcast_in_dim3A_125 = vector.shape_cast %reduce_min3A_124 : vector<32xf32> to vector<32x1xf32>
    %jit3A_126 = arith.constant 1.000000e+30 : f32
    %broadcast_in_dim3A_127 = vector.broadcast %jit3A_126 : f32 to vector<32x2048xf32>
    %select_n3A_128 = arith.select %le3A_119, %broadcast_in_dim3A_127, %slice3A_101 : vector<32x2048xi1>, vector<32x2048xf32>
    %reduce_min3A_129 = arith.constant dense<0x7F800000> : vector<32xf32>
    %reduce_min3A_130 = vector.multi_reduction <minimumf>, %slice3A_102, %reduce_min3A_129 [1] : vector<32x2048xf32> to vector<32xf32>
    %broadcast_in_dim3A_131 = vector.shape_cast %reduce_min3A_130 : vector<32xf32> to vector<32x1xf32>
    %le3A_132 = vector.broadcast %broadcast_in_dim3A_131 : vector<32x1xf32> to vector<32x2048xf32>
    %le3A_133 = arith.cmpf ole, %slice3A_102, %le3A_132 : vector<32x2048xf32>
    %jit3A_134 = arith.constant 2.048000e+03 : f32
    %broadcast_in_dim3A_135 = vector.broadcast %jit3A_134 : f32 to vector<32x2048xf32>
    %select_n3A_136 = arith.select %le3A_133, %convert_element_type3A, %broadcast_in_dim3A_135 : vector<32x2048xi1>, vector<32x2048xf32>
    %reduce_min3A_137 = arith.constant dense<0x7F800000> : vector<32xf32>
    %reduce_min3A_138 = vector.multi_reduction <minimumf>, %select_n3A_136, %reduce_min3A_137 [1] : vector<32x2048xf32> to vector<32xf32>
    %broadcast_in_dim3A_139 = vector.shape_cast %reduce_min3A_138 : vector<32xf32> to vector<32x1xf32>
    %jit3A_140 = arith.constant 1.000000e+30 : f32
    %broadcast_in_dim3A_141 = vector.broadcast %jit3A_140 : f32 to vector<32x2048xf32>
    %select_n3A_142 = arith.select %le3A_133, %broadcast_in_dim3A_141, %slice3A_102 : vector<32x2048xi1>, vector<32x2048xf32>
    %reduce_min3A_143 = arith.constant dense<0x7F800000> : vector<32xf32>
    %reduce_min3A_144 = vector.multi_reduction <minimumf>, %slice3A_103, %reduce_min3A_143 [1] : vector<32x2048xf32> to vector<32xf32>
    %broadcast_in_dim3A_145 = vector.shape_cast %reduce_min3A_144 : vector<32xf32> to vector<32x1xf32>
    %le3A_146 = vector.broadcast %broadcast_in_dim3A_145 : vector<32x1xf32> to vector<32x2048xf32>
    %le3A_147 = arith.cmpf ole, %slice3A_103, %le3A_146 : vector<32x2048xf32>
    %jit3A_148 = arith.constant 2.048000e+03 : f32
    %broadcast_in_dim3A_149 = vector.broadcast %jit3A_148 : f32 to vector<32x2048xf32>
    %select_n3A_150 = arith.select %le3A_147, %convert_element_type3A, %broadcast_in_dim3A_149 : vector<32x2048xi1>, vector<32x2048xf32>
    %reduce_min3A_151 = arith.constant dense<0x7F800000> : vector<32xf32>
    %reduce_min3A_152 = vector.multi_reduction <minimumf>, %select_n3A_150, %reduce_min3A_151 [1] : vector<32x2048xf32> to vector<32xf32>
    %broadcast_in_dim3A_153 = vector.shape_cast %reduce_min3A_152 : vector<32xf32> to vector<32x1xf32>
    %jit3A_154 = arith.constant 1.000000e+30 : f32
    %broadcast_in_dim3A_155 = vector.broadcast %jit3A_154 : f32 to vector<32x2048xf32>
    %select_n3A_156 = arith.select %le3A_147, %broadcast_in_dim3A_155, %slice3A_103 : vector<32x2048xi1>, vector<32x2048xf32>
    %reduce_min3A_157 = arith.constant dense<0x7F800000> : vector<32xf32>
    %reduce_min3A_158 = vector.multi_reduction <minimumf>, %select_n3A_114, %reduce_min3A_157 [1] : vector<32x2048xf32> to vector<32xf32>
    %broadcast_in_dim3A_159 = vector.shape_cast %reduce_min3A_158 : vector<32xf32> to vector<32x1xf32>
    %le3A_160 = vector.broadcast %broadcast_in_dim3A_159 : vector<32x1xf32> to vector<32x2048xf32>
    %le3A_161 = arith.cmpf ole, %select_n3A_114, %le3A_160 : vector<32x2048xf32>
    %jit3A_162 = arith.constant 2.048000e+03 : f32
    %broadcast_in_dim3A_163 = vector.broadcast %jit3A_162 : f32 to vector<32x2048xf32>
    %select_n3A_164 = arith.select %le3A_161, %convert_element_type3A, %broadcast_in_dim3A_163 : vector<32x2048xi1>, vector<32x2048xf32>
    %reduce_min3A_165 = arith.constant dense<0x7F800000> : vector<32xf32>
    %reduce_min3A_166 = vector.multi_reduction <minimumf>, %select_n3A_164, %reduce_min3A_165 [1] : vector<32x2048xf32> to vector<32xf32>
    %broadcast_in_dim3A_167 = vector.shape_cast %reduce_min3A_166 : vector<32xf32> to vector<32x1xf32>
    %jit3A_168 = arith.constant 1.000000e+30 : f32
    %broadcast_in_dim3A_169 = vector.broadcast %jit3A_168 : f32 to vector<32x2048xf32>
    %select_n3A_170 = arith.select %le3A_161, %broadcast_in_dim3A_169, %select_n3A_114 : vector<32x2048xi1>, vector<32x2048xf32>
    %reduce_min3A_171 = arith.constant dense<0x7F800000> : vector<32xf32>
    %reduce_min3A_172 = vector.multi_reduction <minimumf>, %select_n3A_128, %reduce_min3A_171 [1] : vector<32x2048xf32> to vector<32xf32>
    %broadcast_in_dim3A_173 = vector.shape_cast %reduce_min3A_172 : vector<32xf32> to vector<32x1xf32>
    %le3A_174 = vector.broadcast %broadcast_in_dim3A_173 : vector<32x1xf32> to vector<32x2048xf32>
    %le3A_175 = arith.cmpf ole, %select_n3A_128, %le3A_174 : vector<32x2048xf32>
    %jit3A_176 = arith.constant 2.048000e+03 : f32
    %broadcast_in_dim3A_177 = vector.broadcast %jit3A_176 : f32 to vector<32x2048xf32>
    %select_n3A_178 = arith.select %le3A_175, %convert_element_type3A, %broadcast_in_dim3A_177 : vector<32x2048xi1>, vector<32x2048xf32>
    %reduce_min3A_179 = arith.constant dense<0x7F800000> : vector<32xf32>
    %reduce_min3A_180 = vector.multi_reduction <minimumf>, %select_n3A_178, %reduce_min3A_179 [1] : vector<32x2048xf32> to vector<32xf32>
    %broadcast_in_dim3A_181 = vector.shape_cast %reduce_min3A_180 : vector<32xf32> to vector<32x1xf32>
    %jit3A_182 = arith.constant 1.000000e+30 : f32
    %broadcast_in_dim3A_183 = vector.broadcast %jit3A_182 : f32 to vector<32x2048xf32>
    %select_n3A_184 = arith.select %le3A_175, %broadcast_in_dim3A_183, %select_n3A_128 : vector<32x2048xi1>, vector<32x2048xf32>
    %reduce_min3A_185 = arith.constant dense<0x7F800000> : vector<32xf32>
    %reduce_min3A_186 = vector.multi_reduction <minimumf>, %select_n3A_142, %reduce_min3A_185 [1] : vector<32x2048xf32> to vector<32xf32>
    %broadcast_in_dim3A_187 = vector.shape_cast %reduce_min3A_186 : vector<32xf32> to vector<32x1xf32>
    %le3A_188 = vector.broadcast %broadcast_in_dim3A_187 : vector<32x1xf32> to vector<32x2048xf32>
    %le3A_189 = arith.cmpf ole, %select_n3A_142, %le3A_188 : vector<32x2048xf32>
    %jit3A_190 = arith.constant 2.048000e+03 : f32
    %broadcast_in_dim3A_191 = vector.broadcast %jit3A_190 : f32 to vector<32x2048xf32>
    %select_n3A_192 = arith.select %le3A_189, %convert_element_type3A, %broadcast_in_dim3A_191 : vector<32x2048xi1>, vector<32x2048xf32>
    %reduce_min3A_193 = arith.constant dense<0x7F800000> : vector<32xf32>
    %reduce_min3A_194 = vector.multi_reduction <minimumf>, %select_n3A_192, %reduce_min3A_193 [1] : vector<32x2048xf32> to vector<32xf32>
    %broadcast_in_dim3A_195 = vector.shape_cast %reduce_min3A_194 : vector<32xf32> to vector<32x1xf32>
    %jit3A_196 = arith.constant 1.000000e+30 : f32
    %broadcast_in_dim3A_197 = vector.broadcast %jit3A_196 : f32 to vector<32x2048xf32>
    %select_n3A_198 = arith.select %le3A_189, %broadcast_in_dim3A_197, %select_n3A_142 : vector<32x2048xi1>, vector<32x2048xf32>
    %reduce_min3A_199 = arith.constant dense<0x7F800000> : vector<32xf32>
    %reduce_min3A_200 = vector.multi_reduction <minimumf>, %select_n3A_156, %reduce_min3A_199 [1] : vector<32x2048xf32> to vector<32xf32>
    %broadcast_in_dim3A_201 = vector.shape_cast %reduce_min3A_200 : vector<32xf32> to vector<32x1xf32>
    %le3A_202 = vector.broadcast %broadcast_in_dim3A_201 : vector<32x1xf32> to vector<32x2048xf32>
    %le3A_203 = arith.cmpf ole, %select_n3A_156, %le3A_202 : vector<32x2048xf32>
    %jit3A_204 = arith.constant 2.048000e+03 : f32
    %broadcast_in_dim3A_205 = vector.broadcast %jit3A_204 : f32 to vector<32x2048xf32>
    %select_n3A_206 = arith.select %le3A_203, %convert_element_type3A, %broadcast_in_dim3A_205 : vector<32x2048xi1>, vector<32x2048xf32>
    %reduce_min3A_207 = arith.constant dense<0x7F800000> : vector<32xf32>
    %reduce_min3A_208 = vector.multi_reduction <minimumf>, %select_n3A_206, %reduce_min3A_207 [1] : vector<32x2048xf32> to vector<32xf32>
    %broadcast_in_dim3A_209 = vector.shape_cast %reduce_min3A_208 : vector<32xf32> to vector<32x1xf32>
    %jit3A_210 = arith.constant 1.000000e+30 : f32
    %broadcast_in_dim3A_211 = vector.broadcast %jit3A_210 : f32 to vector<32x2048xf32>
    %select_n3A_212 = arith.select %le3A_203, %broadcast_in_dim3A_211, %select_n3A_156 : vector<32x2048xi1>, vector<32x2048xf32>
    %reduce_min3A_213 = arith.constant dense<0x7F800000> : vector<32xf32>
    %reduce_min3A_214 = vector.multi_reduction <minimumf>, %select_n3A_170, %reduce_min3A_213 [1] : vector<32x2048xf32> to vector<32xf32>
    %broadcast_in_dim3A_215 = vector.shape_cast %reduce_min3A_214 : vector<32xf32> to vector<32x1xf32>
    %le3A_216 = vector.broadcast %broadcast_in_dim3A_215 : vector<32x1xf32> to vector<32x2048xf32>
    %le3A_217 = arith.cmpf ole, %select_n3A_170, %le3A_216 : vector<32x2048xf32>
    %jit3A_218 = arith.constant 2.048000e+03 : f32
    %broadcast_in_dim3A_219 = vector.broadcast %jit3A_218 : f32 to vector<32x2048xf32>
    %select_n3A_220 = arith.select %le3A_217, %convert_element_type3A, %broadcast_in_dim3A_219 : vector<32x2048xi1>, vector<32x2048xf32>
    %reduce_min3A_221 = arith.constant dense<0x7F800000> : vector<32xf32>
    %reduce_min3A_222 = vector.multi_reduction <minimumf>, %select_n3A_220, %reduce_min3A_221 [1] : vector<32x2048xf32> to vector<32xf32>
    %broadcast_in_dim3A_223 = vector.shape_cast %reduce_min3A_222 : vector<32xf32> to vector<32x1xf32>
    %jit3A_224 = arith.constant 1.000000e+30 : f32
    %broadcast_in_dim3A_225 = vector.broadcast %jit3A_224 : f32 to vector<32x2048xf32>
    %select_n3A_226 = arith.select %le3A_217, %broadcast_in_dim3A_225, %select_n3A_170 : vector<32x2048xi1>, vector<32x2048xf32>
    %reduce_min3A_227 = arith.constant dense<0x7F800000> : vector<32xf32>
    %reduce_min3A_228 = vector.multi_reduction <minimumf>, %select_n3A_184, %reduce_min3A_227 [1] : vector<32x2048xf32> to vector<32xf32>
    %broadcast_in_dim3A_229 = vector.shape_cast %reduce_min3A_228 : vector<32xf32> to vector<32x1xf32>
    %le3A_230 = vector.broadcast %broadcast_in_dim3A_229 : vector<32x1xf32> to vector<32x2048xf32>
    %le3A_231 = arith.cmpf ole, %select_n3A_184, %le3A_230 : vector<32x2048xf32>
    %jit3A_232 = arith.constant 2.048000e+03 : f32
    %broadcast_in_dim3A_233 = vector.broadcast %jit3A_232 : f32 to vector<32x2048xf32>
    %select_n3A_234 = arith.select %le3A_231, %convert_element_type3A, %broadcast_in_dim3A_233 : vector<32x2048xi1>, vector<32x2048xf32>
    %reduce_min3A_235 = arith.constant dense<0x7F800000> : vector<32xf32>
    %reduce_min3A_236 = vector.multi_reduction <minimumf>, %select_n3A_234, %reduce_min3A_235 [1] : vector<32x2048xf32> to vector<32xf32>
    %broadcast_in_dim3A_237 = vector.shape_cast %reduce_min3A_236 : vector<32xf32> to vector<32x1xf32>
    %jit3A_238 = arith.constant 1.000000e+30 : f32
    %broadcast_in_dim3A_239 = vector.broadcast %jit3A_238 : f32 to vector<32x2048xf32>
    %select_n3A_240 = arith.select %le3A_231, %broadcast_in_dim3A_239, %select_n3A_184 : vector<32x2048xi1>, vector<32x2048xf32>
    %reduce_min3A_241 = arith.constant dense<0x7F800000> : vector<32xf32>
    %reduce_min3A_242 = vector.multi_reduction <minimumf>, %select_n3A_198, %reduce_min3A_241 [1] : vector<32x2048xf32> to vector<32xf32>
    %broadcast_in_dim3A_243 = vector.shape_cast %reduce_min3A_242 : vector<32xf32> to vector<32x1xf32>
    %le3A_244 = vector.broadcast %broadcast_in_dim3A_243 : vector<32x1xf32> to vector<32x2048xf32>
    %le3A_245 = arith.cmpf ole, %select_n3A_198, %le3A_244 : vector<32x2048xf32>
    %jit3A_246 = arith.constant 2.048000e+03 : f32
    %broadcast_in_dim3A_247 = vector.broadcast %jit3A_246 : f32 to vector<32x2048xf32>
    %select_n3A_248 = arith.select %le3A_245, %convert_element_type3A, %broadcast_in_dim3A_247 : vector<32x2048xi1>, vector<32x2048xf32>
    %reduce_min3A_249 = arith.constant dense<0x7F800000> : vector<32xf32>
    %reduce_min3A_250 = vector.multi_reduction <minimumf>, %select_n3A_248, %reduce_min3A_249 [1] : vector<32x2048xf32> to vector<32xf32>
    %broadcast_in_dim3A_251 = vector.shape_cast %reduce_min3A_250 : vector<32xf32> to vector<32x1xf32>
    %jit3A_252 = arith.constant 1.000000e+30 : f32
    %broadcast_in_dim3A_253 = vector.broadcast %jit3A_252 : f32 to vector<32x2048xf32>
    %select_n3A_254 = arith.select %le3A_245, %broadcast_in_dim3A_253, %select_n3A_198 : vector<32x2048xi1>, vector<32x2048xf32>
    %reduce_min3A_255 = arith.constant dense<0x7F800000> : vector<32xf32>
    %reduce_min3A_256 = vector.multi_reduction <minimumf>, %select_n3A_212, %reduce_min3A_255 [1] : vector<32x2048xf32> to vector<32xf32>
    %broadcast_in_dim3A_257 = vector.shape_cast %reduce_min3A_256 : vector<32xf32> to vector<32x1xf32>
    %le3A_258 = vector.broadcast %broadcast_in_dim3A_257 : vector<32x1xf32> to vector<32x2048xf32>
    %le3A_259 = arith.cmpf ole, %select_n3A_212, %le3A_258 : vector<32x2048xf32>
    %jit3A_260 = arith.constant 2.048000e+03 : f32
    %broadcast_in_dim3A_261 = vector.broadcast %jit3A_260 : f32 to vector<32x2048xf32>
    %select_n3A_262 = arith.select %le3A_259, %convert_element_type3A, %broadcast_in_dim3A_261 : vector<32x2048xi1>, vector<32x2048xf32>
    %reduce_min3A_263 = arith.constant dense<0x7F800000> : vector<32xf32>
    %reduce_min3A_264 = vector.multi_reduction <minimumf>, %select_n3A_262, %reduce_min3A_263 [1] : vector<32x2048xf32> to vector<32xf32>
    %broadcast_in_dim3A_265 = vector.shape_cast %reduce_min3A_264 : vector<32xf32> to vector<32x1xf32>
    %jit3A_266 = arith.constant 1.000000e+30 : f32
    %broadcast_in_dim3A_267 = vector.broadcast %jit3A_266 : f32 to vector<32x2048xf32>
    %select_n3A_268 = arith.select %le3A_259, %broadcast_in_dim3A_267, %select_n3A_212 : vector<32x2048xi1>, vector<32x2048xf32>
    %reduce_min3A_269 = arith.constant dense<0x7F800000> : vector<32xf32>
    %reduce_min3A_270 = vector.multi_reduction <minimumf>, %select_n3A_226, %reduce_min3A_269 [1] : vector<32x2048xf32> to vector<32xf32>
    %broadcast_in_dim3A_271 = vector.shape_cast %reduce_min3A_270 : vector<32xf32> to vector<32x1xf32>
    %le3A_272 = vector.broadcast %broadcast_in_dim3A_271 : vector<32x1xf32> to vector<32x2048xf32>
    %le3A_273 = arith.cmpf ole, %select_n3A_226, %le3A_272 : vector<32x2048xf32>
    %jit3A_274 = arith.constant 2.048000e+03 : f32
    %broadcast_in_dim3A_275 = vector.broadcast %jit3A_274 : f32 to vector<32x2048xf32>
    %select_n3A_276 = arith.select %le3A_273, %convert_element_type3A, %broadcast_in_dim3A_275 : vector<32x2048xi1>, vector<32x2048xf32>
    %reduce_min3A_277 = arith.constant dense<0x7F800000> : vector<32xf32>
    %reduce_min3A_278 = vector.multi_reduction <minimumf>, %select_n3A_276, %reduce_min3A_277 [1] : vector<32x2048xf32> to vector<32xf32>
    %broadcast_in_dim3A_279 = vector.shape_cast %reduce_min3A_278 : vector<32xf32> to vector<32x1xf32>
    %jit3A_280 = arith.constant 1.000000e+30 : f32
    %broadcast_in_dim3A_281 = vector.broadcast %jit3A_280 : f32 to vector<32x2048xf32>
    %select_n3A_282 = arith.select %le3A_273, %broadcast_in_dim3A_281, %select_n3A_226 : vector<32x2048xi1>, vector<32x2048xf32>
    %reduce_min3A_283 = arith.constant dense<0x7F800000> : vector<32xf32>
    %reduce_min3A_284 = vector.multi_reduction <minimumf>, %select_n3A_240, %reduce_min3A_283 [1] : vector<32x2048xf32> to vector<32xf32>
    %broadcast_in_dim3A_285 = vector.shape_cast %reduce_min3A_284 : vector<32xf32> to vector<32x1xf32>
    %le3A_286 = vector.broadcast %broadcast_in_dim3A_285 : vector<32x1xf32> to vector<32x2048xf32>
    %le3A_287 = arith.cmpf ole, %select_n3A_240, %le3A_286 : vector<32x2048xf32>
    %jit3A_288 = arith.constant 2.048000e+03 : f32
    %broadcast_in_dim3A_289 = vector.broadcast %jit3A_288 : f32 to vector<32x2048xf32>
    %select_n3A_290 = arith.select %le3A_287, %convert_element_type3A, %broadcast_in_dim3A_289 : vector<32x2048xi1>, vector<32x2048xf32>
    %reduce_min3A_291 = arith.constant dense<0x7F800000> : vector<32xf32>
    %reduce_min3A_292 = vector.multi_reduction <minimumf>, %select_n3A_290, %reduce_min3A_291 [1] : vector<32x2048xf32> to vector<32xf32>
    %broadcast_in_dim3A_293 = vector.shape_cast %reduce_min3A_292 : vector<32xf32> to vector<32x1xf32>
    %jit3A_294 = arith.constant 1.000000e+30 : f32
    %broadcast_in_dim3A_295 = vector.broadcast %jit3A_294 : f32 to vector<32x2048xf32>
    %select_n3A_296 = arith.select %le3A_287, %broadcast_in_dim3A_295, %select_n3A_240 : vector<32x2048xi1>, vector<32x2048xf32>
    %reduce_min3A_297 = arith.constant dense<0x7F800000> : vector<32xf32>
    %reduce_min3A_298 = vector.multi_reduction <minimumf>, %select_n3A_254, %reduce_min3A_297 [1] : vector<32x2048xf32> to vector<32xf32>
    %broadcast_in_dim3A_299 = vector.shape_cast %reduce_min3A_298 : vector<32xf32> to vector<32x1xf32>
    %le3A_300 = vector.broadcast %broadcast_in_dim3A_299 : vector<32x1xf32> to vector<32x2048xf32>
    %le3A_301 = arith.cmpf ole, %select_n3A_254, %le3A_300 : vector<32x2048xf32>
    %jit3A_302 = arith.constant 2.048000e+03 : f32
    %broadcast_in_dim3A_303 = vector.broadcast %jit3A_302 : f32 to vector<32x2048xf32>
    %select_n3A_304 = arith.select %le3A_301, %convert_element_type3A, %broadcast_in_dim3A_303 : vector<32x2048xi1>, vector<32x2048xf32>
    %reduce_min3A_305 = arith.constant dense<0x7F800000> : vector<32xf32>
    %reduce_min3A_306 = vector.multi_reduction <minimumf>, %select_n3A_304, %reduce_min3A_305 [1] : vector<32x2048xf32> to vector<32xf32>
    %broadcast_in_dim3A_307 = vector.shape_cast %reduce_min3A_306 : vector<32xf32> to vector<32x1xf32>
    %jit3A_308 = arith.constant 1.000000e+30 : f32
    %broadcast_in_dim3A_309 = vector.broadcast %jit3A_308 : f32 to vector<32x2048xf32>
    %select_n3A_310 = arith.select %le3A_301, %broadcast_in_dim3A_309, %select_n3A_254 : vector<32x2048xi1>, vector<32x2048xf32>
    %reduce_min3A_311 = arith.constant dense<0x7F800000> : vector<32xf32>
    %reduce_min3A_312 = vector.multi_reduction <minimumf>, %select_n3A_268, %reduce_min3A_311 [1] : vector<32x2048xf32> to vector<32xf32>
    %broadcast_in_dim3A_313 = vector.shape_cast %reduce_min3A_312 : vector<32xf32> to vector<32x1xf32>
    %le3A_314 = vector.broadcast %broadcast_in_dim3A_313 : vector<32x1xf32> to vector<32x2048xf32>
    %le3A_315 = arith.cmpf ole, %select_n3A_268, %le3A_314 : vector<32x2048xf32>
    %jit3A_316 = arith.constant 2.048000e+03 : f32
    %broadcast_in_dim3A_317 = vector.broadcast %jit3A_316 : f32 to vector<32x2048xf32>
    %select_n3A_318 = arith.select %le3A_315, %convert_element_type3A, %broadcast_in_dim3A_317 : vector<32x2048xi1>, vector<32x2048xf32>
    %reduce_min3A_319 = arith.constant dense<0x7F800000> : vector<32xf32>
    %reduce_min3A_320 = vector.multi_reduction <minimumf>, %select_n3A_318, %reduce_min3A_319 [1] : vector<32x2048xf32> to vector<32xf32>
    %broadcast_in_dim3A_321 = vector.shape_cast %reduce_min3A_320 : vector<32xf32> to vector<32x1xf32>
    %jit3A_322 = arith.constant 1.000000e+30 : f32
    %broadcast_in_dim3A_323 = vector.broadcast %jit3A_322 : f32 to vector<32x2048xf32>
    %select_n3A_324 = arith.select %le3A_315, %broadcast_in_dim3A_323, %select_n3A_268 : vector<32x2048xi1>, vector<32x2048xf32>
    %reduce_min3A_325 = arith.constant dense<0x7F800000> : vector<32xf32>
    %reduce_min3A_326 = vector.multi_reduction <minimumf>, %select_n3A_282, %reduce_min3A_325 [1] : vector<32x2048xf32> to vector<32xf32>
    %broadcast_in_dim3A_327 = vector.shape_cast %reduce_min3A_326 : vector<32xf32> to vector<32x1xf32>
    %le3A_328 = vector.broadcast %broadcast_in_dim3A_327 : vector<32x1xf32> to vector<32x2048xf32>
    %le3A_329 = arith.cmpf ole, %select_n3A_282, %le3A_328 : vector<32x2048xf32>
    %jit3A_330 = arith.constant 2.048000e+03 : f32
    %broadcast_in_dim3A_331 = vector.broadcast %jit3A_330 : f32 to vector<32x2048xf32>
    %select_n3A_332 = arith.select %le3A_329, %convert_element_type3A, %broadcast_in_dim3A_331 : vector<32x2048xi1>, vector<32x2048xf32>
    %reduce_min3A_333 = arith.constant dense<0x7F800000> : vector<32xf32>
    %reduce_min3A_334 = vector.multi_reduction <minimumf>, %select_n3A_332, %reduce_min3A_333 [1] : vector<32x2048xf32> to vector<32xf32>
    %broadcast_in_dim3A_335 = vector.shape_cast %reduce_min3A_334 : vector<32xf32> to vector<32x1xf32>
    %jit3A_336 = arith.constant 1.000000e+30 : f32
    %broadcast_in_dim3A_337 = vector.broadcast %jit3A_336 : f32 to vector<32x2048xf32>
    %select_n3A_338 = arith.select %le3A_329, %broadcast_in_dim3A_337, %select_n3A_282 : vector<32x2048xi1>, vector<32x2048xf32>
    %reduce_min3A_339 = arith.constant dense<0x7F800000> : vector<32xf32>
    %reduce_min3A_340 = vector.multi_reduction <minimumf>, %select_n3A_296, %reduce_min3A_339 [1] : vector<32x2048xf32> to vector<32xf32>
    %broadcast_in_dim3A_341 = vector.shape_cast %reduce_min3A_340 : vector<32xf32> to vector<32x1xf32>
    %le3A_342 = vector.broadcast %broadcast_in_dim3A_341 : vector<32x1xf32> to vector<32x2048xf32>
    %le3A_343 = arith.cmpf ole, %select_n3A_296, %le3A_342 : vector<32x2048xf32>
    %jit3A_344 = arith.constant 2.048000e+03 : f32
    %broadcast_in_dim3A_345 = vector.broadcast %jit3A_344 : f32 to vector<32x2048xf32>
    %select_n3A_346 = arith.select %le3A_343, %convert_element_type3A, %broadcast_in_dim3A_345 : vector<32x2048xi1>, vector<32x2048xf32>
    %reduce_min3A_347 = arith.constant dense<0x7F800000> : vector<32xf32>
    %reduce_min3A_348 = vector.multi_reduction <minimumf>, %select_n3A_346, %reduce_min3A_347 [1] : vector<32x2048xf32> to vector<32xf32>
    %broadcast_in_dim3A_349 = vector.shape_cast %reduce_min3A_348 : vector<32xf32> to vector<32x1xf32>
    %jit3A_350 = arith.constant 1.000000e+30 : f32
    %broadcast_in_dim3A_351 = vector.broadcast %jit3A_350 : f32 to vector<32x2048xf32>
    %select_n3A_352 = arith.select %le3A_343, %broadcast_in_dim3A_351, %select_n3A_296 : vector<32x2048xi1>, vector<32x2048xf32>
    %reduce_min3A_353 = arith.constant dense<0x7F800000> : vector<32xf32>
    %reduce_min3A_354 = vector.multi_reduction <minimumf>, %select_n3A_310, %reduce_min3A_353 [1] : vector<32x2048xf32> to vector<32xf32>
    %broadcast_in_dim3A_355 = vector.shape_cast %reduce_min3A_354 : vector<32xf32> to vector<32x1xf32>
    %le3A_356 = vector.broadcast %broadcast_in_dim3A_355 : vector<32x1xf32> to vector<32x2048xf32>
    %le3A_357 = arith.cmpf ole, %select_n3A_310, %le3A_356 : vector<32x2048xf32>
    %jit3A_358 = arith.constant 2.048000e+03 : f32
    %broadcast_in_dim3A_359 = vector.broadcast %jit3A_358 : f32 to vector<32x2048xf32>
    %select_n3A_360 = arith.select %le3A_357, %convert_element_type3A, %broadcast_in_dim3A_359 : vector<32x2048xi1>, vector<32x2048xf32>
    %reduce_min3A_361 = arith.constant dense<0x7F800000> : vector<32xf32>
    %reduce_min3A_362 = vector.multi_reduction <minimumf>, %select_n3A_360, %reduce_min3A_361 [1] : vector<32x2048xf32> to vector<32xf32>
    %broadcast_in_dim3A_363 = vector.shape_cast %reduce_min3A_362 : vector<32xf32> to vector<32x1xf32>
    %jit3A_364 = arith.constant 1.000000e+30 : f32
    %broadcast_in_dim3A_365 = vector.broadcast %jit3A_364 : f32 to vector<32x2048xf32>
    %select_n3A_366 = arith.select %le3A_357, %broadcast_in_dim3A_365, %select_n3A_310 : vector<32x2048xi1>, vector<32x2048xf32>
    %reduce_min3A_367 = arith.constant dense<0x7F800000> : vector<32xf32>
    %reduce_min3A_368 = vector.multi_reduction <minimumf>, %select_n3A_324, %reduce_min3A_367 [1] : vector<32x2048xf32> to vector<32xf32>
    %broadcast_in_dim3A_369 = vector.shape_cast %reduce_min3A_368 : vector<32xf32> to vector<32x1xf32>
    %le3A_370 = vector.broadcast %broadcast_in_dim3A_369 : vector<32x1xf32> to vector<32x2048xf32>
    %le3A_371 = arith.cmpf ole, %select_n3A_324, %le3A_370 : vector<32x2048xf32>
    %jit3A_372 = arith.constant 2.048000e+03 : f32
    %broadcast_in_dim3A_373 = vector.broadcast %jit3A_372 : f32 to vector<32x2048xf32>
    %select_n3A_374 = arith.select %le3A_371, %convert_element_type3A, %broadcast_in_dim3A_373 : vector<32x2048xi1>, vector<32x2048xf32>
    %reduce_min3A_375 = arith.constant dense<0x7F800000> : vector<32xf32>
    %reduce_min3A_376 = vector.multi_reduction <minimumf>, %select_n3A_374, %reduce_min3A_375 [1] : vector<32x2048xf32> to vector<32xf32>
    %broadcast_in_dim3A_377 = vector.shape_cast %reduce_min3A_376 : vector<32xf32> to vector<32x1xf32>
    %jit3A_378 = arith.constant 1.000000e+30 : f32
    %broadcast_in_dim3A_379 = vector.broadcast %jit3A_378 : f32 to vector<32x2048xf32>
    %select_n3A_380 = arith.select %le3A_371, %broadcast_in_dim3A_379, %select_n3A_324 : vector<32x2048xi1>, vector<32x2048xf32>
    %reduce_min3A_381 = arith.constant dense<0x7F800000> : vector<32xf32>
    %reduce_min3A_382 = vector.multi_reduction <minimumf>, %select_n3A_338, %reduce_min3A_381 [1] : vector<32x2048xf32> to vector<32xf32>
    %broadcast_in_dim3A_383 = vector.shape_cast %reduce_min3A_382 : vector<32xf32> to vector<32x1xf32>
    %le3A_384 = vector.broadcast %broadcast_in_dim3A_383 : vector<32x1xf32> to vector<32x2048xf32>
    %le3A_385 = arith.cmpf ole, %select_n3A_338, %le3A_384 : vector<32x2048xf32>
    %jit3A_386 = arith.constant 2.048000e+03 : f32
    %broadcast_in_dim3A_387 = vector.broadcast %jit3A_386 : f32 to vector<32x2048xf32>
    %select_n3A_388 = arith.select %le3A_385, %convert_element_type3A, %broadcast_in_dim3A_387 : vector<32x2048xi1>, vector<32x2048xf32>
    %reduce_min3A_389 = arith.constant dense<0x7F800000> : vector<32xf32>
    %reduce_min3A_390 = vector.multi_reduction <minimumf>, %select_n3A_388, %reduce_min3A_389 [1] : vector<32x2048xf32> to vector<32xf32>
    %broadcast_in_dim3A_391 = vector.shape_cast %reduce_min3A_390 : vector<32xf32> to vector<32x1xf32>
    %jit3A_392 = arith.constant 1.000000e+30 : f32
    %broadcast_in_dim3A_393 = vector.broadcast %jit3A_392 : f32 to vector<32x2048xf32>
    %select_n3A_394 = arith.select %le3A_385, %broadcast_in_dim3A_393, %select_n3A_338 : vector<32x2048xi1>, vector<32x2048xf32>
    %reduce_min3A_395 = arith.constant dense<0x7F800000> : vector<32xf32>
    %reduce_min3A_396 = vector.multi_reduction <minimumf>, %select_n3A_352, %reduce_min3A_395 [1] : vector<32x2048xf32> to vector<32xf32>
    %broadcast_in_dim3A_397 = vector.shape_cast %reduce_min3A_396 : vector<32xf32> to vector<32x1xf32>
    %le3A_398 = vector.broadcast %broadcast_in_dim3A_397 : vector<32x1xf32> to vector<32x2048xf32>
    %le3A_399 = arith.cmpf ole, %select_n3A_352, %le3A_398 : vector<32x2048xf32>
    %jit3A_400 = arith.constant 2.048000e+03 : f32
    %broadcast_in_dim3A_401 = vector.broadcast %jit3A_400 : f32 to vector<32x2048xf32>
    %select_n3A_402 = arith.select %le3A_399, %convert_element_type3A, %broadcast_in_dim3A_401 : vector<32x2048xi1>, vector<32x2048xf32>
    %reduce_min3A_403 = arith.constant dense<0x7F800000> : vector<32xf32>
    %reduce_min3A_404 = vector.multi_reduction <minimumf>, %select_n3A_402, %reduce_min3A_403 [1] : vector<32x2048xf32> to vector<32xf32>
    %broadcast_in_dim3A_405 = vector.shape_cast %reduce_min3A_404 : vector<32xf32> to vector<32x1xf32>
    %jit3A_406 = arith.constant 1.000000e+30 : f32
    %broadcast_in_dim3A_407 = vector.broadcast %jit3A_406 : f32 to vector<32x2048xf32>
    %select_n3A_408 = arith.select %le3A_399, %broadcast_in_dim3A_407, %select_n3A_352 : vector<32x2048xi1>, vector<32x2048xf32>
    %reduce_min3A_409 = arith.constant dense<0x7F800000> : vector<32xf32>
    %reduce_min3A_410 = vector.multi_reduction <minimumf>, %select_n3A_366, %reduce_min3A_409 [1] : vector<32x2048xf32> to vector<32xf32>
    %broadcast_in_dim3A_411 = vector.shape_cast %reduce_min3A_410 : vector<32xf32> to vector<32x1xf32>
    %le3A_412 = vector.broadcast %broadcast_in_dim3A_411 : vector<32x1xf32> to vector<32x2048xf32>
    %le3A_413 = arith.cmpf ole, %select_n3A_366, %le3A_412 : vector<32x2048xf32>
    %jit3A_414 = arith.constant 2.048000e+03 : f32
    %broadcast_in_dim3A_415 = vector.broadcast %jit3A_414 : f32 to vector<32x2048xf32>
    %select_n3A_416 = arith.select %le3A_413, %convert_element_type3A, %broadcast_in_dim3A_415 : vector<32x2048xi1>, vector<32x2048xf32>
    %reduce_min3A_417 = arith.constant dense<0x7F800000> : vector<32xf32>
    %reduce_min3A_418 = vector.multi_reduction <minimumf>, %select_n3A_416, %reduce_min3A_417 [1] : vector<32x2048xf32> to vector<32xf32>
    %broadcast_in_dim3A_419 = vector.shape_cast %reduce_min3A_418 : vector<32xf32> to vector<32x1xf32>
    %jit3A_420 = arith.constant 1.000000e+30 : f32
    %broadcast_in_dim3A_421 = vector.broadcast %jit3A_420 : f32 to vector<32x2048xf32>
    %select_n3A_422 = arith.select %le3A_413, %broadcast_in_dim3A_421, %select_n3A_366 : vector<32x2048xi1>, vector<32x2048xf32>
    %reduce_min3A_423 = arith.constant dense<0x7F800000> : vector<32xf32>
    %reduce_min3A_424 = vector.multi_reduction <minimumf>, %select_n3A_380, %reduce_min3A_423 [1] : vector<32x2048xf32> to vector<32xf32>
    %broadcast_in_dim3A_425 = vector.shape_cast %reduce_min3A_424 : vector<32xf32> to vector<32x1xf32>
    %le3A_426 = vector.broadcast %broadcast_in_dim3A_425 : vector<32x1xf32> to vector<32x2048xf32>
    %le3A_427 = arith.cmpf ole, %select_n3A_380, %le3A_426 : vector<32x2048xf32>
    %jit3A_428 = arith.constant 2.048000e+03 : f32
    %broadcast_in_dim3A_429 = vector.broadcast %jit3A_428 : f32 to vector<32x2048xf32>
    %select_n3A_430 = arith.select %le3A_427, %convert_element_type3A, %broadcast_in_dim3A_429 : vector<32x2048xi1>, vector<32x2048xf32>
    %reduce_min3A_431 = arith.constant dense<0x7F800000> : vector<32xf32>
    %reduce_min3A_432 = vector.multi_reduction <minimumf>, %select_n3A_430, %reduce_min3A_431 [1] : vector<32x2048xf32> to vector<32xf32>
    %broadcast_in_dim3A_433 = vector.shape_cast %reduce_min3A_432 : vector<32xf32> to vector<32x1xf32>
    %jit3A_434 = arith.constant 1.000000e+30 : f32
    %broadcast_in_dim3A_435 = vector.broadcast %jit3A_434 : f32 to vector<32x2048xf32>
    %select_n3A_436 = arith.select %le3A_427, %broadcast_in_dim3A_435, %select_n3A_380 : vector<32x2048xi1>, vector<32x2048xf32>
    %reduce_min3A_437 = arith.constant dense<0x7F800000> : vector<32xf32>
    %reduce_min3A_438 = vector.multi_reduction <minimumf>, %select_n3A_394, %reduce_min3A_437 [1] : vector<32x2048xf32> to vector<32xf32>
    %broadcast_in_dim3A_439 = vector.shape_cast %reduce_min3A_438 : vector<32xf32> to vector<32x1xf32>
    %le3A_440 = vector.broadcast %broadcast_in_dim3A_439 : vector<32x1xf32> to vector<32x2048xf32>
    %le3A_441 = arith.cmpf ole, %select_n3A_394, %le3A_440 : vector<32x2048xf32>
    %jit3A_442 = arith.constant 2.048000e+03 : f32
    %broadcast_in_dim3A_443 = vector.broadcast %jit3A_442 : f32 to vector<32x2048xf32>
    %select_n3A_444 = arith.select %le3A_441, %convert_element_type3A, %broadcast_in_dim3A_443 : vector<32x2048xi1>, vector<32x2048xf32>
    %reduce_min3A_445 = arith.constant dense<0x7F800000> : vector<32xf32>
    %reduce_min3A_446 = vector.multi_reduction <minimumf>, %select_n3A_444, %reduce_min3A_445 [1] : vector<32x2048xf32> to vector<32xf32>
    %broadcast_in_dim3A_447 = vector.shape_cast %reduce_min3A_446 : vector<32xf32> to vector<32x1xf32>
    %jit3A_448 = arith.constant 1.000000e+30 : f32
    %broadcast_in_dim3A_449 = vector.broadcast %jit3A_448 : f32 to vector<32x2048xf32>
    %select_n3A_450 = arith.select %le3A_441, %broadcast_in_dim3A_449, %select_n3A_394 : vector<32x2048xi1>, vector<32x2048xf32>
    %reduce_min3A_451 = arith.constant dense<0x7F800000> : vector<32xf32>
    %reduce_min3A_452 = vector.multi_reduction <minimumf>, %select_n3A_408, %reduce_min3A_451 [1] : vector<32x2048xf32> to vector<32xf32>
    %broadcast_in_dim3A_453 = vector.shape_cast %reduce_min3A_452 : vector<32xf32> to vector<32x1xf32>
    %le3A_454 = vector.broadcast %broadcast_in_dim3A_453 : vector<32x1xf32> to vector<32x2048xf32>
    %le3A_455 = arith.cmpf ole, %select_n3A_408, %le3A_454 : vector<32x2048xf32>
    %jit3A_456 = arith.constant 2.048000e+03 : f32
    %broadcast_in_dim3A_457 = vector.broadcast %jit3A_456 : f32 to vector<32x2048xf32>
    %select_n3A_458 = arith.select %le3A_455, %convert_element_type3A, %broadcast_in_dim3A_457 : vector<32x2048xi1>, vector<32x2048xf32>
    %reduce_min3A_459 = arith.constant dense<0x7F800000> : vector<32xf32>
    %reduce_min3A_460 = vector.multi_reduction <minimumf>, %select_n3A_458, %reduce_min3A_459 [1] : vector<32x2048xf32> to vector<32xf32>
    %broadcast_in_dim3A_461 = vector.shape_cast %reduce_min3A_460 : vector<32xf32> to vector<32x1xf32>
    %jit3A_462 = arith.constant 1.000000e+30 : f32
    %broadcast_in_dim3A_463 = vector.broadcast %jit3A_462 : f32 to vector<32x2048xf32>
    %select_n3A_464 = arith.select %le3A_455, %broadcast_in_dim3A_463, %select_n3A_408 : vector<32x2048xi1>, vector<32x2048xf32>
    %reduce_min3A_465 = arith.constant dense<0x7F800000> : vector<32xf32>
    %reduce_min3A_466 = vector.multi_reduction <minimumf>, %select_n3A_422, %reduce_min3A_465 [1] : vector<32x2048xf32> to vector<32xf32>
    %broadcast_in_dim3A_467 = vector.shape_cast %reduce_min3A_466 : vector<32xf32> to vector<32x1xf32>
    %le3A_468 = vector.broadcast %broadcast_in_dim3A_467 : vector<32x1xf32> to vector<32x2048xf32>
    %le3A_469 = arith.cmpf ole, %select_n3A_422, %le3A_468 : vector<32x2048xf32>
    %jit3A_470 = arith.constant 2.048000e+03 : f32
    %broadcast_in_dim3A_471 = vector.broadcast %jit3A_470 : f32 to vector<32x2048xf32>
    %select_n3A_472 = arith.select %le3A_469, %convert_element_type3A, %broadcast_in_dim3A_471 : vector<32x2048xi1>, vector<32x2048xf32>
    %reduce_min3A_473 = arith.constant dense<0x7F800000> : vector<32xf32>
    %reduce_min3A_474 = vector.multi_reduction <minimumf>, %select_n3A_472, %reduce_min3A_473 [1] : vector<32x2048xf32> to vector<32xf32>
    %broadcast_in_dim3A_475 = vector.shape_cast %reduce_min3A_474 : vector<32xf32> to vector<32x1xf32>
    %jit3A_476 = arith.constant 1.000000e+30 : f32
    %broadcast_in_dim3A_477 = vector.broadcast %jit3A_476 : f32 to vector<32x2048xf32>
    %select_n3A_478 = arith.select %le3A_469, %broadcast_in_dim3A_477, %select_n3A_422 : vector<32x2048xi1>, vector<32x2048xf32>
    %reduce_min3A_479 = arith.constant dense<0x7F800000> : vector<32xf32>
    %reduce_min3A_480 = vector.multi_reduction <minimumf>, %select_n3A_436, %reduce_min3A_479 [1] : vector<32x2048xf32> to vector<32xf32>
    %broadcast_in_dim3A_481 = vector.shape_cast %reduce_min3A_480 : vector<32xf32> to vector<32x1xf32>
    %le3A_482 = vector.broadcast %broadcast_in_dim3A_481 : vector<32x1xf32> to vector<32x2048xf32>
    %le3A_483 = arith.cmpf ole, %select_n3A_436, %le3A_482 : vector<32x2048xf32>
    %jit3A_484 = arith.constant 2.048000e+03 : f32
    %broadcast_in_dim3A_485 = vector.broadcast %jit3A_484 : f32 to vector<32x2048xf32>
    %select_n3A_486 = arith.select %le3A_483, %convert_element_type3A, %broadcast_in_dim3A_485 : vector<32x2048xi1>, vector<32x2048xf32>
    %reduce_min3A_487 = arith.constant dense<0x7F800000> : vector<32xf32>
    %reduce_min3A_488 = vector.multi_reduction <minimumf>, %select_n3A_486, %reduce_min3A_487 [1] : vector<32x2048xf32> to vector<32xf32>
    %broadcast_in_dim3A_489 = vector.shape_cast %reduce_min3A_488 : vector<32xf32> to vector<32x1xf32>
    %jit3A_490 = arith.constant 1.000000e+30 : f32
    %broadcast_in_dim3A_491 = vector.broadcast %jit3A_490 : f32 to vector<32x2048xf32>
    %select_n3A_492 = arith.select %le3A_483, %broadcast_in_dim3A_491, %select_n3A_436 : vector<32x2048xi1>, vector<32x2048xf32>
    %reduce_min3A_493 = arith.constant dense<0x7F800000> : vector<32xf32>
    %reduce_min3A_494 = vector.multi_reduction <minimumf>, %select_n3A_450, %reduce_min3A_493 [1] : vector<32x2048xf32> to vector<32xf32>
    %broadcast_in_dim3A_495 = vector.shape_cast %reduce_min3A_494 : vector<32xf32> to vector<32x1xf32>
    %le3A_496 = vector.broadcast %broadcast_in_dim3A_495 : vector<32x1xf32> to vector<32x2048xf32>
    %le3A_497 = arith.cmpf ole, %select_n3A_450, %le3A_496 : vector<32x2048xf32>
    %jit3A_498 = arith.constant 2.048000e+03 : f32
    %broadcast_in_dim3A_499 = vector.broadcast %jit3A_498 : f32 to vector<32x2048xf32>
    %select_n3A_500 = arith.select %le3A_497, %convert_element_type3A, %broadcast_in_dim3A_499 : vector<32x2048xi1>, vector<32x2048xf32>
    %reduce_min3A_501 = arith.constant dense<0x7F800000> : vector<32xf32>
    %reduce_min3A_502 = vector.multi_reduction <minimumf>, %select_n3A_500, %reduce_min3A_501 [1] : vector<32x2048xf32> to vector<32xf32>
    %broadcast_in_dim3A_503 = vector.shape_cast %reduce_min3A_502 : vector<32xf32> to vector<32x1xf32>
    %jit3A_504 = arith.constant 1.000000e+30 : f32
    %broadcast_in_dim3A_505 = vector.broadcast %jit3A_504 : f32 to vector<32x2048xf32>
    %select_n3A_506 = arith.select %le3A_497, %broadcast_in_dim3A_505, %select_n3A_450 : vector<32x2048xi1>, vector<32x2048xf32>
    %reduce_min3A_507 = arith.constant dense<0x7F800000> : vector<32xf32>
    %reduce_min3A_508 = vector.multi_reduction <minimumf>, %select_n3A_464, %reduce_min3A_507 [1] : vector<32x2048xf32> to vector<32xf32>
    %broadcast_in_dim3A_509 = vector.shape_cast %reduce_min3A_508 : vector<32xf32> to vector<32x1xf32>
    %le3A_510 = vector.broadcast %broadcast_in_dim3A_509 : vector<32x1xf32> to vector<32x2048xf32>
    %le3A_511 = arith.cmpf ole, %select_n3A_464, %le3A_510 : vector<32x2048xf32>
    %jit3A_512 = arith.constant 2.048000e+03 : f32
    %broadcast_in_dim3A_513 = vector.broadcast %jit3A_512 : f32 to vector<32x2048xf32>
    %select_n3A_514 = arith.select %le3A_511, %convert_element_type3A, %broadcast_in_dim3A_513 : vector<32x2048xi1>, vector<32x2048xf32>
    %reduce_min3A_515 = arith.constant dense<0x7F800000> : vector<32xf32>
    %reduce_min3A_516 = vector.multi_reduction <minimumf>, %select_n3A_514, %reduce_min3A_515 [1] : vector<32x2048xf32> to vector<32xf32>
    %broadcast_in_dim3A_517 = vector.shape_cast %reduce_min3A_516 : vector<32xf32> to vector<32x1xf32>
    %jit3A_518 = arith.constant 1.000000e+30 : f32
    %broadcast_in_dim3A_519 = vector.broadcast %jit3A_518 : f32 to vector<32x2048xf32>
    %select_n3A_520 = arith.select %le3A_511, %broadcast_in_dim3A_519, %select_n3A_464 : vector<32x2048xi1>, vector<32x2048xf32>
    %reduce_min3A_521 = arith.constant dense<0x7F800000> : vector<32xf32>
    %reduce_min3A_522 = vector.multi_reduction <minimumf>, %select_n3A_478, %reduce_min3A_521 [1] : vector<32x2048xf32> to vector<32xf32>
    %broadcast_in_dim3A_523 = vector.shape_cast %reduce_min3A_522 : vector<32xf32> to vector<32x1xf32>
    %le3A_524 = vector.broadcast %broadcast_in_dim3A_523 : vector<32x1xf32> to vector<32x2048xf32>
    %le3A_525 = arith.cmpf ole, %select_n3A_478, %le3A_524 : vector<32x2048xf32>
    %jit3A_526 = arith.constant 2.048000e+03 : f32
    %broadcast_in_dim3A_527 = vector.broadcast %jit3A_526 : f32 to vector<32x2048xf32>
    %select_n3A_528 = arith.select %le3A_525, %convert_element_type3A, %broadcast_in_dim3A_527 : vector<32x2048xi1>, vector<32x2048xf32>
    %reduce_min3A_529 = arith.constant dense<0x7F800000> : vector<32xf32>
    %reduce_min3A_530 = vector.multi_reduction <minimumf>, %select_n3A_528, %reduce_min3A_529 [1] : vector<32x2048xf32> to vector<32xf32>
    %broadcast_in_dim3A_531 = vector.shape_cast %reduce_min3A_530 : vector<32xf32> to vector<32x1xf32>
    %jit3A_532 = arith.constant 1.000000e+30 : f32
    %broadcast_in_dim3A_533 = vector.broadcast %jit3A_532 : f32 to vector<32x2048xf32>
    %select_n3A_534 = arith.select %le3A_525, %broadcast_in_dim3A_533, %select_n3A_478 : vector<32x2048xi1>, vector<32x2048xf32>
    %reduce_min3A_535 = arith.constant dense<0x7F800000> : vector<32xf32>
    %reduce_min3A_536 = vector.multi_reduction <minimumf>, %select_n3A_492, %reduce_min3A_535 [1] : vector<32x2048xf32> to vector<32xf32>
    %broadcast_in_dim3A_537 = vector.shape_cast %reduce_min3A_536 : vector<32xf32> to vector<32x1xf32>
    %le3A_538 = vector.broadcast %broadcast_in_dim3A_537 : vector<32x1xf32> to vector<32x2048xf32>
    %le3A_539 = arith.cmpf ole, %select_n3A_492, %le3A_538 : vector<32x2048xf32>
    %jit3A_540 = arith.constant 2.048000e+03 : f32
    %broadcast_in_dim3A_541 = vector.broadcast %jit3A_540 : f32 to vector<32x2048xf32>
    %select_n3A_542 = arith.select %le3A_539, %convert_element_type3A, %broadcast_in_dim3A_541 : vector<32x2048xi1>, vector<32x2048xf32>
    %reduce_min3A_543 = arith.constant dense<0x7F800000> : vector<32xf32>
    %reduce_min3A_544 = vector.multi_reduction <minimumf>, %select_n3A_542, %reduce_min3A_543 [1] : vector<32x2048xf32> to vector<32xf32>
    %broadcast_in_dim3A_545 = vector.shape_cast %reduce_min3A_544 : vector<32xf32> to vector<32x1xf32>
    %jit3A_546 = arith.constant 1.000000e+30 : f32
    %broadcast_in_dim3A_547 = vector.broadcast %jit3A_546 : f32 to vector<32x2048xf32>
    %select_n3A_548 = arith.select %le3A_539, %broadcast_in_dim3A_547, %select_n3A_492 : vector<32x2048xi1>, vector<32x2048xf32>
    %reduce_min3A_549 = arith.constant dense<0x7F800000> : vector<32xf32>
    %reduce_min3A_550 = vector.multi_reduction <minimumf>, %select_n3A_506, %reduce_min3A_549 [1] : vector<32x2048xf32> to vector<32xf32>
    %broadcast_in_dim3A_551 = vector.shape_cast %reduce_min3A_550 : vector<32xf32> to vector<32x1xf32>
    %le3A_552 = vector.broadcast %broadcast_in_dim3A_551 : vector<32x1xf32> to vector<32x2048xf32>
    %le3A_553 = arith.cmpf ole, %select_n3A_506, %le3A_552 : vector<32x2048xf32>
    %jit3A_554 = arith.constant 2.048000e+03 : f32
    %broadcast_in_dim3A_555 = vector.broadcast %jit3A_554 : f32 to vector<32x2048xf32>
    %select_n3A_556 = arith.select %le3A_553, %convert_element_type3A, %broadcast_in_dim3A_555 : vector<32x2048xi1>, vector<32x2048xf32>
    %reduce_min3A_557 = arith.constant dense<0x7F800000> : vector<32xf32>
    %reduce_min3A_558 = vector.multi_reduction <minimumf>, %select_n3A_556, %reduce_min3A_557 [1] : vector<32x2048xf32> to vector<32xf32>
    %broadcast_in_dim3A_559 = vector.shape_cast %reduce_min3A_558 : vector<32xf32> to vector<32x1xf32>
    %jit3A_560 = arith.constant 1.000000e+30 : f32
    %broadcast_in_dim3A_561 = vector.broadcast %jit3A_560 : f32 to vector<32x2048xf32>
    %select_n3A_562 = arith.select %le3A_553, %broadcast_in_dim3A_561, %select_n3A_506 : vector<32x2048xi1>, vector<32x2048xf32>
    %reduce_min3A_563 = arith.constant dense<0x7F800000> : vector<32xf32>
    %reduce_min3A_564 = vector.multi_reduction <minimumf>, %select_n3A_520, %reduce_min3A_563 [1] : vector<32x2048xf32> to vector<32xf32>
    %broadcast_in_dim3A_565 = vector.shape_cast %reduce_min3A_564 : vector<32xf32> to vector<32x1xf32>
    %le3A_566 = vector.broadcast %broadcast_in_dim3A_565 : vector<32x1xf32> to vector<32x2048xf32>
    %le3A_567 = arith.cmpf ole, %select_n3A_520, %le3A_566 : vector<32x2048xf32>
    %jit3A_568 = arith.constant 2.048000e+03 : f32
    %broadcast_in_dim3A_569 = vector.broadcast %jit3A_568 : f32 to vector<32x2048xf32>
    %select_n3A_570 = arith.select %le3A_567, %convert_element_type3A, %broadcast_in_dim3A_569 : vector<32x2048xi1>, vector<32x2048xf32>
    %reduce_min3A_571 = arith.constant dense<0x7F800000> : vector<32xf32>
    %reduce_min3A_572 = vector.multi_reduction <minimumf>, %select_n3A_570, %reduce_min3A_571 [1] : vector<32x2048xf32> to vector<32xf32>
    %broadcast_in_dim3A_573 = vector.shape_cast %reduce_min3A_572 : vector<32xf32> to vector<32x1xf32>
    %jit3A_574 = arith.constant 1.000000e+30 : f32
    %broadcast_in_dim3A_575 = vector.broadcast %jit3A_574 : f32 to vector<32x2048xf32>
    %select_n3A_576 = arith.select %le3A_567, %broadcast_in_dim3A_575, %select_n3A_520 : vector<32x2048xi1>, vector<32x2048xf32>
    %reduce_min3A_577 = arith.constant dense<0x7F800000> : vector<32xf32>
    %reduce_min3A_578 = vector.multi_reduction <minimumf>, %select_n3A_534, %reduce_min3A_577 [1] : vector<32x2048xf32> to vector<32xf32>
    %broadcast_in_dim3A_579 = vector.shape_cast %reduce_min3A_578 : vector<32xf32> to vector<32x1xf32>
    %le3A_580 = vector.broadcast %broadcast_in_dim3A_579 : vector<32x1xf32> to vector<32x2048xf32>
    %le3A_581 = arith.cmpf ole, %select_n3A_534, %le3A_580 : vector<32x2048xf32>
    %jit3A_582 = arith.constant 2.048000e+03 : f32
    %broadcast_in_dim3A_583 = vector.broadcast %jit3A_582 : f32 to vector<32x2048xf32>
    %select_n3A_584 = arith.select %le3A_581, %convert_element_type3A, %broadcast_in_dim3A_583 : vector<32x2048xi1>, vector<32x2048xf32>
    %reduce_min3A_585 = arith.constant dense<0x7F800000> : vector<32xf32>
    %reduce_min3A_586 = vector.multi_reduction <minimumf>, %select_n3A_584, %reduce_min3A_585 [1] : vector<32x2048xf32> to vector<32xf32>
    %broadcast_in_dim3A_587 = vector.shape_cast %reduce_min3A_586 : vector<32xf32> to vector<32x1xf32>
    %jit3A_588 = arith.constant 1.000000e+30 : f32
    %broadcast_in_dim3A_589 = vector.broadcast %jit3A_588 : f32 to vector<32x2048xf32>
    %select_n3A_590 = arith.select %le3A_581, %broadcast_in_dim3A_589, %select_n3A_534 : vector<32x2048xi1>, vector<32x2048xf32>
    %reduce_min3A_591 = arith.constant dense<0x7F800000> : vector<32xf32>
    %reduce_min3A_592 = vector.multi_reduction <minimumf>, %select_n3A_548, %reduce_min3A_591 [1] : vector<32x2048xf32> to vector<32xf32>
    %broadcast_in_dim3A_593 = vector.shape_cast %reduce_min3A_592 : vector<32xf32> to vector<32x1xf32>
    %le3A_594 = vector.broadcast %broadcast_in_dim3A_593 : vector<32x1xf32> to vector<32x2048xf32>
    %le3A_595 = arith.cmpf ole, %select_n3A_548, %le3A_594 : vector<32x2048xf32>
    %jit3A_596 = arith.constant 2.048000e+03 : f32
    %broadcast_in_dim3A_597 = vector.broadcast %jit3A_596 : f32 to vector<32x2048xf32>
    %select_n3A_598 = arith.select %le3A_595, %convert_element_type3A, %broadcast_in_dim3A_597 : vector<32x2048xi1>, vector<32x2048xf32>
    %reduce_min3A_599 = arith.constant dense<0x7F800000> : vector<32xf32>
    %reduce_min3A_600 = vector.multi_reduction <minimumf>, %select_n3A_598, %reduce_min3A_599 [1] : vector<32x2048xf32> to vector<32xf32>
    %broadcast_in_dim3A_601 = vector.shape_cast %reduce_min3A_600 : vector<32xf32> to vector<32x1xf32>
    %jit3A_602 = arith.constant 1.000000e+30 : f32
    %broadcast_in_dim3A_603 = vector.broadcast %jit3A_602 : f32 to vector<32x2048xf32>
    %select_n3A_604 = arith.select %le3A_595, %broadcast_in_dim3A_603, %select_n3A_548 : vector<32x2048xi1>, vector<32x2048xf32>
    %reduce_min3A_605 = arith.constant dense<0x7F800000> : vector<32xf32>
    %reduce_min3A_606 = vector.multi_reduction <minimumf>, %select_n3A_562, %reduce_min3A_605 [1] : vector<32x2048xf32> to vector<32xf32>
    %broadcast_in_dim3A_607 = vector.shape_cast %reduce_min3A_606 : vector<32xf32> to vector<32x1xf32>
    %le3A_608 = vector.broadcast %broadcast_in_dim3A_607 : vector<32x1xf32> to vector<32x2048xf32>
    %le3A_609 = arith.cmpf ole, %select_n3A_562, %le3A_608 : vector<32x2048xf32>
    %jit3A_610 = arith.constant 2.048000e+03 : f32
    %broadcast_in_dim3A_611 = vector.broadcast %jit3A_610 : f32 to vector<32x2048xf32>
    %select_n3A_612 = arith.select %le3A_609, %convert_element_type3A, %broadcast_in_dim3A_611 : vector<32x2048xi1>, vector<32x2048xf32>
    %reduce_min3A_613 = arith.constant dense<0x7F800000> : vector<32xf32>
    %reduce_min3A_614 = vector.multi_reduction <minimumf>, %select_n3A_612, %reduce_min3A_613 [1] : vector<32x2048xf32> to vector<32xf32>
    %broadcast_in_dim3A_615 = vector.shape_cast %reduce_min3A_614 : vector<32xf32> to vector<32x1xf32>
    %jit3A_616 = arith.constant 1.000000e+30 : f32
    %broadcast_in_dim3A_617 = vector.broadcast %jit3A_616 : f32 to vector<32x2048xf32>
    %select_n3A_618 = arith.select %le3A_609, %broadcast_in_dim3A_617, %select_n3A_562 : vector<32x2048xi1>, vector<32x2048xf32>
    %reduce_min3A_619 = arith.constant dense<0x7F800000> : vector<32xf32>
    %reduce_min3A_620 = vector.multi_reduction <minimumf>, %select_n3A_576, %reduce_min3A_619 [1] : vector<32x2048xf32> to vector<32xf32>
    %broadcast_in_dim3A_621 = vector.shape_cast %reduce_min3A_620 : vector<32xf32> to vector<32x1xf32>
    %le3A_622 = vector.broadcast %broadcast_in_dim3A_621 : vector<32x1xf32> to vector<32x2048xf32>
    %le3A_623 = arith.cmpf ole, %select_n3A_576, %le3A_622 : vector<32x2048xf32>
    %jit3A_624 = arith.constant 2.048000e+03 : f32
    %broadcast_in_dim3A_625 = vector.broadcast %jit3A_624 : f32 to vector<32x2048xf32>
    %select_n3A_626 = arith.select %le3A_623, %convert_element_type3A, %broadcast_in_dim3A_625 : vector<32x2048xi1>, vector<32x2048xf32>
    %reduce_min3A_627 = arith.constant dense<0x7F800000> : vector<32xf32>
    %reduce_min3A_628 = vector.multi_reduction <minimumf>, %select_n3A_626, %reduce_min3A_627 [1] : vector<32x2048xf32> to vector<32xf32>
    %broadcast_in_dim3A_629 = vector.shape_cast %reduce_min3A_628 : vector<32xf32> to vector<32x1xf32>
    %jit3A_630 = arith.constant 1.000000e+30 : f32
    %broadcast_in_dim3A_631 = vector.broadcast %jit3A_630 : f32 to vector<32x2048xf32>
    %select_n3A_632 = arith.select %le3A_623, %broadcast_in_dim3A_631, %select_n3A_576 : vector<32x2048xi1>, vector<32x2048xf32>
    %reduce_min3A_633 = arith.constant dense<0x7F800000> : vector<32xf32>
    %reduce_min3A_634 = vector.multi_reduction <minimumf>, %select_n3A_590, %reduce_min3A_633 [1] : vector<32x2048xf32> to vector<32xf32>
    %broadcast_in_dim3A_635 = vector.shape_cast %reduce_min3A_634 : vector<32xf32> to vector<32x1xf32>
    %le3A_636 = vector.broadcast %broadcast_in_dim3A_635 : vector<32x1xf32> to vector<32x2048xf32>
    %le3A_637 = arith.cmpf ole, %select_n3A_590, %le3A_636 : vector<32x2048xf32>
    %jit3A_638 = arith.constant 2.048000e+03 : f32
    %broadcast_in_dim3A_639 = vector.broadcast %jit3A_638 : f32 to vector<32x2048xf32>
    %select_n3A_640 = arith.select %le3A_637, %convert_element_type3A, %broadcast_in_dim3A_639 : vector<32x2048xi1>, vector<32x2048xf32>
    %reduce_min3A_641 = arith.constant dense<0x7F800000> : vector<32xf32>
    %reduce_min3A_642 = vector.multi_reduction <minimumf>, %select_n3A_640, %reduce_min3A_641 [1] : vector<32x2048xf32> to vector<32xf32>
    %broadcast_in_dim3A_643 = vector.shape_cast %reduce_min3A_642 : vector<32xf32> to vector<32x1xf32>
    %jit3A_644 = arith.constant 1.000000e+30 : f32
    %broadcast_in_dim3A_645 = vector.broadcast %jit3A_644 : f32 to vector<32x2048xf32>
    %select_n3A_646 = arith.select %le3A_637, %broadcast_in_dim3A_645, %select_n3A_590 : vector<32x2048xi1>, vector<32x2048xf32>
    %reduce_min3A_647 = arith.constant dense<0x7F800000> : vector<32xf32>
    %reduce_min3A_648 = vector.multi_reduction <minimumf>, %select_n3A_604, %reduce_min3A_647 [1] : vector<32x2048xf32> to vector<32xf32>
    %broadcast_in_dim3A_649 = vector.shape_cast %reduce_min3A_648 : vector<32xf32> to vector<32x1xf32>
    %le3A_650 = vector.broadcast %broadcast_in_dim3A_649 : vector<32x1xf32> to vector<32x2048xf32>
    %le3A_651 = arith.cmpf ole, %select_n3A_604, %le3A_650 : vector<32x2048xf32>
    %jit3A_652 = arith.constant 2.048000e+03 : f32
    %broadcast_in_dim3A_653 = vector.broadcast %jit3A_652 : f32 to vector<32x2048xf32>
    %select_n3A_654 = arith.select %le3A_651, %convert_element_type3A, %broadcast_in_dim3A_653 : vector<32x2048xi1>, vector<32x2048xf32>
    %reduce_min3A_655 = arith.constant dense<0x7F800000> : vector<32xf32>
    %reduce_min3A_656 = vector.multi_reduction <minimumf>, %select_n3A_654, %reduce_min3A_655 [1] : vector<32x2048xf32> to vector<32xf32>
    %broadcast_in_dim3A_657 = vector.shape_cast %reduce_min3A_656 : vector<32xf32> to vector<32x1xf32>
    %jit3A_658 = arith.constant 1.000000e+30 : f32
    %broadcast_in_dim3A_659 = vector.broadcast %jit3A_658 : f32 to vector<32x2048xf32>
    %select_n3A_660 = arith.select %le3A_651, %broadcast_in_dim3A_659, %select_n3A_604 : vector<32x2048xi1>, vector<32x2048xf32>
    %reduce_min3A_661 = arith.constant dense<0x7F800000> : vector<32xf32>
    %reduce_min3A_662 = vector.multi_reduction <minimumf>, %select_n3A_618, %reduce_min3A_661 [1] : vector<32x2048xf32> to vector<32xf32>
    %broadcast_in_dim3A_663 = vector.shape_cast %reduce_min3A_662 : vector<32xf32> to vector<32x1xf32>
    %le3A_664 = vector.broadcast %broadcast_in_dim3A_663 : vector<32x1xf32> to vector<32x2048xf32>
    %le3A_665 = arith.cmpf ole, %select_n3A_618, %le3A_664 : vector<32x2048xf32>
    %jit3A_666 = arith.constant 2.048000e+03 : f32
    %broadcast_in_dim3A_667 = vector.broadcast %jit3A_666 : f32 to vector<32x2048xf32>
    %select_n3A_668 = arith.select %le3A_665, %convert_element_type3A, %broadcast_in_dim3A_667 : vector<32x2048xi1>, vector<32x2048xf32>
    %reduce_min3A_669 = arith.constant dense<0x7F800000> : vector<32xf32>
    %reduce_min3A_670 = vector.multi_reduction <minimumf>, %select_n3A_668, %reduce_min3A_669 [1] : vector<32x2048xf32> to vector<32xf32>
    %broadcast_in_dim3A_671 = vector.shape_cast %reduce_min3A_670 : vector<32xf32> to vector<32x1xf32>
    %jit3A_672 = arith.constant 1.000000e+30 : f32
    %broadcast_in_dim3A_673 = vector.broadcast %jit3A_672 : f32 to vector<32x2048xf32>
    %select_n3A_674 = arith.select %le3A_665, %broadcast_in_dim3A_673, %select_n3A_618 : vector<32x2048xi1>, vector<32x2048xf32>
    %reduce_min3A_675 = arith.constant dense<0x7F800000> : vector<32xf32>
    %reduce_min3A_676 = vector.multi_reduction <minimumf>, %select_n3A_632, %reduce_min3A_675 [1] : vector<32x2048xf32> to vector<32xf32>
    %broadcast_in_dim3A_677 = vector.shape_cast %reduce_min3A_676 : vector<32xf32> to vector<32x1xf32>
    %le3A_678 = vector.broadcast %broadcast_in_dim3A_677 : vector<32x1xf32> to vector<32x2048xf32>
    %le3A_679 = arith.cmpf ole, %select_n3A_632, %le3A_678 : vector<32x2048xf32>
    %jit3A_680 = arith.constant 2.048000e+03 : f32
    %broadcast_in_dim3A_681 = vector.broadcast %jit3A_680 : f32 to vector<32x2048xf32>
    %select_n3A_682 = arith.select %le3A_679, %convert_element_type3A, %broadcast_in_dim3A_681 : vector<32x2048xi1>, vector<32x2048xf32>
    %reduce_min3A_683 = arith.constant dense<0x7F800000> : vector<32xf32>
    %reduce_min3A_684 = vector.multi_reduction <minimumf>, %select_n3A_682, %reduce_min3A_683 [1] : vector<32x2048xf32> to vector<32xf32>
    %broadcast_in_dim3A_685 = vector.shape_cast %reduce_min3A_684 : vector<32xf32> to vector<32x1xf32>
    %jit3A_686 = arith.constant 1.000000e+30 : f32
    %broadcast_in_dim3A_687 = vector.broadcast %jit3A_686 : f32 to vector<32x2048xf32>
    %select_n3A_688 = arith.select %le3A_679, %broadcast_in_dim3A_687, %select_n3A_632 : vector<32x2048xi1>, vector<32x2048xf32>
    %reduce_min3A_689 = arith.constant dense<0x7F800000> : vector<32xf32>
    %reduce_min3A_690 = vector.multi_reduction <minimumf>, %select_n3A_646, %reduce_min3A_689 [1] : vector<32x2048xf32> to vector<32xf32>
    %broadcast_in_dim3A_691 = vector.shape_cast %reduce_min3A_690 : vector<32xf32> to vector<32x1xf32>
    %le3A_692 = vector.broadcast %broadcast_in_dim3A_691 : vector<32x1xf32> to vector<32x2048xf32>
    %le3A_693 = arith.cmpf ole, %select_n3A_646, %le3A_692 : vector<32x2048xf32>
    %jit3A_694 = arith.constant 2.048000e+03 : f32
    %broadcast_in_dim3A_695 = vector.broadcast %jit3A_694 : f32 to vector<32x2048xf32>
    %select_n3A_696 = arith.select %le3A_693, %convert_element_type3A, %broadcast_in_dim3A_695 : vector<32x2048xi1>, vector<32x2048xf32>
    %reduce_min3A_697 = arith.constant dense<0x7F800000> : vector<32xf32>
    %reduce_min3A_698 = vector.multi_reduction <minimumf>, %select_n3A_696, %reduce_min3A_697 [1] : vector<32x2048xf32> to vector<32xf32>
    %broadcast_in_dim3A_699 = vector.shape_cast %reduce_min3A_698 : vector<32xf32> to vector<32x1xf32>
    %jit3A_700 = arith.constant 1.000000e+30 : f32
    %broadcast_in_dim3A_701 = vector.broadcast %jit3A_700 : f32 to vector<32x2048xf32>
    %select_n3A_702 = arith.select %le3A_693, %broadcast_in_dim3A_701, %select_n3A_646 : vector<32x2048xi1>, vector<32x2048xf32>
    %reduce_min3A_703 = arith.constant dense<0x7F800000> : vector<32xf32>
    %reduce_min3A_704 = vector.multi_reduction <minimumf>, %select_n3A_660, %reduce_min3A_703 [1] : vector<32x2048xf32> to vector<32xf32>
    %broadcast_in_dim3A_705 = vector.shape_cast %reduce_min3A_704 : vector<32xf32> to vector<32x1xf32>
    %le3A_706 = vector.broadcast %broadcast_in_dim3A_705 : vector<32x1xf32> to vector<32x2048xf32>
    %le3A_707 = arith.cmpf ole, %select_n3A_660, %le3A_706 : vector<32x2048xf32>
    %jit3A_708 = arith.constant 2.048000e+03 : f32
    %broadcast_in_dim3A_709 = vector.broadcast %jit3A_708 : f32 to vector<32x2048xf32>
    %select_n3A_710 = arith.select %le3A_707, %convert_element_type3A, %broadcast_in_dim3A_709 : vector<32x2048xi1>, vector<32x2048xf32>
    %reduce_min3A_711 = arith.constant dense<0x7F800000> : vector<32xf32>
    %reduce_min3A_712 = vector.multi_reduction <minimumf>, %select_n3A_710, %reduce_min3A_711 [1] : vector<32x2048xf32> to vector<32xf32>
    %broadcast_in_dim3A_713 = vector.shape_cast %reduce_min3A_712 : vector<32xf32> to vector<32x1xf32>
    %jit3A_714 = arith.constant 1.000000e+30 : f32
    %broadcast_in_dim3A_715 = vector.broadcast %jit3A_714 : f32 to vector<32x2048xf32>
    %select_n3A_716 = arith.select %le3A_707, %broadcast_in_dim3A_715, %select_n3A_660 : vector<32x2048xi1>, vector<32x2048xf32>
    %reduce_min3A_717 = arith.constant dense<0x7F800000> : vector<32xf32>
    %reduce_min3A_718 = vector.multi_reduction <minimumf>, %select_n3A_674, %reduce_min3A_717 [1] : vector<32x2048xf32> to vector<32xf32>
    %broadcast_in_dim3A_719 = vector.shape_cast %reduce_min3A_718 : vector<32xf32> to vector<32x1xf32>
    %le3A_720 = vector.broadcast %broadcast_in_dim3A_719 : vector<32x1xf32> to vector<32x2048xf32>
    %le3A_721 = arith.cmpf ole, %select_n3A_674, %le3A_720 : vector<32x2048xf32>
    %jit3A_722 = arith.constant 2.048000e+03 : f32
    %broadcast_in_dim3A_723 = vector.broadcast %jit3A_722 : f32 to vector<32x2048xf32>
    %select_n3A_724 = arith.select %le3A_721, %convert_element_type3A, %broadcast_in_dim3A_723 : vector<32x2048xi1>, vector<32x2048xf32>
    %reduce_min3A_725 = arith.constant dense<0x7F800000> : vector<32xf32>
    %reduce_min3A_726 = vector.multi_reduction <minimumf>, %select_n3A_724, %reduce_min3A_725 [1] : vector<32x2048xf32> to vector<32xf32>
    %broadcast_in_dim3A_727 = vector.shape_cast %reduce_min3A_726 : vector<32xf32> to vector<32x1xf32>
    %jit3A_728 = arith.constant 1.000000e+30 : f32
    %broadcast_in_dim3A_729 = vector.broadcast %jit3A_728 : f32 to vector<32x2048xf32>
    %select_n3A_730 = arith.select %le3A_721, %broadcast_in_dim3A_729, %select_n3A_674 : vector<32x2048xi1>, vector<32x2048xf32>
    %reduce_min3A_731 = arith.constant dense<0x7F800000> : vector<32xf32>
    %reduce_min3A_732 = vector.multi_reduction <minimumf>, %select_n3A_688, %reduce_min3A_731 [1] : vector<32x2048xf32> to vector<32xf32>
    %broadcast_in_dim3A_733 = vector.shape_cast %reduce_min3A_732 : vector<32xf32> to vector<32x1xf32>
    %le3A_734 = vector.broadcast %broadcast_in_dim3A_733 : vector<32x1xf32> to vector<32x2048xf32>
    %le3A_735 = arith.cmpf ole, %select_n3A_688, %le3A_734 : vector<32x2048xf32>
    %jit3A_736 = arith.constant 2.048000e+03 : f32
    %broadcast_in_dim3A_737 = vector.broadcast %jit3A_736 : f32 to vector<32x2048xf32>
    %select_n3A_738 = arith.select %le3A_735, %convert_element_type3A, %broadcast_in_dim3A_737 : vector<32x2048xi1>, vector<32x2048xf32>
    %reduce_min3A_739 = arith.constant dense<0x7F800000> : vector<32xf32>
    %reduce_min3A_740 = vector.multi_reduction <minimumf>, %select_n3A_738, %reduce_min3A_739 [1] : vector<32x2048xf32> to vector<32xf32>
    %broadcast_in_dim3A_741 = vector.shape_cast %reduce_min3A_740 : vector<32xf32> to vector<32x1xf32>
    %jit3A_742 = arith.constant 1.000000e+30 : f32
    %broadcast_in_dim3A_743 = vector.broadcast %jit3A_742 : f32 to vector<32x2048xf32>
    %select_n3A_744 = arith.select %le3A_735, %broadcast_in_dim3A_743, %select_n3A_688 : vector<32x2048xi1>, vector<32x2048xf32>
    %reduce_min3A_745 = arith.constant dense<0x7F800000> : vector<32xf32>
    %reduce_min3A_746 = vector.multi_reduction <minimumf>, %select_n3A_702, %reduce_min3A_745 [1] : vector<32x2048xf32> to vector<32xf32>
    %broadcast_in_dim3A_747 = vector.shape_cast %reduce_min3A_746 : vector<32xf32> to vector<32x1xf32>
    %le3A_748 = vector.broadcast %broadcast_in_dim3A_747 : vector<32x1xf32> to vector<32x2048xf32>
    %le3A_749 = arith.cmpf ole, %select_n3A_702, %le3A_748 : vector<32x2048xf32>
    %jit3A_750 = arith.constant 2.048000e+03 : f32
    %broadcast_in_dim3A_751 = vector.broadcast %jit3A_750 : f32 to vector<32x2048xf32>
    %select_n3A_752 = arith.select %le3A_749, %convert_element_type3A, %broadcast_in_dim3A_751 : vector<32x2048xi1>, vector<32x2048xf32>
    %reduce_min3A_753 = arith.constant dense<0x7F800000> : vector<32xf32>
    %reduce_min3A_754 = vector.multi_reduction <minimumf>, %select_n3A_752, %reduce_min3A_753 [1] : vector<32x2048xf32> to vector<32xf32>
    %broadcast_in_dim3A_755 = vector.shape_cast %reduce_min3A_754 : vector<32xf32> to vector<32x1xf32>
    %jit3A_756 = arith.constant 1.000000e+30 : f32
    %broadcast_in_dim3A_757 = vector.broadcast %jit3A_756 : f32 to vector<32x2048xf32>
    %select_n3A_758 = arith.select %le3A_749, %broadcast_in_dim3A_757, %select_n3A_702 : vector<32x2048xi1>, vector<32x2048xf32>
    %reduce_min3A_759 = arith.constant dense<0x7F800000> : vector<32xf32>
    %reduce_min3A_760 = vector.multi_reduction <minimumf>, %select_n3A_716, %reduce_min3A_759 [1] : vector<32x2048xf32> to vector<32xf32>
    %broadcast_in_dim3A_761 = vector.shape_cast %reduce_min3A_760 : vector<32xf32> to vector<32x1xf32>
    %le3A_762 = vector.broadcast %broadcast_in_dim3A_761 : vector<32x1xf32> to vector<32x2048xf32>
    %le3A_763 = arith.cmpf ole, %select_n3A_716, %le3A_762 : vector<32x2048xf32>
    %jit3A_764 = arith.constant 2.048000e+03 : f32
    %broadcast_in_dim3A_765 = vector.broadcast %jit3A_764 : f32 to vector<32x2048xf32>
    %select_n3A_766 = arith.select %le3A_763, %convert_element_type3A, %broadcast_in_dim3A_765 : vector<32x2048xi1>, vector<32x2048xf32>
    %reduce_min3A_767 = arith.constant dense<0x7F800000> : vector<32xf32>
    %reduce_min3A_768 = vector.multi_reduction <minimumf>, %select_n3A_766, %reduce_min3A_767 [1] : vector<32x2048xf32> to vector<32xf32>
    %broadcast_in_dim3A_769 = vector.shape_cast %reduce_min3A_768 : vector<32xf32> to vector<32x1xf32>
    %jit3A_770 = arith.constant 1.000000e+30 : f32
    %broadcast_in_dim3A_771 = vector.broadcast %jit3A_770 : f32 to vector<32x2048xf32>
    %select_n3A_772 = arith.select %le3A_763, %broadcast_in_dim3A_771, %select_n3A_716 : vector<32x2048xi1>, vector<32x2048xf32>
    %reduce_min3A_773 = arith.constant dense<0x7F800000> : vector<32xf32>
    %reduce_min3A_774 = vector.multi_reduction <minimumf>, %select_n3A_730, %reduce_min3A_773 [1] : vector<32x2048xf32> to vector<32xf32>
    %broadcast_in_dim3A_775 = vector.shape_cast %reduce_min3A_774 : vector<32xf32> to vector<32x1xf32>
    %le3A_776 = vector.broadcast %broadcast_in_dim3A_775 : vector<32x1xf32> to vector<32x2048xf32>
    %le3A_777 = arith.cmpf ole, %select_n3A_730, %le3A_776 : vector<32x2048xf32>
    %jit3A_778 = arith.constant 2.048000e+03 : f32
    %broadcast_in_dim3A_779 = vector.broadcast %jit3A_778 : f32 to vector<32x2048xf32>
    %select_n3A_780 = arith.select %le3A_777, %convert_element_type3A, %broadcast_in_dim3A_779 : vector<32x2048xi1>, vector<32x2048xf32>
    %reduce_min3A_781 = arith.constant dense<0x7F800000> : vector<32xf32>
    %reduce_min3A_782 = vector.multi_reduction <minimumf>, %select_n3A_780, %reduce_min3A_781 [1] : vector<32x2048xf32> to vector<32xf32>
    %broadcast_in_dim3A_783 = vector.shape_cast %reduce_min3A_782 : vector<32xf32> to vector<32x1xf32>
    %jit3A_784 = arith.constant 1.000000e+30 : f32
    %broadcast_in_dim3A_785 = vector.broadcast %jit3A_784 : f32 to vector<32x2048xf32>
    %select_n3A_786 = arith.select %le3A_777, %broadcast_in_dim3A_785, %select_n3A_730 : vector<32x2048xi1>, vector<32x2048xf32>
    %reduce_min3A_787 = arith.constant dense<0x7F800000> : vector<32xf32>
    %reduce_min3A_788 = vector.multi_reduction <minimumf>, %select_n3A_744, %reduce_min3A_787 [1] : vector<32x2048xf32> to vector<32xf32>
    %broadcast_in_dim3A_789 = vector.shape_cast %reduce_min3A_788 : vector<32xf32> to vector<32x1xf32>
    %le3A_790 = vector.broadcast %broadcast_in_dim3A_789 : vector<32x1xf32> to vector<32x2048xf32>
    %le3A_791 = arith.cmpf ole, %select_n3A_744, %le3A_790 : vector<32x2048xf32>
    %jit3A_792 = arith.constant 2.048000e+03 : f32
    %broadcast_in_dim3A_793 = vector.broadcast %jit3A_792 : f32 to vector<32x2048xf32>
    %select_n3A_794 = arith.select %le3A_791, %convert_element_type3A, %broadcast_in_dim3A_793 : vector<32x2048xi1>, vector<32x2048xf32>
    %reduce_min3A_795 = arith.constant dense<0x7F800000> : vector<32xf32>
    %reduce_min3A_796 = vector.multi_reduction <minimumf>, %select_n3A_794, %reduce_min3A_795 [1] : vector<32x2048xf32> to vector<32xf32>
    %broadcast_in_dim3A_797 = vector.shape_cast %reduce_min3A_796 : vector<32xf32> to vector<32x1xf32>
    %jit3A_798 = arith.constant 1.000000e+30 : f32
    %broadcast_in_dim3A_799 = vector.broadcast %jit3A_798 : f32 to vector<32x2048xf32>
    %select_n3A_800 = arith.select %le3A_791, %broadcast_in_dim3A_799, %select_n3A_744 : vector<32x2048xi1>, vector<32x2048xf32>
    %reduce_min3A_801 = arith.constant dense<0x7F800000> : vector<32xf32>
    %reduce_min3A_802 = vector.multi_reduction <minimumf>, %select_n3A_758, %reduce_min3A_801 [1] : vector<32x2048xf32> to vector<32xf32>
    %broadcast_in_dim3A_803 = vector.shape_cast %reduce_min3A_802 : vector<32xf32> to vector<32x1xf32>
    %le3A_804 = vector.broadcast %broadcast_in_dim3A_803 : vector<32x1xf32> to vector<32x2048xf32>
    %le3A_805 = arith.cmpf ole, %select_n3A_758, %le3A_804 : vector<32x2048xf32>
    %jit3A_806 = arith.constant 2.048000e+03 : f32
    %broadcast_in_dim3A_807 = vector.broadcast %jit3A_806 : f32 to vector<32x2048xf32>
    %select_n3A_808 = arith.select %le3A_805, %convert_element_type3A, %broadcast_in_dim3A_807 : vector<32x2048xi1>, vector<32x2048xf32>
    %reduce_min3A_809 = arith.constant dense<0x7F800000> : vector<32xf32>
    %reduce_min3A_810 = vector.multi_reduction <minimumf>, %select_n3A_808, %reduce_min3A_809 [1] : vector<32x2048xf32> to vector<32xf32>
    %broadcast_in_dim3A_811 = vector.shape_cast %reduce_min3A_810 : vector<32xf32> to vector<32x1xf32>
    %jit3A_812 = arith.constant 1.000000e+30 : f32
    %broadcast_in_dim3A_813 = vector.broadcast %jit3A_812 : f32 to vector<32x2048xf32>
    %select_n3A_814 = arith.select %le3A_805, %broadcast_in_dim3A_813, %select_n3A_758 : vector<32x2048xi1>, vector<32x2048xf32>
    %reduce_min3A_815 = arith.constant dense<0x7F800000> : vector<32xf32>
    %reduce_min3A_816 = vector.multi_reduction <minimumf>, %select_n3A_772, %reduce_min3A_815 [1] : vector<32x2048xf32> to vector<32xf32>
    %broadcast_in_dim3A_817 = vector.shape_cast %reduce_min3A_816 : vector<32xf32> to vector<32x1xf32>
    %le3A_818 = vector.broadcast %broadcast_in_dim3A_817 : vector<32x1xf32> to vector<32x2048xf32>
    %le3A_819 = arith.cmpf ole, %select_n3A_772, %le3A_818 : vector<32x2048xf32>
    %jit3A_820 = arith.constant 2.048000e+03 : f32
    %broadcast_in_dim3A_821 = vector.broadcast %jit3A_820 : f32 to vector<32x2048xf32>
    %select_n3A_822 = arith.select %le3A_819, %convert_element_type3A, %broadcast_in_dim3A_821 : vector<32x2048xi1>, vector<32x2048xf32>
    %reduce_min3A_823 = arith.constant dense<0x7F800000> : vector<32xf32>
    %reduce_min3A_824 = vector.multi_reduction <minimumf>, %select_n3A_822, %reduce_min3A_823 [1] : vector<32x2048xf32> to vector<32xf32>
    %broadcast_in_dim3A_825 = vector.shape_cast %reduce_min3A_824 : vector<32xf32> to vector<32x1xf32>
    %jit3A_826 = arith.constant 1.000000e+30 : f32
    %broadcast_in_dim3A_827 = vector.broadcast %jit3A_826 : f32 to vector<32x2048xf32>
    %select_n3A_828 = arith.select %le3A_819, %broadcast_in_dim3A_827, %select_n3A_772 : vector<32x2048xi1>, vector<32x2048xf32>
    %reduce_min3A_829 = arith.constant dense<0x7F800000> : vector<32xf32>
    %reduce_min3A_830 = vector.multi_reduction <minimumf>, %select_n3A_786, %reduce_min3A_829 [1] : vector<32x2048xf32> to vector<32xf32>
    %broadcast_in_dim3A_831 = vector.shape_cast %reduce_min3A_830 : vector<32xf32> to vector<32x1xf32>
    %le3A_832 = vector.broadcast %broadcast_in_dim3A_831 : vector<32x1xf32> to vector<32x2048xf32>
    %le3A_833 = arith.cmpf ole, %select_n3A_786, %le3A_832 : vector<32x2048xf32>
    %jit3A_834 = arith.constant 2.048000e+03 : f32
    %broadcast_in_dim3A_835 = vector.broadcast %jit3A_834 : f32 to vector<32x2048xf32>
    %select_n3A_836 = arith.select %le3A_833, %convert_element_type3A, %broadcast_in_dim3A_835 : vector<32x2048xi1>, vector<32x2048xf32>
    %reduce_min3A_837 = arith.constant dense<0x7F800000> : vector<32xf32>
    %reduce_min3A_838 = vector.multi_reduction <minimumf>, %select_n3A_836, %reduce_min3A_837 [1] : vector<32x2048xf32> to vector<32xf32>
    %broadcast_in_dim3A_839 = vector.shape_cast %reduce_min3A_838 : vector<32xf32> to vector<32x1xf32>
    %jit3A_840 = arith.constant 1.000000e+30 : f32
    %broadcast_in_dim3A_841 = vector.broadcast %jit3A_840 : f32 to vector<32x2048xf32>
    %select_n3A_842 = arith.select %le3A_833, %broadcast_in_dim3A_841, %select_n3A_786 : vector<32x2048xi1>, vector<32x2048xf32>
    %reduce_min3A_843 = arith.constant dense<0x7F800000> : vector<32xf32>
    %reduce_min3A_844 = vector.multi_reduction <minimumf>, %select_n3A_800, %reduce_min3A_843 [1] : vector<32x2048xf32> to vector<32xf32>
    %broadcast_in_dim3A_845 = vector.shape_cast %reduce_min3A_844 : vector<32xf32> to vector<32x1xf32>
    %le3A_846 = vector.broadcast %broadcast_in_dim3A_845 : vector<32x1xf32> to vector<32x2048xf32>
    %le3A_847 = arith.cmpf ole, %select_n3A_800, %le3A_846 : vector<32x2048xf32>
    %jit3A_848 = arith.constant 2.048000e+03 : f32
    %broadcast_in_dim3A_849 = vector.broadcast %jit3A_848 : f32 to vector<32x2048xf32>
    %select_n3A_850 = arith.select %le3A_847, %convert_element_type3A, %broadcast_in_dim3A_849 : vector<32x2048xi1>, vector<32x2048xf32>
    %reduce_min3A_851 = arith.constant dense<0x7F800000> : vector<32xf32>
    %reduce_min3A_852 = vector.multi_reduction <minimumf>, %select_n3A_850, %reduce_min3A_851 [1] : vector<32x2048xf32> to vector<32xf32>
    %broadcast_in_dim3A_853 = vector.shape_cast %reduce_min3A_852 : vector<32xf32> to vector<32x1xf32>
    %jit3A_854 = arith.constant 1.000000e+30 : f32
    %broadcast_in_dim3A_855 = vector.broadcast %jit3A_854 : f32 to vector<32x2048xf32>
    %select_n3A_856 = arith.select %le3A_847, %broadcast_in_dim3A_855, %select_n3A_800 : vector<32x2048xi1>, vector<32x2048xf32>
    %reduce_min3A_857 = arith.constant dense<0x7F800000> : vector<32xf32>
    %reduce_min3A_858 = vector.multi_reduction <minimumf>, %select_n3A_814, %reduce_min3A_857 [1] : vector<32x2048xf32> to vector<32xf32>
    %broadcast_in_dim3A_859 = vector.shape_cast %reduce_min3A_858 : vector<32xf32> to vector<32x1xf32>
    %le3A_860 = vector.broadcast %broadcast_in_dim3A_859 : vector<32x1xf32> to vector<32x2048xf32>
    %le3A_861 = arith.cmpf ole, %select_n3A_814, %le3A_860 : vector<32x2048xf32>
    %jit3A_862 = arith.constant 2.048000e+03 : f32
    %broadcast_in_dim3A_863 = vector.broadcast %jit3A_862 : f32 to vector<32x2048xf32>
    %select_n3A_864 = arith.select %le3A_861, %convert_element_type3A, %broadcast_in_dim3A_863 : vector<32x2048xi1>, vector<32x2048xf32>
    %reduce_min3A_865 = arith.constant dense<0x7F800000> : vector<32xf32>
    %reduce_min3A_866 = vector.multi_reduction <minimumf>, %select_n3A_864, %reduce_min3A_865 [1] : vector<32x2048xf32> to vector<32xf32>
    %broadcast_in_dim3A_867 = vector.shape_cast %reduce_min3A_866 : vector<32xf32> to vector<32x1xf32>
    %jit3A_868 = arith.constant 1.000000e+30 : f32
    %broadcast_in_dim3A_869 = vector.broadcast %jit3A_868 : f32 to vector<32x2048xf32>
    %select_n3A_870 = arith.select %le3A_861, %broadcast_in_dim3A_869, %select_n3A_814 : vector<32x2048xi1>, vector<32x2048xf32>
    %reduce_min3A_871 = arith.constant dense<0x7F800000> : vector<32xf32>
    %reduce_min3A_872 = vector.multi_reduction <minimumf>, %select_n3A_828, %reduce_min3A_871 [1] : vector<32x2048xf32> to vector<32xf32>
    %broadcast_in_dim3A_873 = vector.shape_cast %reduce_min3A_872 : vector<32xf32> to vector<32x1xf32>
    %le3A_874 = vector.broadcast %broadcast_in_dim3A_873 : vector<32x1xf32> to vector<32x2048xf32>
    %le3A_875 = arith.cmpf ole, %select_n3A_828, %le3A_874 : vector<32x2048xf32>
    %jit3A_876 = arith.constant 2.048000e+03 : f32
    %broadcast_in_dim3A_877 = vector.broadcast %jit3A_876 : f32 to vector<32x2048xf32>
    %select_n3A_878 = arith.select %le3A_875, %convert_element_type3A, %broadcast_in_dim3A_877 : vector<32x2048xi1>, vector<32x2048xf32>
    %reduce_min3A_879 = arith.constant dense<0x7F800000> : vector<32xf32>
    %reduce_min3A_880 = vector.multi_reduction <minimumf>, %select_n3A_878, %reduce_min3A_879 [1] : vector<32x2048xf32> to vector<32xf32>
    %broadcast_in_dim3A_881 = vector.shape_cast %reduce_min3A_880 : vector<32xf32> to vector<32x1xf32>
    %jit3A_882 = arith.constant 1.000000e+30 : f32
    %broadcast_in_dim3A_883 = vector.broadcast %jit3A_882 : f32 to vector<32x2048xf32>
    %select_n3A_884 = arith.select %le3A_875, %broadcast_in_dim3A_883, %select_n3A_828 : vector<32x2048xi1>, vector<32x2048xf32>
    %reduce_min3A_885 = arith.constant dense<0x7F800000> : vector<32xf32>
    %reduce_min3A_886 = vector.multi_reduction <minimumf>, %select_n3A_842, %reduce_min3A_885 [1] : vector<32x2048xf32> to vector<32xf32>
    %broadcast_in_dim3A_887 = vector.shape_cast %reduce_min3A_886 : vector<32xf32> to vector<32x1xf32>
    %le3A_888 = vector.broadcast %broadcast_in_dim3A_887 : vector<32x1xf32> to vector<32x2048xf32>
    %le3A_889 = arith.cmpf ole, %select_n3A_842, %le3A_888 : vector<32x2048xf32>
    %jit3A_890 = arith.constant 2.048000e+03 : f32
    %broadcast_in_dim3A_891 = vector.broadcast %jit3A_890 : f32 to vector<32x2048xf32>
    %select_n3A_892 = arith.select %le3A_889, %convert_element_type3A, %broadcast_in_dim3A_891 : vector<32x2048xi1>, vector<32x2048xf32>
    %reduce_min3A_893 = arith.constant dense<0x7F800000> : vector<32xf32>
    %reduce_min3A_894 = vector.multi_reduction <minimumf>, %select_n3A_892, %reduce_min3A_893 [1] : vector<32x2048xf32> to vector<32xf32>
    %broadcast_in_dim3A_895 = vector.shape_cast %reduce_min3A_894 : vector<32xf32> to vector<32x1xf32>
    %jit3A_896 = arith.constant 1.000000e+30 : f32
    %broadcast_in_dim3A_897 = vector.broadcast %jit3A_896 : f32 to vector<32x2048xf32>
    %select_n3A_898 = arith.select %le3A_889, %broadcast_in_dim3A_897, %select_n3A_842 : vector<32x2048xi1>, vector<32x2048xf32>
    %reduce_min3A_899 = arith.constant dense<0x7F800000> : vector<32xf32>
    %reduce_min3A_900 = vector.multi_reduction <minimumf>, %select_n3A_856, %reduce_min3A_899 [1] : vector<32x2048xf32> to vector<32xf32>
    %broadcast_in_dim3A_901 = vector.shape_cast %reduce_min3A_900 : vector<32xf32> to vector<32x1xf32>
    %le3A_902 = vector.broadcast %broadcast_in_dim3A_901 : vector<32x1xf32> to vector<32x2048xf32>
    %le3A_903 = arith.cmpf ole, %select_n3A_856, %le3A_902 : vector<32x2048xf32>
    %jit3A_904 = arith.constant 2.048000e+03 : f32
    %broadcast_in_dim3A_905 = vector.broadcast %jit3A_904 : f32 to vector<32x2048xf32>
    %select_n3A_906 = arith.select %le3A_903, %convert_element_type3A, %broadcast_in_dim3A_905 : vector<32x2048xi1>, vector<32x2048xf32>
    %reduce_min3A_907 = arith.constant dense<0x7F800000> : vector<32xf32>
    %reduce_min3A_908 = vector.multi_reduction <minimumf>, %select_n3A_906, %reduce_min3A_907 [1] : vector<32x2048xf32> to vector<32xf32>
    %broadcast_in_dim3A_909 = vector.shape_cast %reduce_min3A_908 : vector<32xf32> to vector<32x1xf32>
    %jit3A_910 = arith.constant 1.000000e+30 : f32
    %broadcast_in_dim3A_911 = vector.broadcast %jit3A_910 : f32 to vector<32x2048xf32>
    %select_n3A_912 = arith.select %le3A_903, %broadcast_in_dim3A_911, %select_n3A_856 : vector<32x2048xi1>, vector<32x2048xf32>
    %reduce_min3A_913 = arith.constant dense<0x7F800000> : vector<32xf32>
    %reduce_min3A_914 = vector.multi_reduction <minimumf>, %select_n3A_870, %reduce_min3A_913 [1] : vector<32x2048xf32> to vector<32xf32>
    %broadcast_in_dim3A_915 = vector.shape_cast %reduce_min3A_914 : vector<32xf32> to vector<32x1xf32>
    %le3A_916 = vector.broadcast %broadcast_in_dim3A_915 : vector<32x1xf32> to vector<32x2048xf32>
    %le3A_917 = arith.cmpf ole, %select_n3A_870, %le3A_916 : vector<32x2048xf32>
    %jit3A_918 = arith.constant 2.048000e+03 : f32
    %broadcast_in_dim3A_919 = vector.broadcast %jit3A_918 : f32 to vector<32x2048xf32>
    %select_n3A_920 = arith.select %le3A_917, %convert_element_type3A, %broadcast_in_dim3A_919 : vector<32x2048xi1>, vector<32x2048xf32>
    %reduce_min3A_921 = arith.constant dense<0x7F800000> : vector<32xf32>
    %reduce_min3A_922 = vector.multi_reduction <minimumf>, %select_n3A_920, %reduce_min3A_921 [1] : vector<32x2048xf32> to vector<32xf32>
    %broadcast_in_dim3A_923 = vector.shape_cast %reduce_min3A_922 : vector<32xf32> to vector<32x1xf32>
    %jit3A_924 = arith.constant 1.000000e+30 : f32
    %broadcast_in_dim3A_925 = vector.broadcast %jit3A_924 : f32 to vector<32x2048xf32>
    %select_n3A_926 = arith.select %le3A_917, %broadcast_in_dim3A_925, %select_n3A_870 : vector<32x2048xi1>, vector<32x2048xf32>
    %reduce_min3A_927 = arith.constant dense<0x7F800000> : vector<32xf32>
    %reduce_min3A_928 = vector.multi_reduction <minimumf>, %select_n3A_884, %reduce_min3A_927 [1] : vector<32x2048xf32> to vector<32xf32>
    %broadcast_in_dim3A_929 = vector.shape_cast %reduce_min3A_928 : vector<32xf32> to vector<32x1xf32>
    %le3A_930 = vector.broadcast %broadcast_in_dim3A_929 : vector<32x1xf32> to vector<32x2048xf32>
    %le3A_931 = arith.cmpf ole, %select_n3A_884, %le3A_930 : vector<32x2048xf32>
    %jit3A_932 = arith.constant 2.048000e+03 : f32
    %broadcast_in_dim3A_933 = vector.broadcast %jit3A_932 : f32 to vector<32x2048xf32>
    %select_n3A_934 = arith.select %le3A_931, %convert_element_type3A, %broadcast_in_dim3A_933 : vector<32x2048xi1>, vector<32x2048xf32>
    %reduce_min3A_935 = arith.constant dense<0x7F800000> : vector<32xf32>
    %reduce_min3A_936 = vector.multi_reduction <minimumf>, %select_n3A_934, %reduce_min3A_935 [1] : vector<32x2048xf32> to vector<32xf32>
    %broadcast_in_dim3A_937 = vector.shape_cast %reduce_min3A_936 : vector<32xf32> to vector<32x1xf32>
    %jit3A_938 = arith.constant 1.000000e+30 : f32
    %broadcast_in_dim3A_939 = vector.broadcast %jit3A_938 : f32 to vector<32x2048xf32>
    %select_n3A_940 = arith.select %le3A_931, %broadcast_in_dim3A_939, %select_n3A_884 : vector<32x2048xi1>, vector<32x2048xf32>
    %reduce_min3A_941 = arith.constant dense<0x7F800000> : vector<32xf32>
    %reduce_min3A_942 = vector.multi_reduction <minimumf>, %select_n3A_898, %reduce_min3A_941 [1] : vector<32x2048xf32> to vector<32xf32>
    %broadcast_in_dim3A_943 = vector.shape_cast %reduce_min3A_942 : vector<32xf32> to vector<32x1xf32>
    %le3A_944 = vector.broadcast %broadcast_in_dim3A_943 : vector<32x1xf32> to vector<32x2048xf32>
    %le3A_945 = arith.cmpf ole, %select_n3A_898, %le3A_944 : vector<32x2048xf32>
    %jit3A_946 = arith.constant 2.048000e+03 : f32
    %broadcast_in_dim3A_947 = vector.broadcast %jit3A_946 : f32 to vector<32x2048xf32>
    %select_n3A_948 = arith.select %le3A_945, %convert_element_type3A, %broadcast_in_dim3A_947 : vector<32x2048xi1>, vector<32x2048xf32>
    %reduce_min3A_949 = arith.constant dense<0x7F800000> : vector<32xf32>
    %reduce_min3A_950 = vector.multi_reduction <minimumf>, %select_n3A_948, %reduce_min3A_949 [1] : vector<32x2048xf32> to vector<32xf32>
    %broadcast_in_dim3A_951 = vector.shape_cast %reduce_min3A_950 : vector<32xf32> to vector<32x1xf32>
    %jit3A_952 = arith.constant 1.000000e+30 : f32
    %broadcast_in_dim3A_953 = vector.broadcast %jit3A_952 : f32 to vector<32x2048xf32>
    %select_n3A_954 = arith.select %le3A_945, %broadcast_in_dim3A_953, %select_n3A_898 : vector<32x2048xi1>, vector<32x2048xf32>
    %reduce_min3A_955 = arith.constant dense<0x7F800000> : vector<32xf32>
    %reduce_min3A_956 = vector.multi_reduction <minimumf>, %select_n3A_912, %reduce_min3A_955 [1] : vector<32x2048xf32> to vector<32xf32>
    %broadcast_in_dim3A_957 = vector.shape_cast %reduce_min3A_956 : vector<32xf32> to vector<32x1xf32>
    %le3A_958 = vector.broadcast %broadcast_in_dim3A_957 : vector<32x1xf32> to vector<32x2048xf32>
    %le3A_959 = arith.cmpf ole, %select_n3A_912, %le3A_958 : vector<32x2048xf32>
    %jit3A_960 = arith.constant 2.048000e+03 : f32
    %broadcast_in_dim3A_961 = vector.broadcast %jit3A_960 : f32 to vector<32x2048xf32>
    %select_n3A_962 = arith.select %le3A_959, %convert_element_type3A, %broadcast_in_dim3A_961 : vector<32x2048xi1>, vector<32x2048xf32>
    %reduce_min3A_963 = arith.constant dense<0x7F800000> : vector<32xf32>
    %reduce_min3A_964 = vector.multi_reduction <minimumf>, %select_n3A_962, %reduce_min3A_963 [1] : vector<32x2048xf32> to vector<32xf32>
    %broadcast_in_dim3A_965 = vector.shape_cast %reduce_min3A_964 : vector<32xf32> to vector<32x1xf32>
    %jit3A_966 = arith.constant 1.000000e+30 : f32
    %broadcast_in_dim3A_967 = vector.broadcast %jit3A_966 : f32 to vector<32x2048xf32>
    %select_n3A_968 = arith.select %le3A_959, %broadcast_in_dim3A_967, %select_n3A_912 : vector<32x2048xi1>, vector<32x2048xf32>
    %reduce_min3A_969 = arith.constant dense<0x7F800000> : vector<32xf32>
    %reduce_min3A_970 = vector.multi_reduction <minimumf>, %select_n3A_926, %reduce_min3A_969 [1] : vector<32x2048xf32> to vector<32xf32>
    %broadcast_in_dim3A_971 = vector.shape_cast %reduce_min3A_970 : vector<32xf32> to vector<32x1xf32>
    %le3A_972 = vector.broadcast %broadcast_in_dim3A_971 : vector<32x1xf32> to vector<32x2048xf32>
    %le3A_973 = arith.cmpf ole, %select_n3A_926, %le3A_972 : vector<32x2048xf32>
    %jit3A_974 = arith.constant 2.048000e+03 : f32
    %broadcast_in_dim3A_975 = vector.broadcast %jit3A_974 : f32 to vector<32x2048xf32>
    %select_n3A_976 = arith.select %le3A_973, %convert_element_type3A, %broadcast_in_dim3A_975 : vector<32x2048xi1>, vector<32x2048xf32>
    %reduce_min3A_977 = arith.constant dense<0x7F800000> : vector<32xf32>
    %reduce_min3A_978 = vector.multi_reduction <minimumf>, %select_n3A_976, %reduce_min3A_977 [1] : vector<32x2048xf32> to vector<32xf32>
    %broadcast_in_dim3A_979 = vector.shape_cast %reduce_min3A_978 : vector<32xf32> to vector<32x1xf32>
    %jit3A_980 = arith.constant 1.000000e+30 : f32
    %broadcast_in_dim3A_981 = vector.broadcast %jit3A_980 : f32 to vector<32x2048xf32>
    %select_n3A_982 = arith.select %le3A_973, %broadcast_in_dim3A_981, %select_n3A_926 : vector<32x2048xi1>, vector<32x2048xf32>
    %reduce_min3A_983 = arith.constant dense<0x7F800000> : vector<32xf32>
    %reduce_min3A_984 = vector.multi_reduction <minimumf>, %select_n3A_940, %reduce_min3A_983 [1] : vector<32x2048xf32> to vector<32xf32>
    %broadcast_in_dim3A_985 = vector.shape_cast %reduce_min3A_984 : vector<32xf32> to vector<32x1xf32>
    %le3A_986 = vector.broadcast %broadcast_in_dim3A_985 : vector<32x1xf32> to vector<32x2048xf32>
    %le3A_987 = arith.cmpf ole, %select_n3A_940, %le3A_986 : vector<32x2048xf32>
    %jit3A_988 = arith.constant 2.048000e+03 : f32
    %broadcast_in_dim3A_989 = vector.broadcast %jit3A_988 : f32 to vector<32x2048xf32>
    %select_n3A_990 = arith.select %le3A_987, %convert_element_type3A, %broadcast_in_dim3A_989 : vector<32x2048xi1>, vector<32x2048xf32>
    %reduce_min3A_991 = arith.constant dense<0x7F800000> : vector<32xf32>
    %reduce_min3A_992 = vector.multi_reduction <minimumf>, %select_n3A_990, %reduce_min3A_991 [1] : vector<32x2048xf32> to vector<32xf32>
    %broadcast_in_dim3A_993 = vector.shape_cast %reduce_min3A_992 : vector<32xf32> to vector<32x1xf32>
    %jit3A_994 = arith.constant 1.000000e+30 : f32
    %broadcast_in_dim3A_995 = vector.broadcast %jit3A_994 : f32 to vector<32x2048xf32>
    %select_n3A_996 = arith.select %le3A_987, %broadcast_in_dim3A_995, %select_n3A_940 : vector<32x2048xi1>, vector<32x2048xf32>
    %reduce_min3A_997 = arith.constant dense<0x7F800000> : vector<32xf32>
    %reduce_min3A_998 = vector.multi_reduction <minimumf>, %select_n3A_954, %reduce_min3A_997 [1] : vector<32x2048xf32> to vector<32xf32>
    %broadcast_in_dim3A_999 = vector.shape_cast %reduce_min3A_998 : vector<32xf32> to vector<32x1xf32>
    %le3A_1000 = vector.broadcast %broadcast_in_dim3A_999 : vector<32x1xf32> to vector<32x2048xf32>
    %le3A_1001 = arith.cmpf ole, %select_n3A_954, %le3A_1000 : vector<32x2048xf32>
    %jit3A_1002 = arith.constant 2.048000e+03 : f32
    %broadcast_in_dim3A_1003 = vector.broadcast %jit3A_1002 : f32 to vector<32x2048xf32>
    %select_n3A_1004 = arith.select %le3A_1001, %convert_element_type3A, %broadcast_in_dim3A_1003 : vector<32x2048xi1>, vector<32x2048xf32>
    %reduce_min3A_1005 = arith.constant dense<0x7F800000> : vector<32xf32>
    %reduce_min3A_1006 = vector.multi_reduction <minimumf>, %select_n3A_1004, %reduce_min3A_1005 [1] : vector<32x2048xf32> to vector<32xf32>
    %broadcast_in_dim3A_1007 = vector.shape_cast %reduce_min3A_1006 : vector<32xf32> to vector<32x1xf32>
    %reduce_min3A_1008 = arith.constant dense<0x7F800000> : vector<32xf32>
    %reduce_min3A_1009 = vector.multi_reduction <minimumf>, %select_n3A_968, %reduce_min3A_1008 [1] : vector<32x2048xf32> to vector<32xf32>
    %broadcast_in_dim3A_1010 = vector.shape_cast %reduce_min3A_1009 : vector<32xf32> to vector<32x1xf32>
    %le3A_1011 = vector.broadcast %broadcast_in_dim3A_1010 : vector<32x1xf32> to vector<32x2048xf32>
    %le3A_1012 = arith.cmpf ole, %select_n3A_968, %le3A_1011 : vector<32x2048xf32>
    %jit3A_1013 = arith.constant 2.048000e+03 : f32
    %broadcast_in_dim3A_1014 = vector.broadcast %jit3A_1013 : f32 to vector<32x2048xf32>
    %select_n3A_1015 = arith.select %le3A_1012, %convert_element_type3A, %broadcast_in_dim3A_1014 : vector<32x2048xi1>, vector<32x2048xf32>
    %reduce_min3A_1016 = arith.constant dense<0x7F800000> : vector<32xf32>
    %reduce_min3A_1017 = vector.multi_reduction <minimumf>, %select_n3A_1015, %reduce_min3A_1016 [1] : vector<32x2048xf32> to vector<32xf32>
    %broadcast_in_dim3A_1018 = vector.shape_cast %reduce_min3A_1017 : vector<32xf32> to vector<32x1xf32>
    %reduce_min3A_1019 = arith.constant dense<0x7F800000> : vector<32xf32>
    %reduce_min3A_1020 = vector.multi_reduction <minimumf>, %select_n3A_982, %reduce_min3A_1019 [1] : vector<32x2048xf32> to vector<32xf32>
    %broadcast_in_dim3A_1021 = vector.shape_cast %reduce_min3A_1020 : vector<32xf32> to vector<32x1xf32>
    %le3A_1022 = vector.broadcast %broadcast_in_dim3A_1021 : vector<32x1xf32> to vector<32x2048xf32>
    %le3A_1023 = arith.cmpf ole, %select_n3A_982, %le3A_1022 : vector<32x2048xf32>
    %jit3A_1024 = arith.constant 2.048000e+03 : f32
    %broadcast_in_dim3A_1025 = vector.broadcast %jit3A_1024 : f32 to vector<32x2048xf32>
    %select_n3A_1026 = arith.select %le3A_1023, %convert_element_type3A, %broadcast_in_dim3A_1025 : vector<32x2048xi1>, vector<32x2048xf32>
    %reduce_min3A_1027 = arith.constant dense<0x7F800000> : vector<32xf32>
    %reduce_min3A_1028 = vector.multi_reduction <minimumf>, %select_n3A_1026, %reduce_min3A_1027 [1] : vector<32x2048xf32> to vector<32xf32>
    %broadcast_in_dim3A_1029 = vector.shape_cast %reduce_min3A_1028 : vector<32xf32> to vector<32x1xf32>
    %reduce_min3A_1030 = arith.constant dense<0x7F800000> : vector<32xf32>
    %reduce_min3A_1031 = vector.multi_reduction <minimumf>, %select_n3A_996, %reduce_min3A_1030 [1] : vector<32x2048xf32> to vector<32xf32>
    %broadcast_in_dim3A_1032 = vector.shape_cast %reduce_min3A_1031 : vector<32xf32> to vector<32x1xf32>
    %le3A_1033 = vector.broadcast %broadcast_in_dim3A_1032 : vector<32x1xf32> to vector<32x2048xf32>
    %le3A_1034 = arith.cmpf ole, %select_n3A_996, %le3A_1033 : vector<32x2048xf32>
    %jit3A_1035 = arith.constant 2.048000e+03 : f32
    %broadcast_in_dim3A_1036 = vector.broadcast %jit3A_1035 : f32 to vector<32x2048xf32>
    %select_n3A_1037 = arith.select %le3A_1034, %convert_element_type3A, %broadcast_in_dim3A_1036 : vector<32x2048xi1>, vector<32x2048xf32>
    %reduce_min3A_1038 = arith.constant dense<0x7F800000> : vector<32xf32>
    %reduce_min3A_1039 = vector.multi_reduction <minimumf>, %select_n3A_1037, %reduce_min3A_1038 [1] : vector<32x2048xf32> to vector<32xf32>
    %broadcast_in_dim3A_1040 = vector.shape_cast %reduce_min3A_1039 : vector<32xf32> to vector<32x1xf32>
    %concatenate3A = tpu.concatenate %broadcast_in_dim3A_111, %broadcast_in_dim3A_167, %broadcast_in_dim3A_223, %broadcast_in_dim3A_279, %broadcast_in_dim3A_335, %broadcast_in_dim3A_391, %broadcast_in_dim3A_447, %broadcast_in_dim3A_503, %broadcast_in_dim3A_559, %broadcast_in_dim3A_615, %broadcast_in_dim3A_671, %broadcast_in_dim3A_727, %broadcast_in_dim3A_783, %broadcast_in_dim3A_839, %broadcast_in_dim3A_895, %broadcast_in_dim3A_951, %broadcast_in_dim3A_1007 in 1 : vector<32x1xf32>, vector<32x1xf32>, vector<32x1xf32>, vector<32x1xf32>, vector<32x1xf32>, vector<32x1xf32>, vector<32x1xf32>, vector<32x1xf32>, vector<32x1xf32>, vector<32x1xf32>, vector<32x1xf32>, vector<32x1xf32>, vector<32x1xf32>, vector<32x1xf32>, vector<32x1xf32>, vector<32x1xf32>, vector<32x1xf32> -> vector<32x17xf32>
    %convert_element_type3A_1041 = arith.fptosi %concatenate3A : vector<32x17xf32> to vector<32x17xi32>
    %mul3A_1042 = arith.constant 2048 : i32
    %mul3A_1043 = arith.muli %select_n3A, %mul3A_1042 : i32
    %add3A_1044 = vector.broadcast %mul3A_1043 : i32 to vector<32x17xi32>
    %add3A_1045 = arith.addi %convert_element_type3A_1041, %add3A_1044 : vector<32x17xi32>
    %swap3A_1046 = arith.constant 0 : index
    %swap3A_1047 = arith.constant 0 : index
    %swap3A_1048 = vector.load %arg13[%swap3A_1046, %swap3A_1047] : memref<128x17xi32, #tpu.memory_space<vmem>>, vector<32x17xi32>
    tpu.vector_store %arg13[%swap3A_1046, %swap3A_1047], %add3A_1045 {strides = array<i32>} : memref<128x17xi32, #tpu.memory_space<vmem>>, vector<32x17xi32>,
    %concatenate3A_1049 = tpu.concatenate %broadcast_in_dim3A_125, %broadcast_in_dim3A_181, %broadcast_in_dim3A_237, %broadcast_in_dim3A_293, %broadcast_in_dim3A_349, %broadcast_in_dim3A_405, %broadcast_in_dim3A_461, %broadcast_in_dim3A_517, %broadcast_in_dim3A_573, %broadcast_in_dim3A_629, %broadcast_in_dim3A_685, %broadcast_in_dim3A_741, %broadcast_in_dim3A_797, %broadcast_in_dim3A_853, %broadcast_in_dim3A_909, %broadcast_in_dim3A_965, %broadcast_in_dim3A_1018 in 1 : vector<32x1xf32>, vector<32x1xf32>, vector<32x1xf32>, vector<32x1xf32>, vector<32x1xf32>, vector<32x1xf32>, vector<32x1xf32>, vector<32x1xf32>, vector<32x1xf32>, vector<32x1xf32>, vector<32x1xf32>, vector<32x1xf32>, vector<32x1xf32>, vector<32x1xf32>, vector<32x1xf32>, vector<32x1xf32>, vector<32x1xf32> -> vector<32x17xf32>
    %convert_element_type3A_1050 = arith.fptosi %concatenate3A_1049 : vector<32x17xf32> to vector<32x17xi32>
    %mul3A_1051 = arith.constant 2048 : i32
    %mul3A_1052 = arith.muli %select_n3A, %mul3A_1051 : i32
    %add3A_1053 = vector.broadcast %mul3A_1052 : i32 to vector<32x17xi32>
    %add3A_1054 = arith.addi %convert_element_type3A_1050, %add3A_1053 : vector<32x17xi32>
    %swap3A_1055 = arith.constant 32 : index
    %swap3A_1056 = arith.constant 0 : index
    %swap3A_1057 = vector.load %arg13[%swap3A_1055, %swap3A_1056] : memref<128x17xi32, #tpu.memory_space<vmem>>, vector<32x17xi32>
    tpu.vector_store %arg13[%swap3A_1055, %swap3A_1056], %add3A_1054 {strides = array<i32>} : memref<128x17xi32, #tpu.memory_space<vmem>>, vector<32x17xi32>,
    %concatenate3A_1058 = tpu.concatenate %broadcast_in_dim3A_139, %broadcast_in_dim3A_195, %broadcast_in_dim3A_251, %broadcast_in_dim3A_307, %broadcast_in_dim3A_363, %broadcast_in_dim3A_419, %broadcast_in_dim3A_475, %broadcast_in_dim3A_531, %broadcast_in_dim3A_587, %broadcast_in_dim3A_643, %broadcast_in_dim3A_699, %broadcast_in_dim3A_755, %broadcast_in_dim3A_811, %broadcast_in_dim3A_867, %broadcast_in_dim3A_923, %broadcast_in_dim3A_979, %broadcast_in_dim3A_1029 in 1 : vector<32x1xf32>, vector<32x1xf32>, vector<32x1xf32>, vector<32x1xf32>, vector<32x1xf32>, vector<32x1xf32>, vector<32x1xf32>, vector<32x1xf32>, vector<32x1xf32>, vector<32x1xf32>, vector<32x1xf32>, vector<32x1xf32>, vector<32x1xf32>, vector<32x1xf32>, vector<32x1xf32>, vector<32x1xf32>, vector<32x1xf32> -> vector<32x17xf32>
    %convert_element_type3A_1059 = arith.fptosi %concatenate3A_1058 : vector<32x17xf32> to vector<32x17xi32>
    %mul3A_1060 = arith.constant 2048 : i32
    %mul3A_1061 = arith.muli %select_n3A, %mul3A_1060 : i32
    %add3A_1062 = vector.broadcast %mul3A_1061 : i32 to vector<32x17xi32>
    %add3A_1063 = arith.addi %convert_element_type3A_1059, %add3A_1062 : vector<32x17xi32>
    %swap3A_1064 = arith.constant 64 : index
    %swap3A_1065 = arith.constant 0 : index
    %swap3A_1066 = vector.load %arg13[%swap3A_1064, %swap3A_1065] : memref<128x17xi32, #tpu.memory_space<vmem>>, vector<32x17xi32>
    tpu.vector_store %arg13[%swap3A_1064, %swap3A_1065], %add3A_1063 {strides = array<i32>} : memref<128x17xi32, #tpu.memory_space<vmem>>, vector<32x17xi32>,
    %concatenate3A_1067 = tpu.concatenate %broadcast_in_dim3A_153, %broadcast_in_dim3A_209, %broadcast_in_dim3A_265, %broadcast_in_dim3A_321, %broadcast_in_dim3A_377, %broadcast_in_dim3A_433, %broadcast_in_dim3A_489, %broadcast_in_dim3A_545, %broadcast_in_dim3A_601, %broadcast_in_dim3A_657, %broadcast_in_dim3A_713, %broadcast_in_dim3A_769, %broadcast_in_dim3A_825, %broadcast_in_dim3A_881, %broadcast_in_dim3A_937, %broadcast_in_dim3A_993, %broadcast_in_dim3A_1040 in 1 : vector<32x1xf32>, vector<32x1xf32>, vector<32x1xf32>, vector<32x1xf32>, vector<32x1xf32>, vector<32x1xf32>, vector<32x1xf32>, vector<32x1xf32>, vector<32x1xf32>, vector<32x1xf32>, vector<32x1xf32>, vector<32x1xf32>, vector<32x1xf32>, vector<32x1xf32>, vector<32x1xf32>, vector<32x1xf32>, vector<32x1xf32> -> vector<32x17xf32>
    %convert_element_type3A_1068 = arith.fptosi %concatenate3A_1067 : vector<32x17xf32> to vector<32x17xi32>
    %mul3A_1069 = arith.constant 2048 : i32
    %mul3A_1070 = arith.muli %select_n3A, %mul3A_1069 : i32
    %add3A_1071 = vector.broadcast %mul3A_1070 : i32 to vector<32x17xi32>
    %add3A_1072 = arith.addi %convert_element_type3A_1068, %add3A_1071 : vector<32x17xi32>
    %swap3A_1073 = arith.constant 96 : index
    %swap3A_1074 = arith.constant 0 : index
    %swap3A_1075 = vector.load %arg13[%swap3A_1073, %swap3A_1074] : memref<128x17xi32, #tpu.memory_space<vmem>>, vector<32x17xi32>
    tpu.vector_store %arg13[%swap3A_1073, %swap3A_1074], %add3A_1072 {strides = array<i32>} : memref<128x17xi32, #tpu.memory_space<vmem>>, vector<32x17xi32>,
    return
  }
  func.func @transform_0(%arg0: i32) -> (i32, i32) {
    %c0_i32 = arith.constant 0 : i32
    %c0_i32_0 = arith.constant 0 : i32
    return %arg0, %c0_i32 : i32, i32
  }
  func.func @transform_1(%arg0: i32) -> (i32, i32, i32) {
    %jit3A = arith.constant 16 : i32
    %div3A = arith.divsi %arg0, %jit3A : i32
    %sign3A = arith.constant 0 : i32
    %sign3A_0 = arith.cmpi sgt, %arg0, %sign3A : i32
    %sign3A_1 = arith.extui %sign3A_0 : i1 to i32
    %sign3A_2 = arith.constant 0 : i32
    %sign3A_3 = arith.cmpi slt, %arg0, %sign3A_2 : i32
    %sign3A_4 = arith.extui %sign3A_3 : i1 to i32
    %sign3A_5 = arith.subi %sign3A_1, %sign3A_4 : i32
    %sign3A_6 = arith.constant 0 : i32
    %sign3A_7 = arith.cmpi sgt, %jit3A, %sign3A_6 : i32
    %sign3A_8 = arith.extui %sign3A_7 : i1 to i32
    %sign3A_9 = arith.constant 0 : i32
    %sign3A_10 = arith.cmpi slt, %jit3A, %sign3A_9 : i32
    %sign3A_11 = arith.extui %sign3A_10 : i1 to i32
    %sign3A_12 = arith.subi %sign3A_8, %sign3A_11 : i32
    %ne3A = arith.cmpi ne, %sign3A_5, %sign3A_12 : i32
    %rem3A = arith.remsi %arg0, %jit3A : i32
    %ne3A_13 = arith.constant 0 : i32
    %ne3A_14 = arith.cmpi ne, %rem3A, %ne3A_13 : i32
    %and3A = arith.andi %ne3A, %ne3A_14 : i1
    %sub3A = arith.constant 1 : i32
    %sub3A_15 = arith.subi %div3A, %sub3A : i32
    %select_n3A = arith.select %and3A, %sub3A_15, %div3A : i32
    %c0_i32 = arith.constant 0 : i32
    %c0_i32_16 = arith.constant 0 : i32
    %c0_i32_17 = arith.constant 0 : i32
    return %select_n3A, %c0_i32, %c0_i32_16 : i32, i32, i32
  }
  func.func @transform_2(%arg0: i32) -> (i32, i32, i32) {
    %jit3A = arith.constant 16 : i32
    %div3A = arith.divsi %arg0, %jit3A : i32
    %sign3A = arith.constant 0 : i32
    %sign3A_0 = arith.cmpi sgt, %arg0, %sign3A : i32
    %sign3A_1 = arith.extui %sign3A_0 : i1 to i32
    %sign3A_2 = arith.constant 0 : i32
    %sign3A_3 = arith.cmpi slt, %arg0, %sign3A_2 : i32
    %sign3A_4 = arith.extui %sign3A_3 : i1 to i32
    %sign3A_5 = arith.subi %sign3A_1, %sign3A_4 : i32
    %sign3A_6 = arith.constant 0 : i32
    %sign3A_7 = arith.cmpi sgt, %jit3A, %sign3A_6 : i32
    %sign3A_8 = arith.extui %sign3A_7 : i1 to i32
    %sign3A_9 = arith.constant 0 : i32
    %sign3A_10 = arith.cmpi slt, %jit3A, %sign3A_9 : i32
    %sign3A_11 = arith.extui %sign3A_10 : i1 to i32
    %sign3A_12 = arith.subi %sign3A_8, %sign3A_11 : i32
    %ne3A = arith.cmpi ne, %sign3A_5, %sign3A_12 : i32
    %rem3A = arith.remsi %arg0, %jit3A : i32
    %ne3A_13 = arith.constant 0 : i32
    %ne3A_14 = arith.cmpi ne, %rem3A, %ne3A_13 : i32
    %and3A = arith.andi %ne3A, %ne3A_14 : i1
    %sub3A = arith.constant 1 : i32
    %sub3A_15 = arith.subi %div3A, %sub3A : i32
    %select_n3A = arith.select %and3A, %sub3A_15, %div3A : i32
    %c0_i32 = arith.constant 0 : i32
    %c0_i32_16 = arith.constant 0 : i32
    %c0_i32_17 = arith.constant 0 : i32
    return %select_n3A, %c0_i32, %c0_i32_16 : i32, i32, i32
  }
  func.func @transform_3(%arg0: i32) -> (i32, i32) {
    %c0_i32 = arith.constant 0 : i32
    %c0_i32_0 = arith.constant 0 : i32
    return %arg0, %c0_i32 : i32, i32
  }
  func.func @transform_4(%arg0: i32) -> (i32, i32) {
    %c0_i32 = arith.constant 0 : i32
    %c0_i32_0 = arith.constant 0 : i32
    return %arg0, %c0_i32 : i32, i32
  }
  func.func @transform_5(%arg0: i32) -> (i32, i32) {
    %c0_i32 = arith.constant 0 : i32
    %c0_i32_0 = arith.constant 0 : i32
    %c0_i32_1 = arith.constant 0 : i32
    return %c0_i32, %c0_i32_0 : i32, i32
  }
  func.func @transform_6(%arg0: i32) -> (i32, i32) {
    %c0_i32 = arith.constant 0 : i32
    %c0_i32_0 = arith.constant 0 : i32
    %c0_i32_1 = arith.constant 0 : i32
    return %c0_i32, %c0_i32_0 : i32, i32
  }
  func.func @transform_7(%arg0: i32) -> (i32, i32) {
    %c0_i32 = arith.constant 0 : i32
    %c0_i32_0 = arith.constant 0 : i32
    %c0_i32_1 = arith.constant 0 : i32
    return %c0_i32, %c0_i32_0 : i32, i32
  }
  func.func @transform_8(%arg0: i32) -> (i32, i32) {
    %c0_i32 = arith.constant 0 : i32
    %c0_i32_0 = arith.constant 0 : i32
    %c0_i32_1 = arith.constant 0 : i32
    return %c0_i32, %c0_i32_0 : i32, i32
  }
  func.func @transform_9(%arg0: i32) -> (i32, i32) {
    %c0_i32 = arith.constant 0 : i32
    %c0_i32_0 = arith.constant 0 : i32
    %c0_i32_1 = arith.constant 0 : i32
    return %c0_i32, %c0_i32_0 : i32, i32
  }
  func.func @transform_10(%arg0: i32) -> (i32, i32) {
    %c0_i32 = arith.constant 0 : i32
    %c0_i32_0 = arith.constant 0 : i32
    return %arg0, %c0_i32 : i32, i32
  }
  func.func @transform_11(%arg0: i32) -> (i32, i32) {
    %c0_i32 = arith.constant 0 : i32
    %c0_i32_0 = arith.constant 0 : i32
    return %arg0, %c0_i32 : i32, i32
  }
  func.func @transform_12(%arg0: i32) -> (i32, i32) {
    %c0_i32 = arith.constant 0 : i32
    %c0_i32_0 = arith.constant 0 : i32
    return %arg0, %c0_i32 : i32, i32
  }
}

module attributes {stable_mosaic.version = 14 : i64} {
  func.func @_attn_body(%arg0: i32, %arg1: memref<128x256xf32, #tpu.memory_space<vmem>>, %arg2: memref<17x128x256xi32, #tpu.memory_space<vmem>>, %arg3: memref<17x128x128xf32, #tpu.memory_space<vmem>>, %arg4: memref<128x128xf32, #tpu.memory_space<vmem>>, %arg5: memref<128x256xf32, #tpu.memory_space<vmem>>, %arg6: memref<256x128xf32, #tpu.memory_space<vmem>>, %arg7: memref<1x256xf32, #tpu.memory_space<vmem>>, %arg8: memref<256x256xf32, #tpu.memory_space<vmem>>, %arg9: memref<1x256xf32, #tpu.memory_space<vmem>>, %arg10: memref<256x256xf32, #tpu.memory_space<vmem>>, %arg11: memref<1x256xf32, #tpu.memory_space<vmem>>, %arg12: memref<256x256xf32, #tpu.memory_space<vmem>>, %arg13: memref<1x256xf32, #tpu.memory_space<vmem>>, %arg14: memref<256x256xf32, #tpu.memory_space<vmem>>, %arg15: memref<1x256xf32, #tpu.memory_space<vmem>>, %arg16: memref<128x256xf32, #tpu.memory_space<vmem>>) attributes {dimension_semantics = [#tpu.dimension_semantics<arbitrary>], iteration_bounds = array<i64: 16>, scalar_prefetch = 0 : i64, scratch_operands = 0 : i64, tpu.core_type = #tpu.core_type<tc>, window_params = [{transform_indices = @transform_0, window_bounds = array<i64: 128, 256>}, {transform_indices = @transform_1, window_bounds = array<i64: 17, 128, 256>}, {transform_indices = @transform_2, window_bounds = array<i64: 17, 128, 128>}, {transform_indices = @transform_3, window_bounds = array<i64: 128, 128>}, {transform_indices = @transform_4, window_bounds = array<i64: 128, 256>}, {pipeline_mode = #tpu.pipeline_mode<synchronous>, transform_indices = @transform_5, window_bounds = array<i64: 256, 128>}, {pipeline_mode = #tpu.pipeline_mode<synchronous>, transform_indices = @transform_6, window_bounds = array<i64: 1, 256>}, {pipeline_mode = #tpu.pipeline_mode<synchronous>, transform_indices = @transform_7, window_bounds = array<i64: 256, 256>}, {pipeline_mode = #tpu.pipeline_mode<synchronous>, transform_indices = @transform_8, window_bounds = array<i64: 1, 256>}, {pipeline_mode = #tpu.pipeline_mode<synchronous>, transform_indices = @transform_9, window_bounds = array<i64: 256, 256>}, {pipeline_mode = #tpu.pipeline_mode<synchronous>, transform_indices = @transform_10, window_bounds = array<i64: 1, 256>}, {pipeline_mode = #tpu.pipeline_mode<synchronous>, transform_indices = @transform_11, window_bounds = array<i64: 256, 256>}, {pipeline_mode = #tpu.pipeline_mode<synchronous>, transform_indices = @transform_12, window_bounds = array<i64: 1, 256>}, {pipeline_mode = #tpu.pipeline_mode<synchronous>, transform_indices = @transform_13, window_bounds = array<i64: 256, 256>}, {pipeline_mode = #tpu.pipeline_mode<synchronous>, transform_indices = @transform_14, window_bounds = array<i64: 1, 256>}, {transform_indices = @transform_15, window_bounds = array<i64: 128, 256>}]} {
    %get3A = arith.constant 0 : index
    %get3A_0 = arith.constant 0 : index
    %get3A_1 = arith.constant 0 : index
    %get3A_2 = vector.load %arg2[%get3A, %get3A_0, %get3A_1] : memref<17x128x256xi32, #tpu.memory_space<vmem>>, vector<17x128x256xi32>
    %reshape3A = vector.shape_cast %get3A_2 : vector<17x128x256xi32> to vector<2176x256xi32>
    %and3A = arith.constant -65536 : i32
    %and3A_3 = vector.broadcast %and3A : i32 to vector<2176x256xi32>
    %and3A_4 = arith.andi %reshape3A, %and3A_3 : vector<2176x256xi32>
    %bitcast_convert_type3A = tpu.bitcast %and3A_4 : vector<2176x256xi32> -> vector<2176x256xf32>
    %shift_left3A = arith.constant 16 : i32
    %shift_left3A_5 = vector.broadcast %shift_left3A : i32 to vector<2176x256xi32>
    %shift_left3A_6 = arith.shli %reshape3A, %shift_left3A_5 : vector<2176x256xi32>
    %bitcast_convert_type3A_7 = tpu.bitcast %shift_left3A_6 : vector<2176x256xi32> -> vector<2176x256xf32>
    %get3A_8 = arith.constant 0 : index
    %get3A_9 = arith.constant 0 : index
    %get3A_10 = arith.constant 0 : index
    %get3A_11 = vector.load %arg3[%get3A_8, %get3A_9, %get3A_10] : memref<17x128x128xf32, #tpu.memory_space<vmem>>, vector<17x128x128xf32>
    %reshape3A_12 = vector.shape_cast %get3A_11 : vector<17x128x128xf32> to vector<2176x128xf32>
    %get3A_13 = arith.constant 0 : index
    %get3A_14 = arith.constant 0 : index
    %get3A_15 = vector.load %arg4[%get3A_13, %get3A_14] : memref<128x128xf32, #tpu.memory_space<vmem>>, vector<128x128xf32>
    %concatenate3A = tpu.concatenate %get3A_15, %get3A_15, %get3A_15, %get3A_15, %get3A_15, %get3A_15, %get3A_15, %get3A_15, %get3A_15, %get3A_15, %get3A_15, %get3A_15, %get3A_15, %get3A_15, %get3A_15, %get3A_15, %get3A_15 in 0 : vector<128x128xf32>, vector<128x128xf32>, vector<128x128xf32>, vector<128x128xf32>, vector<128x128xf32>, vector<128x128xf32>, vector<128x128xf32>, vector<128x128xf32>, vector<128x128xf32>, vector<128x128xf32>, vector<128x128xf32>, vector<128x128xf32>, vector<128x128xf32>, vector<128x128xf32>, vector<128x128xf32>, vector<128x128xf32>, vector<128x128xf32> -> vector<2176x128xf32>
    %get3A_16 = arith.constant 0 : index
    %get3A_17 = arith.constant 0 : index
    %get3A_18 = vector.load %arg1[%get3A_16, %get3A_17] : memref<128x256xf32, #tpu.memory_space<vmem>>, vector<128x256xf32>
    %concatenate3A_19 = tpu.concatenate %get3A_18, %get3A_18, %get3A_18, %get3A_18, %get3A_18, %get3A_18, %get3A_18, %get3A_18, %get3A_18, %get3A_18, %get3A_18, %get3A_18, %get3A_18, %get3A_18, %get3A_18, %get3A_18, %get3A_18 in 0 : vector<128x256xf32>, vector<128x256xf32>, vector<128x256xf32>, vector<128x256xf32>, vector<128x256xf32>, vector<128x256xf32>, vector<128x256xf32>, vector<128x256xf32>, vector<128x256xf32>, vector<128x256xf32>, vector<128x256xf32>, vector<128x256xf32>, vector<128x256xf32>, vector<128x256xf32>, vector<128x256xf32>, vector<128x256xf32>, vector<128x256xf32> -> vector<2176x256xf32>
    %sub3A = arith.subf %concatenate3A, %reshape3A_12 : vector<2176x128xf32>
    %get3A_20 = arith.constant 0 : index
    %get3A_21 = arith.constant 0 : index
    %get3A_22 = vector.load %arg6[%get3A_20, %get3A_21] : memref<256x128xf32, #tpu.memory_space<vmem>>, vector<256x128xf32>
    %dot_general3A = arith.constant dense<0.000000e+00> : vector<2176x256xf32>
    %dot_general3A_23 = tpu.matmul %sub3A, %get3A_22, %dot_general3A {dimension_numbers = #tpu.dot_dimension_numbers<[1], [1], [0], [0], [0, 0, 1, 0], [], []>, transpose_lhs_hint = false} : vector<2176x128xf32>, vector<256x128xf32>, vector<2176x256xf32> -> vector<2176x256xf32>
    %get3A_24 = arith.constant 0 : index
    %get3A_25 = arith.constant 0 : index
    %get3A_26 = vector.load %arg7[%get3A_24, %get3A_25] : memref<1x256xf32, #tpu.memory_space<vmem>>, vector<1x256xf32>
    %add3A = vector.broadcast %get3A_26 : vector<1x256xf32> to vector<2176x256xf32>
    %add3A_27 = arith.addf %dot_general3A_23, %add3A : vector<2176x256xf32>
    %max3A = arith.constant 0.000000e+00 : f32
    %max3A_28 = vector.broadcast %max3A : f32 to vector<2176x256xf32>
    %max3A_29 = arith.maximumf %add3A_27, %max3A_28 : vector<2176x256xf32>
    %convert_element_type3A = arith.truncf %max3A_29 : vector<2176x256xf32> to vector<2176x256xbf16>
    %get3A_30 = arith.constant 0 : index
    %get3A_31 = arith.constant 0 : index
    %get3A_32 = vector.load %arg8[%get3A_30, %get3A_31] : memref<256x256xf32, #tpu.memory_space<vmem>>, vector<256x256xf32>
    %convert_element_type3A_33 = arith.truncf %get3A_32 : vector<256x256xf32> to vector<256x256xbf16>
    %dot_general3A_34 = arith.constant dense<0.000000e+00> : vector<2176x256xf32>
    %dot_general3A_35 = tpu.matmul %convert_element_type3A, %convert_element_type3A_33, %dot_general3A_34 {dimension_numbers = #tpu.dot_dimension_numbers<[1], [1], [0], [0], [0, 0, 1, 0], [], []>, transpose_lhs_hint = false} : vector<2176x256xbf16>, vector<256x256xbf16>, vector<2176x256xf32> -> vector<2176x256xf32>
    %get3A_36 = arith.constant 0 : index
    %get3A_37 = arith.constant 0 : index
    %get3A_38 = vector.load %arg9[%get3A_36, %get3A_37] : memref<1x256xf32, #tpu.memory_space<vmem>>, vector<1x256xf32>
    %add3A_39 = vector.broadcast %get3A_38 : vector<1x256xf32> to vector<2176x256xf32>
    %add3A_40 = arith.addf %dot_general3A_35, %add3A_39 : vector<2176x256xf32>
    %sub3A_41 = arith.subf %concatenate3A_19, %bitcast_convert_type3A : vector<2176x256xf32>
    %add3A_42 = arith.addf %sub3A_41, %add3A_40 : vector<2176x256xf32>
    %convert_element_type3A_43 = arith.truncf %add3A_42 : vector<2176x256xf32> to vector<2176x256xbf16>
    %get3A_44 = arith.constant 0 : index
    %get3A_45 = arith.constant 0 : index
    %get3A_46 = vector.load %arg10[%get3A_44, %get3A_45] : memref<256x256xf32, #tpu.memory_space<vmem>>, vector<256x256xf32>
    %convert_element_type3A_47 = arith.truncf %get3A_46 : vector<256x256xf32> to vector<256x256xbf16>
    %dot_general3A_48 = arith.constant dense<0.000000e+00> : vector<2176x256xf32>
    %dot_general3A_49 = tpu.matmul %convert_element_type3A_43, %convert_element_type3A_47, %dot_general3A_48 {dimension_numbers = #tpu.dot_dimension_numbers<[1], [1], [0], [0], [0, 0, 1, 0], [], []>, transpose_lhs_hint = false} : vector<2176x256xbf16>, vector<256x256xbf16>, vector<2176x256xf32> -> vector<2176x256xf32>
    %get3A_50 = arith.constant 0 : index
    %get3A_51 = arith.constant 0 : index
    %get3A_52 = vector.load %arg11[%get3A_50, %get3A_51] : memref<1x256xf32, #tpu.memory_space<vmem>>, vector<1x256xf32>
    %add3A_53 = vector.broadcast %get3A_52 : vector<1x256xf32> to vector<2176x256xf32>
    %add3A_54 = arith.addf %dot_general3A_49, %add3A_53 : vector<2176x256xf32>
    %max3A_55 = arith.constant 0.000000e+00 : f32
    %max3A_56 = vector.broadcast %max3A_55 : f32 to vector<2176x256xf32>
    %max3A_57 = arith.maximumf %add3A_54, %max3A_56 : vector<2176x256xf32>
    %convert_element_type3A_58 = arith.truncf %max3A_57 : vector<2176x256xf32> to vector<2176x256xbf16>
    %get3A_59 = arith.constant 0 : index
    %get3A_60 = arith.constant 0 : index
    %get3A_61 = vector.load %arg12[%get3A_59, %get3A_60] : memref<256x256xf32, #tpu.memory_space<vmem>>, vector<256x256xf32>
    %convert_element_type3A_62 = arith.truncf %get3A_61 : vector<256x256xf32> to vector<256x256xbf16>
    %dot_general3A_63 = arith.constant dense<0.000000e+00> : vector<2176x256xf32>
    %dot_general3A_64 = tpu.matmul %convert_element_type3A_58, %convert_element_type3A_62, %dot_general3A_63 {dimension_numbers = #tpu.dot_dimension_numbers<[1], [1], [0], [0], [0, 0, 1, 0], [], []>, transpose_lhs_hint = false} : vector<2176x256xbf16>, vector<256x256xbf16>, vector<2176x256xf32> -> vector<2176x256xf32>
    %get3A_65 = arith.constant 0 : index
    %get3A_66 = arith.constant 0 : index
    %get3A_67 = vector.load %arg13[%get3A_65, %get3A_66] : memref<1x256xf32, #tpu.memory_space<vmem>>, vector<1x256xf32>
    %add3A_68 = vector.broadcast %get3A_67 : vector<1x256xf32> to vector<2176x256xf32>
    %add3A_69 = arith.addf %dot_general3A_64, %add3A_68 : vector<2176x256xf32>
    %mul3A = arith.constant 6.250000e-02 : f32
    %mul3A_70 = vector.broadcast %mul3A : f32 to vector<2176x256xf32>
    %mul3A_71 = arith.mulf %add3A_69, %mul3A_70 : vector<2176x256xf32>
    %add3A_72 = arith.addf %bitcast_convert_type3A_7, %add3A_40 : vector<2176x256xf32>
    %slice3A = vector.extract_strided_slice %mul3A_71 {offsets = [0, 0], sizes = [128, 256], strides = [1, 1]} : vector<2176x256xf32> to vector<128x256xf32>
    %slice3A_73 = vector.extract_strided_slice %mul3A_71 {offsets = [128, 0], sizes = [128, 256], strides = [1, 1]} : vector<2176x256xf32> to vector<128x256xf32>
    %max3A_74 = arith.maximumf %slice3A, %slice3A_73 : vector<128x256xf32>
    %slice3A_75 = vector.extract_strided_slice %mul3A_71 {offsets = [256, 0], sizes = [128, 256], strides = [1, 1]} : vector<2176x256xf32> to vector<128x256xf32>
    %max3A_76 = arith.maximumf %max3A_74, %slice3A_75 : vector<128x256xf32>
    %slice3A_77 = vector.extract_strided_slice %mul3A_71 {offsets = [384, 0], sizes = [128, 256], strides = [1, 1]} : vector<2176x256xf32> to vector<128x256xf32>
    %max3A_78 = arith.maximumf %max3A_76, %slice3A_77 : vector<128x256xf32>
    %slice3A_79 = vector.extract_strided_slice %mul3A_71 {offsets = [512, 0], sizes = [128, 256], strides = [1, 1]} : vector<2176x256xf32> to vector<128x256xf32>
    %max3A_80 = arith.maximumf %max3A_78, %slice3A_79 : vector<128x256xf32>
    %slice3A_81 = vector.extract_strided_slice %mul3A_71 {offsets = [640, 0], sizes = [128, 256], strides = [1, 1]} : vector<2176x256xf32> to vector<128x256xf32>
    %max3A_82 = arith.maximumf %max3A_80, %slice3A_81 : vector<128x256xf32>
    %slice3A_83 = vector.extract_strided_slice %mul3A_71 {offsets = [768, 0], sizes = [128, 256], strides = [1, 1]} : vector<2176x256xf32> to vector<128x256xf32>
    %max3A_84 = arith.maximumf %max3A_82, %slice3A_83 : vector<128x256xf32>
    %slice3A_85 = vector.extract_strided_slice %mul3A_71 {offsets = [896, 0], sizes = [128, 256], strides = [1, 1]} : vector<2176x256xf32> to vector<128x256xf32>
    %max3A_86 = arith.maximumf %max3A_84, %slice3A_85 : vector<128x256xf32>
    %slice3A_87 = vector.extract_strided_slice %mul3A_71 {offsets = [1024, 0], sizes = [128, 256], strides = [1, 1]} : vector<2176x256xf32> to vector<128x256xf32>
    %max3A_88 = arith.maximumf %max3A_86, %slice3A_87 : vector<128x256xf32>
    %slice3A_89 = vector.extract_strided_slice %mul3A_71 {offsets = [1152, 0], sizes = [128, 256], strides = [1, 1]} : vector<2176x256xf32> to vector<128x256xf32>
    %max3A_90 = arith.maximumf %max3A_88, %slice3A_89 : vector<128x256xf32>
    %slice3A_91 = vector.extract_strided_slice %mul3A_71 {offsets = [1280, 0], sizes = [128, 256], strides = [1, 1]} : vector<2176x256xf32> to vector<128x256xf32>
    %max3A_92 = arith.maximumf %max3A_90, %slice3A_91 : vector<128x256xf32>
    %slice3A_93 = vector.extract_strided_slice %mul3A_71 {offsets = [1408, 0], sizes = [128, 256], strides = [1, 1]} : vector<2176x256xf32> to vector<128x256xf32>
    %max3A_94 = arith.maximumf %max3A_92, %slice3A_93 : vector<128x256xf32>
    %slice3A_95 = vector.extract_strided_slice %mul3A_71 {offsets = [1536, 0], sizes = [128, 256], strides = [1, 1]} : vector<2176x256xf32> to vector<128x256xf32>
    %max3A_96 = arith.maximumf %max3A_94, %slice3A_95 : vector<128x256xf32>
    %slice3A_97 = vector.extract_strided_slice %mul3A_71 {offsets = [1664, 0], sizes = [128, 256], strides = [1, 1]} : vector<2176x256xf32> to vector<128x256xf32>
    %max3A_98 = arith.maximumf %max3A_96, %slice3A_97 : vector<128x256xf32>
    %slice3A_99 = vector.extract_strided_slice %mul3A_71 {offsets = [1792, 0], sizes = [128, 256], strides = [1, 1]} : vector<2176x256xf32> to vector<128x256xf32>
    %max3A_100 = arith.maximumf %max3A_98, %slice3A_99 : vector<128x256xf32>
    %slice3A_101 = vector.extract_strided_slice %mul3A_71 {offsets = [1920, 0], sizes = [128, 256], strides = [1, 1]} : vector<2176x256xf32> to vector<128x256xf32>
    %max3A_102 = arith.maximumf %max3A_100, %slice3A_101 : vector<128x256xf32>
    %slice3A_103 = vector.extract_strided_slice %mul3A_71 {offsets = [2048, 0], sizes = [128, 256], strides = [1, 1]} : vector<2176x256xf32> to vector<128x256xf32>
    %max3A_104 = arith.maximumf %max3A_102, %slice3A_103 : vector<128x256xf32>
    %broadcast_in_dim3A = arith.constant 0.000000e+00 : f32
    %broadcast_in_dim3A_105 = vector.broadcast %broadcast_in_dim3A : f32 to vector<128x256xf32>
    %broadcast_in_dim3A_106 = arith.constant 0.000000e+00 : f32
    %broadcast_in_dim3A_107 = vector.broadcast %broadcast_in_dim3A_106 : f32 to vector<128x256xf32>
    %slice3A_108 = vector.extract_strided_slice %mul3A_71 {offsets = [0, 0], sizes = [128, 256], strides = [1, 1]} : vector<2176x256xf32> to vector<128x256xf32>
    %sub3A_109 = arith.subf %slice3A_108, %max3A_104 : vector<128x256xf32>
    %exp3A = math.exp %sub3A_109 : vector<128x256xf32>
    %add3A_110 = arith.addf %broadcast_in_dim3A_105, %exp3A : vector<128x256xf32>
    %slice3A_111 = vector.extract_strided_slice %add3A_72 {offsets = [0, 0], sizes = [128, 256], strides = [1, 1]} : vector<2176x256xf32> to vector<128x256xf32>
    %mul3A_112 = arith.mulf %exp3A, %slice3A_111 : vector<128x256xf32>
    %add3A_113 = arith.addf %broadcast_in_dim3A_107, %mul3A_112 : vector<128x256xf32>
    %slice3A_114 = vector.extract_strided_slice %mul3A_71 {offsets = [128, 0], sizes = [128, 256], strides = [1, 1]} : vector<2176x256xf32> to vector<128x256xf32>
    %sub3A_115 = arith.subf %slice3A_114, %max3A_104 : vector<128x256xf32>
    %exp3A_116 = math.exp %sub3A_115 : vector<128x256xf32>
    %add3A_117 = arith.addf %add3A_110, %exp3A_116 : vector<128x256xf32>
    %slice3A_118 = vector.extract_strided_slice %add3A_72 {offsets = [128, 0], sizes = [128, 256], strides = [1, 1]} : vector<2176x256xf32> to vector<128x256xf32>
    %mul3A_119 = arith.mulf %exp3A_116, %slice3A_118 : vector<128x256xf32>
    %add3A_120 = arith.addf %add3A_113, %mul3A_119 : vector<128x256xf32>
    %slice3A_121 = vector.extract_strided_slice %mul3A_71 {offsets = [256, 0], sizes = [128, 256], strides = [1, 1]} : vector<2176x256xf32> to vector<128x256xf32>
    %sub3A_122 = arith.subf %slice3A_121, %max3A_104 : vector<128x256xf32>
    %exp3A_123 = math.exp %sub3A_122 : vector<128x256xf32>
    %add3A_124 = arith.addf %add3A_117, %exp3A_123 : vector<128x256xf32>
    %slice3A_125 = vector.extract_strided_slice %add3A_72 {offsets = [256, 0], sizes = [128, 256], strides = [1, 1]} : vector<2176x256xf32> to vector<128x256xf32>
    %mul3A_126 = arith.mulf %exp3A_123, %slice3A_125 : vector<128x256xf32>
    %add3A_127 = arith.addf %add3A_120, %mul3A_126 : vector<128x256xf32>
    %slice3A_128 = vector.extract_strided_slice %mul3A_71 {offsets = [384, 0], sizes = [128, 256], strides = [1, 1]} : vector<2176x256xf32> to vector<128x256xf32>
    %sub3A_129 = arith.subf %slice3A_128, %max3A_104 : vector<128x256xf32>
    %exp3A_130 = math.exp %sub3A_129 : vector<128x256xf32>
    %add3A_131 = arith.addf %add3A_124, %exp3A_130 : vector<128x256xf32>
    %slice3A_132 = vector.extract_strided_slice %add3A_72 {offsets = [384, 0], sizes = [128, 256], strides = [1, 1]} : vector<2176x256xf32> to vector<128x256xf32>
    %mul3A_133 = arith.mulf %exp3A_130, %slice3A_132 : vector<128x256xf32>
    %add3A_134 = arith.addf %add3A_127, %mul3A_133 : vector<128x256xf32>
    %slice3A_135 = vector.extract_strided_slice %mul3A_71 {offsets = [512, 0], sizes = [128, 256], strides = [1, 1]} : vector<2176x256xf32> to vector<128x256xf32>
    %sub3A_136 = arith.subf %slice3A_135, %max3A_104 : vector<128x256xf32>
    %exp3A_137 = math.exp %sub3A_136 : vector<128x256xf32>
    %add3A_138 = arith.addf %add3A_131, %exp3A_137 : vector<128x256xf32>
    %slice3A_139 = vector.extract_strided_slice %add3A_72 {offsets = [512, 0], sizes = [128, 256], strides = [1, 1]} : vector<2176x256xf32> to vector<128x256xf32>
    %mul3A_140 = arith.mulf %exp3A_137, %slice3A_139 : vector<128x256xf32>
    %add3A_141 = arith.addf %add3A_134, %mul3A_140 : vector<128x256xf32>
    %slice3A_142 = vector.extract_strided_slice %mul3A_71 {offsets = [640, 0], sizes = [128, 256], strides = [1, 1]} : vector<2176x256xf32> to vector<128x256xf32>
    %sub3A_143 = arith.subf %slice3A_142, %max3A_104 : vector<128x256xf32>
    %exp3A_144 = math.exp %sub3A_143 : vector<128x256xf32>
    %add3A_145 = arith.addf %add3A_138, %exp3A_144 : vector<128x256xf32>
    %slice3A_146 = vector.extract_strided_slice %add3A_72 {offsets = [640, 0], sizes = [128, 256], strides = [1, 1]} : vector<2176x256xf32> to vector<128x256xf32>
    %mul3A_147 = arith.mulf %exp3A_144, %slice3A_146 : vector<128x256xf32>
    %add3A_148 = arith.addf %add3A_141, %mul3A_147 : vector<128x256xf32>
    %slice3A_149 = vector.extract_strided_slice %mul3A_71 {offsets = [768, 0], sizes = [128, 256], strides = [1, 1]} : vector<2176x256xf32> to vector<128x256xf32>
    %sub3A_150 = arith.subf %slice3A_149, %max3A_104 : vector<128x256xf32>
    %exp3A_151 = math.exp %sub3A_150 : vector<128x256xf32>
    %add3A_152 = arith.addf %add3A_145, %exp3A_151 : vector<128x256xf32>
    %slice3A_153 = vector.extract_strided_slice %add3A_72 {offsets = [768, 0], sizes = [128, 256], strides = [1, 1]} : vector<2176x256xf32> to vector<128x256xf32>
    %mul3A_154 = arith.mulf %exp3A_151, %slice3A_153 : vector<128x256xf32>
    %add3A_155 = arith.addf %add3A_148, %mul3A_154 : vector<128x256xf32>
    %slice3A_156 = vector.extract_strided_slice %mul3A_71 {offsets = [896, 0], sizes = [128, 256], strides = [1, 1]} : vector<2176x256xf32> to vector<128x256xf32>
    %sub3A_157 = arith.subf %slice3A_156, %max3A_104 : vector<128x256xf32>
    %exp3A_158 = math.exp %sub3A_157 : vector<128x256xf32>
    %add3A_159 = arith.addf %add3A_152, %exp3A_158 : vector<128x256xf32>
    %slice3A_160 = vector.extract_strided_slice %add3A_72 {offsets = [896, 0], sizes = [128, 256], strides = [1, 1]} : vector<2176x256xf32> to vector<128x256xf32>
    %mul3A_161 = arith.mulf %exp3A_158, %slice3A_160 : vector<128x256xf32>
    %add3A_162 = arith.addf %add3A_155, %mul3A_161 : vector<128x256xf32>
    %slice3A_163 = vector.extract_strided_slice %mul3A_71 {offsets = [1024, 0], sizes = [128, 256], strides = [1, 1]} : vector<2176x256xf32> to vector<128x256xf32>
    %sub3A_164 = arith.subf %slice3A_163, %max3A_104 : vector<128x256xf32>
    %exp3A_165 = math.exp %sub3A_164 : vector<128x256xf32>
    %add3A_166 = arith.addf %add3A_159, %exp3A_165 : vector<128x256xf32>
    %slice3A_167 = vector.extract_strided_slice %add3A_72 {offsets = [1024, 0], sizes = [128, 256], strides = [1, 1]} : vector<2176x256xf32> to vector<128x256xf32>
    %mul3A_168 = arith.mulf %exp3A_165, %slice3A_167 : vector<128x256xf32>
    %add3A_169 = arith.addf %add3A_162, %mul3A_168 : vector<128x256xf32>
    %slice3A_170 = vector.extract_strided_slice %mul3A_71 {offsets = [1152, 0], sizes = [128, 256], strides = [1, 1]} : vector<2176x256xf32> to vector<128x256xf32>
    %sub3A_171 = arith.subf %slice3A_170, %max3A_104 : vector<128x256xf32>
    %exp3A_172 = math.exp %sub3A_171 : vector<128x256xf32>
    %add3A_173 = arith.addf %add3A_166, %exp3A_172 : vector<128x256xf32>
    %slice3A_174 = vector.extract_strided_slice %add3A_72 {offsets = [1152, 0], sizes = [128, 256], strides = [1, 1]} : vector<2176x256xf32> to vector<128x256xf32>
    %mul3A_175 = arith.mulf %exp3A_172, %slice3A_174 : vector<128x256xf32>
    %add3A_176 = arith.addf %add3A_169, %mul3A_175 : vector<128x256xf32>
    %slice3A_177 = vector.extract_strided_slice %mul3A_71 {offsets = [1280, 0], sizes = [128, 256], strides = [1, 1]} : vector<2176x256xf32> to vector<128x256xf32>
    %sub3A_178 = arith.subf %slice3A_177, %max3A_104 : vector<128x256xf32>
    %exp3A_179 = math.exp %sub3A_178 : vector<128x256xf32>
    %add3A_180 = arith.addf %add3A_173, %exp3A_179 : vector<128x256xf32>
    %slice3A_181 = vector.extract_strided_slice %add3A_72 {offsets = [1280, 0], sizes = [128, 256], strides = [1, 1]} : vector<2176x256xf32> to vector<128x256xf32>
    %mul3A_182 = arith.mulf %exp3A_179, %slice3A_181 : vector<128x256xf32>
    %add3A_183 = arith.addf %add3A_176, %mul3A_182 : vector<128x256xf32>
    %slice3A_184 = vector.extract_strided_slice %mul3A_71 {offsets = [1408, 0], sizes = [128, 256], strides = [1, 1]} : vector<2176x256xf32> to vector<128x256xf32>
    %sub3A_185 = arith.subf %slice3A_184, %max3A_104 : vector<128x256xf32>
    %exp3A_186 = math.exp %sub3A_185 : vector<128x256xf32>
    %add3A_187 = arith.addf %add3A_180, %exp3A_186 : vector<128x256xf32>
    %slice3A_188 = vector.extract_strided_slice %add3A_72 {offsets = [1408, 0], sizes = [128, 256], strides = [1, 1]} : vector<2176x256xf32> to vector<128x256xf32>
    %mul3A_189 = arith.mulf %exp3A_186, %slice3A_188 : vector<128x256xf32>
    %add3A_190 = arith.addf %add3A_183, %mul3A_189 : vector<128x256xf32>
    %slice3A_191 = vector.extract_strided_slice %mul3A_71 {offsets = [1536, 0], sizes = [128, 256], strides = [1, 1]} : vector<2176x256xf32> to vector<128x256xf32>
    %sub3A_192 = arith.subf %slice3A_191, %max3A_104 : vector<128x256xf32>
    %exp3A_193 = math.exp %sub3A_192 : vector<128x256xf32>
    %add3A_194 = arith.addf %add3A_187, %exp3A_193 : vector<128x256xf32>
    %slice3A_195 = vector.extract_strided_slice %add3A_72 {offsets = [1536, 0], sizes = [128, 256], strides = [1, 1]} : vector<2176x256xf32> to vector<128x256xf32>
    %mul3A_196 = arith.mulf %exp3A_193, %slice3A_195 : vector<128x256xf32>
    %add3A_197 = arith.addf %add3A_190, %mul3A_196 : vector<128x256xf32>
    %slice3A_198 = vector.extract_strided_slice %mul3A_71 {offsets = [1664, 0], sizes = [128, 256], strides = [1, 1]} : vector<2176x256xf32> to vector<128x256xf32>
    %sub3A_199 = arith.subf %slice3A_198, %max3A_104 : vector<128x256xf32>
    %exp3A_200 = math.exp %sub3A_199 : vector<128x256xf32>
    %add3A_201 = arith.addf %add3A_194, %exp3A_200 : vector<128x256xf32>
    %slice3A_202 = vector.extract_strided_slice %add3A_72 {offsets = [1664, 0], sizes = [128, 256], strides = [1, 1]} : vector<2176x256xf32> to vector<128x256xf32>
    %mul3A_203 = arith.mulf %exp3A_200, %slice3A_202 : vector<128x256xf32>
    %add3A_204 = arith.addf %add3A_197, %mul3A_203 : vector<128x256xf32>
    %slice3A_205 = vector.extract_strided_slice %mul3A_71 {offsets = [1792, 0], sizes = [128, 256], strides = [1, 1]} : vector<2176x256xf32> to vector<128x256xf32>
    %sub3A_206 = arith.subf %slice3A_205, %max3A_104 : vector<128x256xf32>
    %exp3A_207 = math.exp %sub3A_206 : vector<128x256xf32>
    %add3A_208 = arith.addf %add3A_201, %exp3A_207 : vector<128x256xf32>
    %slice3A_209 = vector.extract_strided_slice %add3A_72 {offsets = [1792, 0], sizes = [128, 256], strides = [1, 1]} : vector<2176x256xf32> to vector<128x256xf32>
    %mul3A_210 = arith.mulf %exp3A_207, %slice3A_209 : vector<128x256xf32>
    %add3A_211 = arith.addf %add3A_204, %mul3A_210 : vector<128x256xf32>
    %slice3A_212 = vector.extract_strided_slice %mul3A_71 {offsets = [1920, 0], sizes = [128, 256], strides = [1, 1]} : vector<2176x256xf32> to vector<128x256xf32>
    %sub3A_213 = arith.subf %slice3A_212, %max3A_104 : vector<128x256xf32>
    %exp3A_214 = math.exp %sub3A_213 : vector<128x256xf32>
    %add3A_215 = arith.addf %add3A_208, %exp3A_214 : vector<128x256xf32>
    %slice3A_216 = vector.extract_strided_slice %add3A_72 {offsets = [1920, 0], sizes = [128, 256], strides = [1, 1]} : vector<2176x256xf32> to vector<128x256xf32>
    %mul3A_217 = arith.mulf %exp3A_214, %slice3A_216 : vector<128x256xf32>
    %add3A_218 = arith.addf %add3A_211, %mul3A_217 : vector<128x256xf32>
    %slice3A_219 = vector.extract_strided_slice %mul3A_71 {offsets = [2048, 0], sizes = [128, 256], strides = [1, 1]} : vector<2176x256xf32> to vector<128x256xf32>
    %sub3A_220 = arith.subf %slice3A_219, %max3A_104 : vector<128x256xf32>
    %exp3A_221 = math.exp %sub3A_220 : vector<128x256xf32>
    %add3A_222 = arith.addf %add3A_215, %exp3A_221 : vector<128x256xf32>
    %slice3A_223 = vector.extract_strided_slice %add3A_72 {offsets = [2048, 0], sizes = [128, 256], strides = [1, 1]} : vector<2176x256xf32> to vector<128x256xf32>
    %mul3A_224 = arith.mulf %exp3A_221, %slice3A_223 : vector<128x256xf32>
    %add3A_225 = arith.addf %add3A_218, %mul3A_224 : vector<128x256xf32>
    %div3A = arith.divf %add3A_225, %add3A_222 : vector<128x256xf32>
    %get3A_226 = arith.constant 0 : index
    %get3A_227 = arith.constant 0 : index
    %get3A_228 = vector.load %arg14[%get3A_226, %get3A_227] : memref<256x256xf32, #tpu.memory_space<vmem>>, vector<256x256xf32>
    %dot_general3A_229 = arith.constant dense<0.000000e+00> : vector<128x256xf32>
    %dot_general3A_230 = tpu.matmul %div3A, %get3A_228, %dot_general3A_229 {dimension_numbers = #tpu.dot_dimension_numbers<[1], [1], [0], [0], [0, 0, 1, 0], [], []>, transpose_lhs_hint = false} : vector<128x256xf32>, vector<256x256xf32>, vector<128x256xf32> -> vector<128x256xf32>
    %get3A_231 = arith.constant 0 : index
    %get3A_232 = arith.constant 0 : index
    %get3A_233 = vector.load %arg15[%get3A_231, %get3A_232] : memref<1x256xf32, #tpu.memory_space<vmem>>, vector<1x256xf32>
    %add3A_234 = vector.broadcast %get3A_233 : vector<1x256xf32> to vector<128x256xf32>
    %add3A_235 = arith.addf %dot_general3A_230, %add3A_234 : vector<128x256xf32>
    %get3A_236 = arith.constant 0 : index
    %get3A_237 = arith.constant 0 : index
    %get3A_238 = vector.load %arg5[%get3A_236, %get3A_237] : memref<128x256xf32, #tpu.memory_space<vmem>>, vector<128x256xf32>
    %add3A_239 = arith.addf %add3A_235, %get3A_238 : vector<128x256xf32>
    %swap3A = arith.constant 0 : index
    %swap3A_240 = arith.constant 0 : index
    %swap3A_241 = vector.load %arg16[%swap3A, %swap3A_240] : memref<128x256xf32, #tpu.memory_space<vmem>>, vector<128x256xf32>
    tpu.vector_store %arg16[%swap3A, %swap3A_240], %add3A_239 {strides = array<i32>} : memref<128x256xf32, #tpu.memory_space<vmem>>, vector<128x256xf32>,
    return
  }
  func.func @transform_0(%arg0: i32) -> (i32, i32) {
    %c0_i32 = arith.constant 0 : i32
    %c0_i32_0 = arith.constant 0 : i32
    return %arg0, %c0_i32 : i32, i32
  }
  func.func @transform_1(%arg0: i32) -> (i32, i32, i32) {
    %c0_i32 = arith.constant 0 : i32
    %c0_i32_0 = arith.constant 0 : i32
    %c0_i32_1 = arith.constant 0 : i32
    return %c0_i32, %arg0, %c0_i32_0 : i32, i32, i32
  }
  func.func @transform_2(%arg0: i32) -> (i32, i32, i32) {
    %c0_i32 = arith.constant 0 : i32
    %c0_i32_0 = arith.constant 0 : i32
    %c0_i32_1 = arith.constant 0 : i32
    return %c0_i32, %arg0, %c0_i32_0 : i32, i32, i32
  }
  func.func @transform_3(%arg0: i32) -> (i32, i32) {
    %c0_i32 = arith.constant 0 : i32
    %c0_i32_0 = arith.constant 0 : i32
    return %arg0, %c0_i32 : i32, i32
  }
  func.func @transform_4(%arg0: i32) -> (i32, i32) {
    %c0_i32 = arith.constant 0 : i32
    %c0_i32_0 = arith.constant 0 : i32
    return %arg0, %c0_i32 : i32, i32
  }
  func.func @transform_5(%arg0: i32) -> (i32, i32) {
    %c0_i32 = arith.constant 0 : i32
    %c0_i32_0 = arith.constant 0 : i32
    %c0_i32_1 = arith.constant 0 : i32
    return %c0_i32, %c0_i32_0 : i32, i32
  }
  func.func @transform_6(%arg0: i32) -> (i32, i32) {
    %c0_i32 = arith.constant 0 : i32
    %c0_i32_0 = arith.constant 0 : i32
    %c0_i32_1 = arith.constant 0 : i32
    return %c0_i32, %c0_i32_0 : i32, i32
  }
  func.func @transform_7(%arg0: i32) -> (i32, i32) {
    %c0_i32 = arith.constant 0 : i32
    %c0_i32_0 = arith.constant 0 : i32
    %c0_i32_1 = arith.constant 0 : i32
    return %c0_i32, %c0_i32_0 : i32, i32
  }
  func.func @transform_8(%arg0: i32) -> (i32, i32) {
    %c0_i32 = arith.constant 0 : i32
    %c0_i32_0 = arith.constant 0 : i32
    %c0_i32_1 = arith.constant 0 : i32
    return %c0_i32, %c0_i32_0 : i32, i32
  }
  func.func @transform_9(%arg0: i32) -> (i32, i32) {
    %c0_i32 = arith.constant 0 : i32
    %c0_i32_0 = arith.constant 0 : i32
    %c0_i32_1 = arith.constant 0 : i32
    return %c0_i32, %c0_i32_0 : i32, i32
  }
  func.func @transform_10(%arg0: i32) -> (i32, i32) {
    %c0_i32 = arith.constant 0 : i32
    %c0_i32_0 = arith.constant 0 : i32
    %c0_i32_1 = arith.constant 0 : i32
    return %c0_i32, %c0_i32_0 : i32, i32
  }
  func.func @transform_11(%arg0: i32) -> (i32, i32) {
    %c0_i32 = arith.constant 0 : i32
    %c0_i32_0 = arith.constant 0 : i32
    %c0_i32_1 = arith.constant 0 : i32
    return %c0_i32, %c0_i32_0 : i32, i32
  }
  func.func @transform_12(%arg0: i32) -> (i32, i32) {
    %c0_i32 = arith.constant 0 : i32
    %c0_i32_0 = arith.constant 0 : i32
    %c0_i32_1 = arith.constant 0 : i32
    return %c0_i32, %c0_i32_0 : i32, i32
  }
  func.func @transform_13(%arg0: i32) -> (i32, i32) {
    %c0_i32 = arith.constant 0 : i32
    %c0_i32_0 = arith.constant 0 : i32
    %c0_i32_1 = arith.constant 0 : i32
    return %c0_i32, %c0_i32_0 : i32, i32
  }
  func.func @transform_14(%arg0: i32) -> (i32, i32) {
    %c0_i32 = arith.constant 0 : i32
    %c0_i32_0 = arith.constant 0 : i32
    %c0_i32_1 = arith.constant 0 : i32
    return %c0_i32, %c0_i32_0 : i32, i32
  }
  func.func @transform_15(%arg0: i32) -> (i32, i32) {
    %c0_i32 = arith.constant 0 : i32
    %c0_i32_0 = arith.constant 0 : i32
    return %arg0, %c0_i32 : i32, i32
  }
}

</mosaic_0001>

<sc_bundles>
// kernel: kernel.11.cloned.1.call-start
scs
__scs_entry_jumppad:
0x0: {  	(pc) =	sbr.rel $0x88, $3  }
0x1: {  	(tag) =	ssettag $0x0;
	lr =	simm.s32 $0x1  }
0x2: {  	[smem:$0x3F90] =	sst lr;
	_ =	strace $0xD0000000  }
0x3: {  	_ = 	snop  }
0x4: {  	_ = 	snop  }
0x5: {  	_ = 	snop  }
0x6: {  	_ = 	snop  }
0x7: {  	_ = 	snop  }
__scs_overlays_trampoline_lowered:
0x8: {  	[smem:$0x3F9F] =	sst s0  }
0x9: {  	[smem:$0x3FA0] =	sst s1  }
0xa: {  	[smem:$0x3FA1] =	sst s2  }
0xb: {  	[smem:$0x3FA2] =	sst s3  }
0xc: {  	[smem:$0x3FA3] =	sst s4  }
0xd: {  	[smem:$0x3FA4] =	sst s5  }
0xe: {  	[smem:$0x3FA5] =	sst s6  }
0xf: {  	[smem:$0x3FA6] =	sst s7  }
0x10: {  	[smem:$0x3FA7] =	sst s8  }
0x11: {  	[smem:$0x3FA8] =	sst s9;
	s0 =	simm.s32 @!p0 $0x0  }
0x12: {  	s1 =	sld [smem:$0x3F8E];
	s0 =	simm.s32 @p0 $0x1  }
0x13: {  	[smem:$0x3FA9] =	sst s0;
	s0 =	simm.s32 @!p1 $0x0  }
0x14: {  	s2 =	sld [smem:$0x3F8D];
	s0 =	simm.s32 @p1 $0x1  }
0x15: {  	[smem:$0x3FAA] =	sst s0;
	s0 =	simm.s32 @!p2 $0x0  }
0x16: {  	s3 =	sld [smem:$0x3FDB];
	s0 =	simm.s32 @p2 $0x1  }
0x17: {  	s4 =	simm.s32 $0x1BF5;
	[smem:$0x3FAC] =	sst s0  }
0x18: {  	s0 =	sld [smem:$0x3F8F];
	_ =	swait.ge [sflag:s4], $0x0  }
0x19: {  	s7 =	sld [smem:$0x3F90]  }
0x1a: {  	s8 =	sadd.s32 $0xFFFFE003, lr  }
0x1b: {  	s9 =	sadd.s32 $0xFFFFFEF7, lr;
	s5 =	simm.s32 $0xFFFFFFFF;
	p2 =	slt.u32 s8, $0xFFFFF086  }
0x1c: {  	p1 =	slt.u32 s9, $0xF7A;
	s5 =	simm.s32 @!p2 $0x0  }
0x1d: {  	s5 =	simm.s32 @p1 $0x1;
	p0 =	seq.s32 s7, s2  }
0x1e: {  	s7 =	smul.u32 @!p0 $0xF7A, s2;
	p2 =	seq.s32 @!p0 s5, $0x0  }
0x1f: {  	s9 =	smul.u32 $0xF7A, s1;
	s8 =	simm.s32 @!p0 $0x1BF5;
	p2 =	por !p2, p0  }
0x20: {  	[sflag:s8] =	ssyncset.s32 @!p0 $0xFFFFF086;
	s6 =	sadd.s32 @!p0 s3, s7;
	s7 =	simm.s32 @!p0 $0x108  }
0x21: {  	s3 =	sadd.s32 s3, s9;
	s6 =	sadd.s32 @!p0 $0x88, s6;
	s7 =	simm.s32 @p2 $0x1082  }
0x22: {  	[simem:s7], [sflag:s8] =	dma.local @!p0 [hbm:s6], $0xF7A  }
0x23: {  	s9 =	sor.u32 $0xD0000000, s2;
	s6 =	simm.s32 $0x108;
	_ =	swait.ge @!p0 [sflag:s8], $0x0  }
0x24: {  	s3 =	sadd.s32 $0x88, s3;
	s6 =	simm.s32 @!p1 $0x1082;
	[sflag:s4] =	ssyncset.s32 $0xFFFFF086  }
0x25: {  	[simem:s6], [sflag:s4] =	dma.local [hbm:s3], $0xF7A  }
0x26: {  	[smem:$0x3F90] =	sst s1;
	(tag) =	ssettag s2;
	_ =	strace s9  }
0x27: {  	s1 =	sld [smem:$0x3FA0]  }
0x28: {  	s2 =	sld [smem:$0x3FA1]  }
0x29: {  	s4 =	sld [smem:$0x3FA3]  }
0x2a: {  	p0 =	seq.s32 s5, $0x0;
	s5 =	sld [smem:$0x3FA4]  }
0x2b: {  	s6 =	sld [smem:$0x3FA5]  }
0x2c: {  	s7 =	sld [smem:$0x3FA6]  }
0x2d: {  	s3 =	simm.s32 $0x108;
	s8 =	sld [smem:$0x3FA7]  }
0x2e: {  	s3 =	simm.s32 @!p0 $0x1082;
	s9 =	sld [smem:$0x3FA8]  }
0x2f: {  	lr =	sadd.s32 s0, s3;
	s0 =	sld [smem:$0x3F9F]  }
0x30: {  	s3 =	sld [smem:$0x3FA2]  }
0x31: {  	[smem:$0x3FAB] =	sst s10  }
0x32: {  	s10 =	sld [smem:$0x3FA9];
	_ =	sdelay $0x3  }
0x33: {  	p0 =	seq.s32 s10, $0x1;
	s10 =	sld [smem:$0x3FAB];
	_ =	sdelay $0x3  }
0x34: {  	[smem:$0x3FAB] =	sst s10  }
0x35: {  	s10 =	sld [smem:$0x3FAA];
	_ =	sdelay $0x3  }
0x36: {  	p1 =	seq.s32 s10, $0x1;
	s10 =	sld [smem:$0x3FAB];
	_ =	sdelay $0x3  }
0x37: {  	[smem:$0x3FAB] =	sst s10  }
0x38: {  	s10 =	sld [smem:$0x3FAC]  }
0x39: {  	_ = 	snop;
	(pc) =	sbr.ind lr, $3  }
0x3a: {  	_ = 	snop  }
0x3b: {  	_ = 	snop  }
0x3c: {  	p2 =	seq.s32 s10, $0x1;
	s10 =	sld [smem:$0x3FAB]  }
0x3d: {  	_ =	shalt  }
0x3e: {  	_ =	shalt  }
0x3f: {  	_ =	shalt  }
0x40: {  	_ =	shalt  }
0x41: {  	_ =	shalt  }
0x42: {  	_ =	shalt  }
0x43: {  	_ =	shalt  }
0x44: {  	_ =	shalt  }
0x45: {  	_ =	shalt  }
0x46: {  	_ =	shalt  }
0x47: {  	_ =	shalt  }
0x48: {  	_ =	shalt  }
0x49: {  	_ =	shalt  }
0x4a: {  	_ =	shalt  }
0x4b: {  	_ =	shalt  }
0x4c: {  	_ =	shalt  }
0x4d: {  	_ =	shalt  }
0x4e: {  	_ =	shalt  }
0x4f: {  	_ =	shalt  }
0x50: {  	_ =	shalt  }
0x51: {  	_ =	shalt  }
0x52: {  	_ =	shalt  }
0x53: {  	_ =	shalt  }
0x54: {  	_ =	shalt  }
0x55: {  	_ =	shalt  }
0x56: {  	_ =	shalt  }
0x57: {  	_ =	shalt  }
0x58: {  	_ =	shalt  }
0x59: {  	_ =	shalt  }
0x5a: {  	_ =	shalt  }
0x5b: {  	_ =	shalt  }
0x5c: {  	_ =	shalt  }
0x5d: {  	_ =	shalt  }
0x5e: {  	_ =	shalt  }
0x5f: {  	_ =	shalt  }
0x60: {  	_ =	shalt  }
0x61: {  	_ =	shalt  }
0x62: {  	_ =	shalt  }
0x63: {  	_ =	shalt  }
0x64: {  	_ =	shalt  }
0x65: {  	_ =	shalt  }
0x66: {  	_ =	shalt  }
0x67: {  	_ =	shalt  }
0x68: {  	_ =	shalt  }
0x69: {  	_ =	shalt  }
0x6a: {  	_ =	shalt  }
0x6b: {  	_ =	shalt  }
0x6c: {  	_ =	shalt  }
0x6d: {  	_ =	shalt  }
0x6e: {  	_ =	shalt  }
0x6f: {  	_ =	shalt  }
0x70: {  	_ =	shalt  }
0x71: {  	_ =	shalt  }
0x72: {  	_ =	shalt  }
0x73: {  	_ =	shalt  }
0x74: {  	_ =	shalt  }
0x75: {  	_ =	shalt  }
0x76: {  	_ =	shalt  }
0x77: {  	_ =	shalt  }
0x78: {  	_ =	shalt  }
0x79: {  	_ =	shalt  }
0x7a: {  	_ =	shalt  }
0x7b: {  	_ =	shalt  }
0x7c: {  	_ =	shalt  }
0x7d: {  	_ =	shalt  }
0x7e: {  	_ =	shalt  }
0x7f: {  	_ =	shalt  }
0x80: {  	_ =	shalt  }
0x81: {  	_ =	shalt  }
0x82: {  	_ =	shalt  }
0x83: {  	_ =	shalt  }
0x84: {  	_ =	shalt  }
0x85: {  	_ =	shalt  }
0x86: {  	_ =	shalt  }
0x87: {  	_ =	shalt  }
.Lfunc_end0:
.L_simem_size_0:
called_computation.1_lowered:
.L_overlay_start_0:
0x88: {  	s2 =	sld [smem:$0x3FD9]  }
0x89: {  	s3 =	sld [smem:$0x3FFE];
	_ =	sdelay $0x1  }
0x8a: {  	s1 =	srdreg.scid  }
0x8b: {  	s0 =	sand.u32 $0x1, s1  }
0x8c: {  	s17 =	sshll.u32 s0, $0xA;
	s2 =	sadd.s32 s3, s2  }
0x8d: {  	s2 =	sadd.s32 s2, s17  }
0x8e: {  	[smem:$0x3FB7] =	sst s2  }
0x8f: {  	_ = 	snop  }
0x90: {  	s2 =	sld [smem:$0x3FD0];
	(tm) =	ssettm $0x1  }
0x91: {  	s18 =	sld [smem:$0x3FFB];
	_ =	sdelay $0x3  }
0x92: {  	_ =	strace s18  }
0x93: {  	s3 =	sld [smem:$0x3FFC];
	_ =	sdelay $0x3  }
0x94: {  	_ =	strace s3  }
0x95: {  	s3 =	sld [smem:$0x3FFD];
	_ =	sdelay $0x3  }
0x96: {  	_ =	strace s3  }
0x97: {  	_ =	strace $0x8FFFFFFF  }
0x98: {  	s19 =	sld [smem:$0x3FDB];
	_ =	sdelay $0x1  }
0x99: {  	s4 =	simm.s32 $_scs_section_size  }
0x9a: {  	s5 =	simm.s32 $_size__tile_overlayer_lowered;
	s6 =	simm.s32 $_tile_overlayer_lowered  }
0x9b: {  	s22 =	simm.s32 $0x1BFF;
	s21 =	sshll.u32 s6, $0x1;
	s3 =	sadd.s32 s4, s19  }
0x9c: {  	s7 =	simm.s32 $0x0;
	s20 =	sshll.u32 s5, $0x1;
	s5 =	sadd.s32 s21, s3  }
0x9d: {  	[timem:s7], [sflag:s22] =	dma.local [hbm:s5], s20  }
0x9e: {  	_ =	swait.ge [sflag:s22], s20  }
0x9f: {  	s4 =	ssub.s32 $0x0, s20;
	[sflag:s22] =	ssyncset.done $0x0  }
0xa0: {  	[sflag:s22] =	ssyncadd.s32 s4;
	_ =	sdelay $0x1  }
0xa1: {  	s23 =	simm.s32 $0x1B8B  }
0xa2: {  	_ =	swait.ge [sflag:s23], $0x1  }
0xa3: {  	[sflag:s23] =	ssyncset.done $0x0  }
0xa4: {  	s25 =	simm.s32 $0x1B8E;
	s24 =	sld [smem:$0x3FFE];
	[sflag:s23] =	ssyncadd.s32 $0xFFFFFFFF  }
0xa5: {  	s26 =	simm.s32 $execute0_lowered;
	[smem:$0x3FD2] =	sst s25  }
0xa6: {  	s5 =	sshll.u32 s26, $0x1;
	_ =	strace $0x80000046;
	[dreg:$0x1] =	wrdreg $0xFFFFFFFF  }
0xa7: {  	s28 =	simm.s32 $_size_execute0_lowered;
	s3 =	sadd.s32 s3, s5;
	[dreg:$0x0] =	wrdreg $0x0  }
0xa8: {  	s5 =	sshll.u32 s28, $0x1;
	[dreg:$0x2] =	wrdreg s3  }
0xa9: {  	[dreg:$0x3] =	wrdreg s5  }
0xaa: {  	[dreg:$0x4] =	wrdreg $0xC0  }
0xab: {  	_ =	task [dreg:s7], $0x5FFFF  }
0xac: {  	[dreg:$0x1] =	wrdreg $0xFFFFFFFF  }
0xad: {  	[dreg:$0x0] =	wrdreg $0x60  }
0xae: {  	[dreg:$0x2] =	wrdreg s2  }
0xaf: {  	[dreg:$0x3] =	wrdreg s24  }
0xb0: {  	[dreg:$0x4] =	wrdreg $0xA  }
0xb1: {  	_ =	task.clear_ibuf [dreg:s7], $0x5FFFF;
	_ =	strace $0x90000046  }
0xb2: {  	s29 =	simm.s32 $0xA;
	_ =	strace $0x80000048  }
0xb3: {  	_ =	swait.ge [sflag:s29], $0x1  }
0xb4: {  	[sflag:s29] =	ssyncadd.s32 $0xFFFFFFFF  }
0xb5: {  	_ =	strace $0x90000048  }
0xb6: {  	_ =	sfence  }
0xb7: {  	s30 =	sld [smem:$0x0];
	_ =	sdelay $0x2  }
0xb8: {  	s31 =	sshll.u32 s1, $0xD;
	s1 =	sshrl.u32 s1, $0x2  }
0xb9: {  	s3 =	sand.u32 $0x4000, s31;
	s1 =	sadd.s32 s1, s30  }
0xba: {  	s0 =	sor.u32 s3, s0;
	s1 =	sshll.u32 s1, $0x11  }
0xbb: {  	s0 =	sor.u32 s1, s0  }
0xbc: {  	s0 =	sadd.s32 $0x8F2B, s0  }
0xbd: {  	[sflag:s0] =	ssyncadd.remote.s32 $0x1  }
0xbe: {  	_ =	sfence.sel $0xFFFF  }
0xbf: {  	[dreg:$0x0] =	wrdreg $0xFFFFFFFF;
	(pc) =	sbr.abs _section_cstart, $3  }
0xc0: {  	[dreg:$0x1] =	wrdreg $0xFFFFFFFF  }
0xc1: {  	_ =	task.clear_ibuf [dreg:s7], $0x2FFFF;
	_ =	strace $0x9FFFFFFF  }
0xc2: {  	(tm) =	ssettm $0x7FFFFFFF  }
0xc3: {  	_ =	shalt  }
tec
execute0_lowered:
.L_overlay_start_1:
0x0: {  	(tag) =	ssettag $0x1  }
0x1: {  	s2 =	rddreg [dreg:$0x0];
	s0 =	srdreg.scid  }
0x2: {  	s12 =	stileid.u32;
	s1 =	rddreg [dreg:$0x1]  }
0x3: {  	s3 =	simm.s32 $0x0;
	s14 =	simm.s32 $0x1C00;
	s15 =	simm.s32 $0x2400  }
0x4: {  	s16 =	simm.s32 $0x2C00;
	s17 =	simm.s32 $0x3400;
	s18 =	simm.s32 $0x3C00  }
0x5: {  	s19 =	simm.s32 $0x4400;
	s28 =	simm.s32 $0x7400;
	s29 =	simm.s32 $0x7C00  }
0x6: {  	s30 =	simm.s32 $0x8400;
	s31 =	simm.s32 $0x3;
	s10 =	smul.u32 $0x8800, s12  }
0x7: {  	s0 =	sand.u32 $0x1, s0;
	s4 =	sshll.u32 s12, $0x1;
	s22 =	smul.u32 $0x11000, s12  }
0x8: {  	[smem:$0x7FF] =	sst s3;
	s7 =	sadd.s32 $0x16C00, s1;
	s11 =	smul.u32 $0x4400, s0  }
0x9: {  	s5 =	sor.u32 s0, s4;
	s8 =	ssub.s32 $0x2, s0;
	s0 =	smul.u32 $0x8800, s0  }
0xa: {  	s12 =	simm.s32 $0xC00;
	_ =	strace $0x80000047;
	s6 =	smul.u32 $0x180, s5  }
0xb: {  	s4 =	sadd.s32 $0x3C00, s1;
	s5 =	smul.u32 $0x440, s5;
	s9 =	sshrl.u32 s8, $0x1  }
0xc: {  	s25 =	sadd.s32 s22, s7;
	s22 =	simm.s32 $0x4C00;
	s8 =	ssub.s32 s8, s9  }
0xd: {  	s0 =	sadd.s32 s0, s25;
	s25 =	simm.s32 $0x6400;
	s6 =	sadd.s32 s6, s1  }
0xe: {  	s1 =	sadd.s32 $0x126C00, s1;
	s5 =	sadd.s32 $0x400, s5;
	s26 =	smax.u32 s8, $0x1  }
0xf: {  	s0 =	sadd.s32 $0x800, s0;
	s8 =	simm.s32 $0x0;
	s20 =	sshll.u32 s5, $0x5  }
0x10: {  	s6 =	sadd.s32 $0x13C00, s6;
	s5 =	sshll.u32 s5, $0x4;
	[dreg:$0x6] =	wrdreg s26  }
0x11: {  	s23 =	sadd.s32 s10, s1;
	[dreg:$0x8] =	wrdreg s0;
	s26 =	simm.s32 $0x6C00  }
0x12: {  	s0 =	simm.s32 $0x1;
	[dreg:$0x3] =	wrdreg s6;
	s21 =	sadd.s32 s7, s20  }
.Ltmp0:
0x13: {  	s1 =	sadd.s32 s1, s5;
	s24 =	sadd.s32 s11, s23;
	(pc) =	sbr.rel .LBB2_1-.Ltmp0, $4  }
0x14: {  	s11 =	simm.s32 $0x5;
	s20 =	simm.s32 $0x40;
	s23 =	simm.s32 $0x5400  }
0x15: {  	v2 =	vlaneseq.u32;
	s5 =	simm.s32 $0x2;
	s6 =	simm.s32 $0x4;
	[dreg:$0x4] =	wrdreg s21  }
0x16: {  	vm0 =	vmmov $0xffff;
	v1 =	vshrl.u32 v2, $0x3;
	[dreg:$0x5] =	wrdreg s1;
	s1 =	sadd.s32 $0x400, s24;
	s21 =	simm.s32 $0x8C00  }
0x17: {  	v0 =	vand.u32 $0x7, v2;
	v2 =	vor.u32 $0x8, v2;
	v1 =	vmul.u32 $0x8, v1;
	s24 =	simm.s32 $0x5C00;
	[dreg:$0x7] =	wrdreg s1;
	s1 =	simm.s32 $0xAC00  }
.LBB2_4:
0x18: {  	_ =	swait.ge [sflag:s0], $0x4000  }
0x19: {  	[sflag:s0] =	ssyncset.done $0x0  }
0x1a: {  	[sflag:s0] =	ssyncadd.s32 $0xFFFFC000  }
0x1b: {  	_ =	swait.ge [sflag:s31], $0x2000  }
0x1c: {  	[sflag:s31] =	ssyncset.done $0x0  }
0x1d: {  	s7 =	rddreg [dreg:$0x4];
	[sflag:s31] =	ssyncadd.s32 $0xFFFFE000  }
0x1e: {  	[hbm4b:s7+s3] =	stream.linear.scatter [tilespmem:s12], [sflag:$0x5], $0x4000, $0x38;
	[tilespmem:$0xCC00] =	vst v63  }
0x1f: {  	_ =	swait.ge [sflag:s11], $0x4000  }
0x20: {  	[sflag:s11] =	ssyncset.done $0x0  }
0x21: {  	s10 =	rddreg [dreg:$0x5];
	[sflag:s11] =	ssyncadd.s32 $0xFFFFC000  }
0x22: {  	[hbm4b:s10+s3] =	stream.linear.scatter [tilespmem:s21], [sflag:$0x5], $0x2000, $0x38;
	[tilespmem:$0xCC00] =	vst v63  }
0x23: {  	_ =	swait.ge [sflag:s11], $0x2000  }
0x24: {  	s8 =	rddreg [dreg:$0x9]  }
0x25: {  	s13 =	rddreg [dreg:$0x6];
	s8 =	sadd.s32 $0x1, s8  }
0x26: {  	p0 =	sne.s32 s8, s13  }
.Ltmp1:
0x27: {  	_ = 	snop;
	(pc) =	sbr.rel @!p0 .LBB2_5-.Ltmp1, $3  }
0x28: {  	_ =	sdelay $0x1  }
0x29: {  	[sflag:s11] =	ssyncset.done $0x0  }
0x2a: {  	[sflag:s11] =	ssyncadd.s32 $0xFFFFE000  }
.LBB2_1:
0x2b: {  	[dreg:$0x9] =	wrdreg s8  }
0x2c: {  	s7 =	rddreg [dreg:$0x3]  }
0x2d: {  	[tilespmem:s3], [sflag:$0x5] =	stream.linear.gather [hbm4b:s7+s3], $0x880, $0x38;
	[tilespmem:$0xCC00] =	vst v63  }
0x2e: {  	_ =	swait.ge [sflag:s11], $0x880  }
0x2f: {  	[sflag:s11] =	ssyncset.done $0x0  }
0x30: {  	[sflag:s11] =	ssyncadd.s32 $0xFFFFF780  }
0x31: {  	v3 =	vld [tilespmem:$0x0];
	_ =	sdelay $0x4  }
0x32: {  	v4 =	vshll.u32 v3, $0x1  }
0x33: {  	v3 =	vand.u32 $0x7, v3;
	v4 =	vand.u32 $0xFFFFFFF0, v4  }
0x34: {  	v3 =	vor.u32 v3, v4  }
0x35: {  	v4 =	vperm.xlane v3, v0;
	_ =	sdelay $0x1  }
0x36: {  	v3 =	vperm.xlane v3, v2;
	v4 =	vadd.s32 v1, v4;
	_ =	sdelay $0x1  }
0x37: {  	v3 =	vadd.s32 v1, v3;
	_ =	sdelay $0x2  }
0x38: {  	[tilespmem:s12], [sflag:$0x1] =	stream.indirect_vreg.gather [hbm4b:s2+s3], $0x80, v4, vm0, $0xb8;
	[tilespmem:$0xCC00] =	vst v63  }
0x39: {  	s10 =	simm.s32 $0x1400  }
0x3a: {  	[tilespmem:s10], [sflag:$0x1] =	stream.indirect_vreg.gather [hbm4b:s2+s3], $0x80, v3, vm0, $0xb8;
	[tilespmem:$0xCC00] =	vst v63  }
0x3b: {  	v3 =	vld [tilespmem:$0x10];
	_ =	sdelay $0x4  }
0x3c: {  	v57 =	vshll.u32 v3, $0x1  }
0x3d: {  	v3 =	vand.u32 $0x7, v3;
	v4 =	vand.u32 $0xFFFFFFF0, v57  }
0x3e: {  	v3 =	vor.u32 v3, v4  }
0x3f: {  	v4 =	vperm.xlane v3, v0;
	_ =	sdelay $0x1  }
0x40: {  	v3 =	vperm.xlane v3, v2;
	v4 =	vadd.s32 v1, v4;
	_ =	sdelay $0x1  }
0x41: {  	v3 =	vadd.s32 v1, v3;
	_ =	sdelay $0x2  }
0x42: {  	[tilespmem:s14], [sflag:$0x1] =	stream.indirect_vreg.gather [hbm4b:s2+s3], $0x80, v4, vm0, $0xb8;
	[tilespmem:$0xCC00] =	vst v63  }
0x43: {  	_ = 	snop  }
0x44: {  	[tilespmem:s15], [sflag:$0x1] =	stream.indirect_vreg.gather [hbm4b:s2+s3], $0x80, v3, vm0, $0xb8;
	[tilespmem:$0xCC00] =	vst v63  }
0x45: {  	v3 =	vld [tilespmem:$0x20];
	_ =	sdelay $0x4  }
0x46: {  	v58 =	vshll.u32 v3, $0x1  }
0x47: {  	v3 =	vand.u32 $0x7, v3;
	v4 =	vand.u32 $0xFFFFFFF0, v58  }
0x48: {  	v3 =	vor.u32 v3, v4  }
0x49: {  	v4 =	vperm.xlane v3, v0;
	_ =	sdelay $0x1  }
0x4a: {  	v3 =	vperm.xlane v3, v2;
	v4 =	vadd.s32 v1, v4;
	_ =	sdelay $0x1  }
0x4b: {  	v3 =	vadd.s32 v1, v3;
	_ =	sdelay $0x2  }
0x4c: {  	[tilespmem:s16], [sflag:$0x1] =	stream.indirect_vreg.gather [hbm4b:s2+s3], $0x80, v4, vm0, $0xb8;
	[tilespmem:$0xCC00] =	vst v63  }
0x4d: {  	_ = 	snop  }
0x4e: {  	[tilespmem:s17], [sflag:$0x1] =	stream.indirect_vreg.gather [hbm4b:s2+s3], $0x80, v3, vm0, $0xb8;
	[tilespmem:$0xCC00] =	vst v63  }
0x4f: {  	v3 =	vld [tilespmem:$0x30];
	_ =	sdelay $0x4  }
0x50: {  	v59 =	vshll.u32 v3, $0x1  }
0x51: {  	v3 =	vand.u32 $0x7, v3;
	v4 =	vand.u32 $0xFFFFFFF0, v59  }
0x52: {  	v3 =	vor.u32 v3, v4  }
0x53: {  	v4 =	vperm.xlane v3, v0;
	_ =	sdelay $0x1  }
0x54: {  	v3 =	vperm.xlane v3, v2;
	v4 =	vadd.s32 v1, v4;
	_ =	sdelay $0x1  }
0x55: {  	v3 =	vadd.s32 v1, v3;
	_ =	sdelay $0x2  }
0x56: {  	[tilespmem:s18], [sflag:$0x1] =	stream.indirect_vreg.gather [hbm4b:s2+s3], $0x80, v4, vm0, $0xb8;
	[tilespmem:$0xCC00] =	vst v63  }
0x57: {  	_ = 	snop  }
0x58: {  	[tilespmem:s19], [sflag:$0x1] =	stream.indirect_vreg.gather [hbm4b:s2+s3], $0x80, v3, vm0, $0xb8;
	[tilespmem:$0xCC00] =	vst v63  }
0x59: {  	_ = 	snop  }
0x5a: {  	[tilespmem:s21], [sflag:$0x3] =	stream.indirect.gather [hbm4b:s4+s20], $0x80, s3, s20, $0xb8;
	[tilespmem:$0xCC00] =	vst v63  }
0x5b: {  	v3 =	vld [tilespmem:$0x80];
	_ =	sdelay $0x4  }
0x5c: {  	v60 =	vshll.u32 v3, $0x1  }
0x5d: {  	v3 =	vand.u32 $0x7, v3;
	v4 =	vand.u32 $0xFFFFFFF0, v60  }
0x5e: {  	v3 =	vor.u32 v3, v4  }
0x5f: {  	v4 =	vperm.xlane v3, v0;
	_ =	sdelay $0x1  }
0x60: {  	v3 =	vperm.xlane v3, v2;
	v4 =	vadd.s32 v1, v4;
	_ =	sdelay $0x1  }
0x61: {  	v3 =	vadd.s32 v1, v3;
	_ =	sdelay $0x2  }
0x62: {  	[tilespmem:s22], [sflag:$0x2] =	stream.indirect_vreg.gather [hbm4b:s2+s3], $0x80, v4, vm0, $0xb8;
	[tilespmem:$0xCC00] =	vst v63  }
0x63: {  	_ = 	snop  }
0x64: {  	[tilespmem:s23], [sflag:$0x2] =	stream.indirect_vreg.gather [hbm4b:s2+s3], $0x80, v3, vm0, $0xb8;
	[tilespmem:$0xCC00] =	vst v63  }
0x65: {  	v3 =	vld [tilespmem:$0x90];
	_ =	sdelay $0x4  }
0x66: {  	v61 =	vshll.u32 v3, $0x1  }
0x67: {  	v3 =	vand.u32 $0x7, v3;
	v4 =	vand.u32 $0xFFFFFFF0, v61  }
0x68: {  	v3 =	vor.u32 v3, v4  }
0x69: {  	v4 =	vperm.xlane v3, v0;
	_ =	sdelay $0x1  }
0x6a: {  	v3 =	vperm.xlane v3, v2;
	v4 =	vadd.s32 v1, v4;
	_ =	sdelay $0x1  }
0x6b: {  	v3 =	vadd.s32 v1, v3;
	_ =	sdelay $0x2  }
0x6c: {  	[tilespmem:s24], [sflag:$0x2] =	stream.indirect_vreg.gather [hbm4b:s2+s3], $0x80, v4, vm0, $0xb8;
	[tilespmem:$0xCC00] =	vst v63  }
0x6d: {  	_ = 	snop  }
0x6e: {  	[tilespmem:s25], [sflag:$0x2] =	stream.indirect_vreg.gather [hbm4b:s2+s3], $0x80, v3, vm0, $0xb8;
	[tilespmem:$0xCC00] =	vst v63  }
0x6f: {  	v3 =	vld [tilespmem:$0xA0];
	_ =	sdelay $0x4  }
0x70: {  	v62 =	vshll.u32 v3, $0x1  }
0x71: {  	v3 =	vand.u32 $0x7, v3;
	v4 =	vand.u32 $0xFFFFFFF0, v62  }
0x72: {  	v3 =	vor.u32 v3, v4  }
0x73: {  	v4 =	vperm.xlane v3, v0;
	_ =	sdelay $0x1  }
0x74: {  	v3 =	vperm.xlane v3, v2;
	v4 =	vadd.s32 v1, v4;
	_ =	sdelay $0x1  }
0x75: {  	v3 =	vadd.s32 v1, v3;
	_ =	sdelay $0x2  }
0x76: {  	[tilespmem:s26], [sflag:$0x2] =	stream.indirect_vreg.gather [hbm4b:s2+s3], $0x80, v4, vm0, $0xb8;
	[tilespmem:$0xCC00] =	vst v63  }
0x77: {  	_ = 	snop  }
0x78: {  	[tilespmem:s28], [sflag:$0x2] =	stream.indirect_vreg.gather [hbm4b:s2+s3], $0x80, v3, vm0, $0xb8;
	[tilespmem:$0xCC00] =	vst v63  }
0x79: {  	v3 =	vld [tilespmem:$0xB0];
	_ =	sdelay $0x4  }
0x7a: {  	v63 =	vshll.u32 v3, $0x1  }
0x7b: {  	v3 =	vand.u32 $0x7, v3;
	v4 =	vand.u32 $0xFFFFFFF0, v63  }
0x7c: {  	v3 =	vor.u32 v3, v4  }
0x7d: {  	v4 =	vperm.xlane v3, v0;
	_ =	sdelay $0x1  }
0x7e: {  	v3 =	vperm.xlane v3, v2;
	v4 =	vadd.s32 v1, v4;
	_ =	sdelay $0x1  }
0x7f: {  	v3 =	vadd.s32 v1, v3;
	_ =	sdelay $0x2  }
0x80: {  	[tilespmem:s29], [sflag:$0x2] =	stream.indirect_vreg.gather [hbm4b:s2+s3], $0x80, v4, vm0, $0xb8;
	[tilespmem:$0xCC00] =	vst v63  }
0x81: {  	s9 =	rddreg [dreg:$0x7]  }
0x82: {  	[tilespmem:s30], [sflag:$0x2] =	stream.indirect_vreg.gather [hbm4b:s2+s3], $0x80, v3, vm0, $0xb8;
	[tilespmem:$0xCC00] =	vst v63  }
0x83: {  	s13 =	simm.s32 $0x80;
	s8 =	simm.s32 $0x0;
	s10 =	rddreg [dreg:$0x8]  }
0x84: {  	[tilespmem:s1], [sflag:$0x4] =	stream.indirect.gather [hbm4b:s4+s20], $0x80, s13, s20, $0xb8;
	[tilespmem:$0xCC00] =	vst v63  }
.LBB2_2:
0x85: {  	_ =	swait.ge [sflag:s0], $0x4000  }
0x86: {  	[sflag:s0] =	ssyncset.done $0x0  }
0x87: {  	[sflag:s0] =	ssyncadd.s32 $0xFFFFC000  }
0x88: {  	_ =	swait.ge [sflag:s31], $0x2000  }
0x89: {  	[sflag:s31] =	ssyncset.done $0x0  }
0x8a: {  	s7 =	sadd.s32 $0xFFFFF800, s10;
	[sflag:s31] =	ssyncadd.s32 $0xFFFFE000  }
0x8b: {  	[hbm4b:s7+s3] =	stream.linear.scatter [tilespmem:s12], [sflag:$0x5], $0x4000, $0x38;
	[tilespmem:$0xCC00] =	vst v63  }
0x8c: {  	_ =	swait.ge [sflag:s11], $0x4000  }
0x8d: {  	[sflag:s11] =	ssyncset.done $0x0  }
0x8e: {  	s13 =	sadd.s32 $0xFFFFFC00, s9;
	[sflag:s11] =	ssyncadd.s32 $0xFFFFC000  }
0x8f: {  	[hbm4b:s13+s3] =	stream.linear.scatter [tilespmem:s21], [sflag:$0x5], $0x2000, $0x38;
	[tilespmem:$0xCC00] =	vst v63  }
0x90: {  	_ =	swait.ge [sflag:s11], $0x2000  }
0x91: {  	[sflag:s11] =	ssyncset.done $0x0  }
0x92: {  	s7 =	sshra.s32 s8, $0x2;
	[sflag:s11] =	ssyncadd.s32 $0xFFFFE000  }
0x93: {  	v3 =	vld [tilespmem:s7+$0x100];
	_ =	sdelay $0x4  }
0x94: {  	v4 =	vshll.u32 v3, $0x1  }
0x95: {  	v3 =	vand.u32 $0x7, v3;
	v4 =	vand.u32 $0xFFFFFFF0, v4  }
0x96: {  	v3 =	vor.u32 v3, v4  }
0x97: {  	v4 =	vperm.xlane v3, v0;
	_ =	sdelay $0x1  }
0x98: {  	v3 =	vperm.xlane v3, v2;
	v4 =	vadd.s32 v1, v4;
	_ =	sdelay $0x1  }
0x99: {  	v3 =	vadd.s32 v1, v3;
	_ =	sdelay $0x2  }
0x9a: {  	[tilespmem:s12], [sflag:$0x1] =	stream.indirect_vreg.gather [hbm4b:s2+s3], $0x80, v4, vm0, $0xb8;
	[tilespmem:$0xCC00] =	vst v63  }
0x9b: {  	s13 =	simm.s32 $0x1400  }
0x9c: {  	[tilespmem:s13], [sflag:$0x1] =	stream.indirect_vreg.gather [hbm4b:s2+s3], $0x80, v3, vm0, $0xb8;
	[tilespmem:$0xCC00] =	vst v63  }
0x9d: {  	v3 =	vld [tilespmem:s7+$0x110];
	_ =	sdelay $0x4  }
0x9e: {  	v61 =	vshll.u32 v3, $0x1  }
0x9f: {  	v3 =	vand.u32 $0x7, v3;
	v4 =	vand.u32 $0xFFFFFFF0, v61  }
0xa0: {  	v3 =	vor.u32 v3, v4  }
0xa1: {  	v4 =	vperm.xlane v3, v0;
	_ =	sdelay $0x1  }
0xa2: {  	v3 =	vperm.xlane v3, v2;
	v4 =	vadd.s32 v1, v4;
	_ =	sdelay $0x1  }
0xa3: {  	v3 =	vadd.s32 v1, v3;
	_ =	sdelay $0x2  }
0xa4: {  	[tilespmem:s14], [sflag:$0x1] =	stream.indirect_vreg.gather [hbm4b:s2+s3], $0x80, v4, vm0, $0xb8;
	[tilespmem:$0xCC00] =	vst v63  }
0xa5: {  	_ = 	snop  }
0xa6: {  	[tilespmem:s15], [sflag:$0x1] =	stream.indirect_vreg.gather [hbm4b:s2+s3], $0x80, v3, vm0, $0xb8;
	[tilespmem:$0xCC00] =	vst v63  }
0xa7: {  	v3 =	vld [tilespmem:s7+$0x120];
	_ =	sdelay $0x4  }
0xa8: {  	v62 =	vshll.u32 v3, $0x1  }
0xa9: {  	v3 =	vand.u32 $0x7, v3;
	v4 =	vand.u32 $0xFFFFFFF0, v62  }
0xaa: {  	v3 =	vor.u32 v3, v4  }
0xab: {  	v4 =	vperm.xlane v3, v0;
	_ =	sdelay $0x1  }
0xac: {  	v3 =	vperm.xlane v3, v2;
	v4 =	vadd.s32 v1, v4;
	_ =	sdelay $0x1  }
0xad: {  	v3 =	vadd.s32 v1, v3;
	_ =	sdelay $0x2  }
0xae: {  	[tilespmem:s16], [sflag:$0x1] =	stream.indirect_vreg.gather [hbm4b:s2+s3], $0x80, v4, vm0, $0xb8;
	[tilespmem:$0xCC00] =	vst v63  }
0xaf: {  	_ = 	snop  }
0xb0: {  	[tilespmem:s17], [sflag:$0x1] =	stream.indirect_vreg.gather [hbm4b:s2+s3], $0x80, v3, vm0, $0xb8;
	[tilespmem:$0xCC00] =	vst v63  }
0xb1: {  	v3 =	vld [tilespmem:s7+$0x130];
	_ =	sdelay $0x4  }
0xb2: {  	v63 =	vshll.u32 v3, $0x1  }
0xb3: {  	v3 =	vand.u32 $0x7, v3;
	v4 =	vand.u32 $0xFFFFFFF0, v63  }
0xb4: {  	v3 =	vor.u32 v3, v4  }
0xb5: {  	v4 =	vperm.xlane v3, v0;
	_ =	sdelay $0x1  }
0xb6: {  	v3 =	vperm.xlane v3, v2;
	v4 =	vadd.s32 v1, v4;
	_ =	sdelay $0x1  }
0xb7: {  	v3 =	vadd.s32 v1, v3;
	_ =	sdelay $0x2  }
0xb8: {  	[tilespmem:s18], [sflag:$0x1] =	stream.indirect_vreg.gather [hbm4b:s2+s3], $0x80, v4, vm0, $0xb8;
	[tilespmem:$0xCC00] =	vst v63  }
0xb9: {  	_ = 	snop  }
0xba: {  	[tilespmem:s19], [sflag:$0x1] =	stream.indirect_vreg.gather [hbm4b:s2+s3], $0x80, v3, vm0, $0xb8;
	[tilespmem:$0xCC00] =	vst v63  }
0xbb: {  	s13 =	sadd.s32 $0x100, s7  }
0xbc: {  	[tilespmem:s21], [sflag:$0x3] =	stream.indirect.gather [hbm4b:s4+s20], $0x80, s13, s20, $0xb8;
	[tilespmem:$0xCC00] =	vst v63  }
0xbd: {  	_ =	swait.ge [sflag:s5], $0x4000  }
0xbe: {  	[sflag:s5] =	ssyncset.done $0x0  }
0xbf: {  	[sflag:s5] =	ssyncadd.s32 $0xFFFFC000  }
0xc0: {  	_ =	swait.ge [sflag:s6], $0x2000  }
0xc1: {  	[sflag:s6] =	ssyncset.done $0x0  }
0xc2: {  	[sflag:s6] =	ssyncadd.s32 $0xFFFFE000  }
0xc3: {  	[hbm4b:s10+s3] =	stream.linear.scatter [tilespmem:s22], [sflag:$0x5], $0x4000, $0x38;
	[tilespmem:$0xCC00] =	vst v63  }
0xc4: {  	_ =	swait.ge [sflag:s11], $0x4000  }
0xc5: {  	p0 =	seq.s32 s8, $0x1C00;
	[sflag:s11] =	ssyncset.done $0x0  }
.Ltmp2:
0xc6: {  	[sflag:s11] =	ssyncadd.s32 $0xFFFFC000;
	(pc) =	sbr.rel @p0 .LBB2_4-.Ltmp2, $4  }
0xc7: {  	[hbm4b:s9+s3] =	stream.linear.scatter [tilespmem:s1], [sflag:$0x5], $0x2000, $0x38;
	[tilespmem:$0xCC00] =	vst v63  }
0xc8: {  	_ =	swait.ge [sflag:s11], $0x2000  }
0xc9: {  	[sflag:s11] =	ssyncset.done $0x0  }
0xca: {  	[sflag:s11] =	ssyncadd.s32 $0xFFFFE000  }
0xcb: {  	v3 =	vld [tilespmem:s7+$0x180];
	_ =	sdelay $0x4  }
0xcc: {  	v4 =	vshll.u32 v3, $0x1  }
0xcd: {  	v3 =	vand.u32 $0x7, v3;
	v4 =	vand.u32 $0xFFFFFFF0, v4  }
0xce: {  	v3 =	vor.u32 v3, v4  }
0xcf: {  	v4 =	vperm.xlane v3, v0;
	_ =	sdelay $0x1  }
0xd0: {  	v3 =	vperm.xlane v3, v2;
	v4 =	vadd.s32 v1, v4;
	_ =	sdelay $0x1  }
0xd1: {  	v3 =	vadd.s32 v1, v3;
	_ =	sdelay $0x2  }
0xd2: {  	[tilespmem:s22], [sflag:$0x2] =	stream.indirect_vreg.gather [hbm4b:s2+s3], $0x80, v4, vm0, $0xb8;
	[tilespmem:$0xCC00] =	vst v63  }
0xd3: {  	_ = 	snop  }
0xd4: {  	[tilespmem:s23], [sflag:$0x2] =	stream.indirect_vreg.gather [hbm4b:s2+s3], $0x80, v3, vm0, $0xb8;
	[tilespmem:$0xCC00] =	vst v63  }
0xd5: {  	v3 =	vld [tilespmem:s7+$0x190];
	_ =	sdelay $0x4  }
0xd6: {  	v61 =	vshll.u32 v3, $0x1  }
0xd7: {  	v3 =	vand.u32 $0x7, v3;
	v4 =	vand.u32 $0xFFFFFFF0, v61  }
0xd8: {  	v3 =	vor.u32 v3, v4  }
0xd9: {  	v4 =	vperm.xlane v3, v0;
	_ =	sdelay $0x1  }
0xda: {  	v3 =	vperm.xlane v3, v2;
	v4 =	vadd.s32 v1, v4;
	_ =	sdelay $0x1  }
0xdb: {  	v3 =	vadd.s32 v1, v3;
	_ =	sdelay $0x2  }
0xdc: {  	[tilespmem:s24], [sflag:$0x2] =	stream.indirect_vreg.gather [hbm4b:s2+s3], $0x80, v4, vm0, $0xb8;
	[tilespmem:$0xCC00] =	vst v63  }
0xdd: {  	_ = 	snop  }
0xde: {  	[tilespmem:s25], [sflag:$0x2] =	stream.indirect_vreg.gather [hbm4b:s2+s3], $0x80, v3, vm0, $0xb8;
	[tilespmem:$0xCC00] =	vst v63  }
0xdf: {  	v3 =	vld [tilespmem:s7+$0x1A0];
	_ =	sdelay $0x4  }
0xe0: {  	v62 =	vshll.u32 v3, $0x1  }
0xe1: {  	v3 =	vand.u32 $0x7, v3;
	v4 =	vand.u32 $0xFFFFFFF0, v62  }
0xe2: {  	v3 =	vor.u32 v3, v4  }
0xe3: {  	v4 =	vperm.xlane v3, v0;
	_ =	sdelay $0x1  }
0xe4: {  	v3 =	vperm.xlane v3, v2;
	v4 =	vadd.s32 v1, v4;
	_ =	sdelay $0x1  }
0xe5: {  	v3 =	vadd.s32 v1, v3;
	_ =	sdelay $0x2  }
0xe6: {  	[tilespmem:s26], [sflag:$0x2] =	stream.indirect_vreg.gather [hbm4b:s2+s3], $0x80, v4, vm0, $0xb8;
	[tilespmem:$0xCC00] =	vst v63  }
0xe7: {  	_ = 	snop  }
0xe8: {  	[tilespmem:s28], [sflag:$0x2] =	stream.indirect_vreg.gather [hbm4b:s2+s3], $0x80, v3, vm0, $0xb8;
	[tilespmem:$0xCC00] =	vst v63  }
0xe9: {  	v3 =	vld [tilespmem:s7+$0x1B0];
	_ =	sdelay $0x4  }
0xea: {  	v63 =	vshll.u32 v3, $0x1  }
0xeb: {  	v3 =	vand.u32 $0x7, v3;
	v4 =	vand.u32 $0xFFFFFFF0, v63  }
0xec: {  	v3 =	vor.u32 v3, v4  }
0xed: {  	v4 =	vperm.xlane v3, v0;
	_ =	sdelay $0x1  }
0xee: {  	v4 =	vadd.s32 v1, v4  }
0xef: {  	v3 =	vperm.xlane v3, v2;
	_ =	sdelay $0x1  }
0xf0: {  	v3 =	vadd.s32 v1, v3;
	_ =	sdelay $0x1  }
0xf1: {  	[tilespmem:s29], [sflag:$0x2] =	stream.indirect_vreg.gather [hbm4b:s2+s3], $0x80, v4, vm0, $0xb8;
	[tilespmem:$0xCC00] =	vst v63  }
.Ltmp3:
0xf2: {  	_ = 	snop;
	(pc) =	sbr.rel .LBB2_2-.Ltmp3, $4  }
0xf3: {  	s13 =	sadd.s32 $0x180, s7  }
0xf4: {  	[tilespmem:s30], [sflag:$0x2] =	stream.indirect_vreg.gather [hbm4b:s2+s3], $0x80, v3, vm0, $0xb8;
	[tilespmem:$0xCC00] =	vst v63  }
0xf5: {  	s9 =	sadd.s32 $0x800, s9;
	s10 =	sadd.s32 $0x1000, s10;
	s8 =	sadd.s32 $0x400, s8  }
0xf6: {  	[tilespmem:s1], [sflag:$0x4] =	stream.indirect.gather [hbm4b:s4+s20], $0x80, s13, s20, $0xb8;
	[tilespmem:$0xCC00] =	vst v63  }
.LBB2_5:
0xf7: {  	_ =	sfence.sel $0x180000  }
0xf8: {  	[bflag:$0x0] =	sbarrier.arrive $0xFFFF  }
0xf9: {  	_ =	strace $0x90000047  }
0xfa: {  	s0 =	stileid.u32;
	[bflag:$0x2] =	sbarrier.arrive $0xFFFF  }
0xfb: {  	p0 =	sne.s32 s0, $0x0;
	s0 =	rddreg [dreg:$0x2]  }
0xfc: {  	s0 =	sadd.s32 @!p0 $0x100000, s0  }
0xfd: {  	[sflag:s0] =	ssyncadd.tile.s32 @!p0 $0x1;
	_ =	shalt  }
.Lfunc_end2:
_tile_overlayer_lowered:
.L_overlay_start_2:
0xfe: {  	(tag) =	ssettag $0x2  }
0xff: {  	s0 =	rddreg [dreg:$0x0];
	s2 =	stileid.u32  }
0x100: {  	s1 =	rddreg [dreg:$0x1];
	p0 =	sne.s32 s2, $0x0  }
0x101: {  	s3 =	rddreg [dreg:$0x2];
	[bflag:$0x3] =	sbarrier.arrive $0xFFFF;
	s2 =	simm.s32 @!p0 $0x1C05  }
0x102: {  	[timem:s3], [sflag:s2] =	dma.local @!p0 [hbm:s0], s1  }
0x103: {  	s0 =	simm.s32 @!p0 $0x5  }
0x104: {  	_ =	swait.ge @!p0 [sflag:s0], s1  }
0x105: {  	s1 =	ssub.s32 @!p0 $0x0, s1;
	[sflag:s0] =	ssyncset.done @!p0 $0x0  }
0x106: {  	[sflag:s0] =	ssyncadd.s32 @!p0 s1  }
0x107: {  	[bflag:$0x3] =	sbarrier.arrive $0xFFFF  }
0x108: {  	_ =	shalt  }

// kernel: kernel.8.cloned.1.call-start
scs
__scs_entry_jumppad:
0x0: {  	(pc) =	sbr.rel $0x88, $3  }
0x1: {  	(tag) =	ssettag $0x0;
	lr =	simm.s32 $0x1  }
0x2: {  	[smem:$0x3F90] =	sst lr;
	_ =	strace $0xD0000000  }
0x3: {  	_ = 	snop  }
0x4: {  	_ = 	snop  }
0x5: {  	_ = 	snop  }
0x6: {  	_ = 	snop  }
0x7: {  	_ = 	snop  }
__scs_overlays_trampoline_lowered:
0x8: {  	[smem:$0x3F9F] =	sst s0  }
0x9: {  	[smem:$0x3FA0] =	sst s1  }
0xa: {  	[smem:$0x3FA1] =	sst s2  }
0xb: {  	[smem:$0x3FA2] =	sst s3  }
0xc: {  	[smem:$0x3FA3] =	sst s4  }
0xd: {  	[smem:$0x3FA4] =	sst s5  }
0xe: {  	[smem:$0x3FA5] =	sst s6  }
0xf: {  	[smem:$0x3FA6] =	sst s7  }
0x10: {  	[smem:$0x3FA7] =	sst s8  }
0x11: {  	[smem:$0x3FA8] =	sst s9;
	s0 =	simm.s32 @!p0 $0x0  }
0x12: {  	s1 =	sld [smem:$0x3F8E];
	s0 =	simm.s32 @p0 $0x1  }
0x13: {  	[smem:$0x3FA9] =	sst s0;
	s0 =	simm.s32 @!p1 $0x0  }
0x14: {  	s2 =	sld [smem:$0x3F8D];
	s0 =	simm.s32 @p1 $0x1  }
0x15: {  	[smem:$0x3FAA] =	sst s0;
	s0 =	simm.s32 @!p2 $0x0  }
0x16: {  	s3 =	sld [smem:$0x3FDB];
	s0 =	simm.s32 @p2 $0x1  }
0x17: {  	s4 =	simm.s32 $0x1BF5;
	[smem:$0x3FAC] =	sst s0  }
0x18: {  	s0 =	sld [smem:$0x3F8F];
	_ =	swait.ge [sflag:s4], $0x0  }
0x19: {  	s7 =	sld [smem:$0x3F90]  }
0x1a: {  	s8 =	sadd.s32 $0xFFFFE003, lr  }
0x1b: {  	s9 =	sadd.s32 $0xFFFFFEF7, lr;
	s5 =	simm.s32 $0xFFFFFFFF;
	p2 =	slt.u32 s8, $0xFFFFF086  }
0x1c: {  	p1 =	slt.u32 s9, $0xF7A;
	s5 =	simm.s32 @!p2 $0x0  }
0x1d: {  	s5 =	simm.s32 @p1 $0x1;
	p0 =	seq.s32 s7, s2  }
0x1e: {  	s7 =	smul.u32 @!p0 $0xF7A, s2;
	p2 =	seq.s32 @!p0 s5, $0x0  }
0x1f: {  	s9 =	smul.u32 $0xF7A, s1;
	s8 =	simm.s32 @!p0 $0x1BF5;
	p2 =	por !p2, p0  }
0x20: {  	[sflag:s8] =	ssyncset.s32 @!p0 $0xFFFFF086;
	s6 =	sadd.s32 @!p0 s3, s7;
	s7 =	simm.s32 @!p0 $0x108  }
0x21: {  	s3 =	sadd.s32 s3, s9;
	s6 =	sadd.s32 @!p0 $0x88, s6;
	s7 =	simm.s32 @p2 $0x1082  }
0x22: {  	[simem:s7], [sflag:s8] =	dma.local @!p0 [hbm:s6], $0xF7A  }
0x23: {  	s9 =	sor.u32 $0xD0000000, s2;
	s6 =	simm.s32 $0x108;
	_ =	swait.ge @!p0 [sflag:s8], $0x0  }
0x24: {  	s3 =	sadd.s32 $0x88, s3;
	s6 =	simm.s32 @!p1 $0x1082;
	[sflag:s4] =	ssyncset.s32 $0xFFFFF086  }
0x25: {  	[simem:s6], [sflag:s4] =	dma.local [hbm:s3], $0xF7A  }
0x26: {  	[smem:$0x3F90] =	sst s1;
	(tag) =	ssettag s2;
	_ =	strace s9  }
0x27: {  	s1 =	sld [smem:$0x3FA0]  }
0x28: {  	s2 =	sld [smem:$0x3FA1]  }
0x29: {  	s4 =	sld [smem:$0x3FA3]  }
0x2a: {  	p0 =	seq.s32 s5, $0x0;
	s5 =	sld [smem:$0x3FA4]  }
0x2b: {  	s6 =	sld [smem:$0x3FA5]  }
0x2c: {  	s7 =	sld [smem:$0x3FA6]  }
0x2d: {  	s3 =	simm.s32 $0x108;
	s8 =	sld [smem:$0x3FA7]  }
0x2e: {  	s3 =	simm.s32 @!p0 $0x1082;
	s9 =	sld [smem:$0x3FA8]  }
0x2f: {  	lr =	sadd.s32 s0, s3;
	s0 =	sld [smem:$0x3F9F]  }
0x30: {  	s3 =	sld [smem:$0x3FA2]  }
0x31: {  	[smem:$0x3FAB] =	sst s10  }
0x32: {  	s10 =	sld [smem:$0x3FA9];
	_ =	sdelay $0x3  }
0x33: {  	p0 =	seq.s32 s10, $0x1;
	s10 =	sld [smem:$0x3FAB];
	_ =	sdelay $0x3  }
0x34: {  	[smem:$0x3FAB] =	sst s10  }
0x35: {  	s10 =	sld [smem:$0x3FAA];
	_ =	sdelay $0x3  }
0x36: {  	p1 =	seq.s32 s10, $0x1;
	s10 =	sld [smem:$0x3FAB];
	_ =	sdelay $0x3  }
0x37: {  	[smem:$0x3FAB] =	sst s10  }
0x38: {  	s10 =	sld [smem:$0x3FAC]  }
0x39: {  	_ = 	snop;
	(pc) =	sbr.ind lr, $3  }
0x3a: {  	_ = 	snop  }
0x3b: {  	_ = 	snop  }
0x3c: {  	p2 =	seq.s32 s10, $0x1;
	s10 =	sld [smem:$0x3FAB]  }
0x3d: {  	_ =	shalt  }
0x3e: {  	_ =	shalt  }
0x3f: {  	_ =	shalt  }
0x40: {  	_ =	shalt  }
0x41: {  	_ =	shalt  }
0x42: {  	_ =	shalt  }
0x43: {  	_ =	shalt  }
0x44: {  	_ =	shalt  }
0x45: {  	_ =	shalt  }
0x46: {  	_ =	shalt  }
0x47: {  	_ =	shalt  }
0x48: {  	_ =	shalt  }
0x49: {  	_ =	shalt  }
0x4a: {  	_ =	shalt  }
0x4b: {  	_ =	shalt  }
0x4c: {  	_ =	shalt  }
0x4d: {  	_ =	shalt  }
0x4e: {  	_ =	shalt  }
0x4f: {  	_ =	shalt  }
0x50: {  	_ =	shalt  }
0x51: {  	_ =	shalt  }
0x52: {  	_ =	shalt  }
0x53: {  	_ =	shalt  }
0x54: {  	_ =	shalt  }
0x55: {  	_ =	shalt  }
0x56: {  	_ =	shalt  }
0x57: {  	_ =	shalt  }
0x58: {  	_ =	shalt  }
0x59: {  	_ =	shalt  }
0x5a: {  	_ =	shalt  }
0x5b: {  	_ =	shalt  }
0x5c: {  	_ =	shalt  }
0x5d: {  	_ =	shalt  }
0x5e: {  	_ =	shalt  }
0x5f: {  	_ =	shalt  }
0x60: {  	_ =	shalt  }
0x61: {  	_ =	shalt  }
0x62: {  	_ =	shalt  }
0x63: {  	_ =	shalt  }
0x64: {  	_ =	shalt  }
0x65: {  	_ =	shalt  }
0x66: {  	_ =	shalt  }
0x67: {  	_ =	shalt  }
0x68: {  	_ =	shalt  }
0x69: {  	_ =	shalt  }
0x6a: {  	_ =	shalt  }
0x6b: {  	_ =	shalt  }
0x6c: {  	_ =	shalt  }
0x6d: {  	_ =	shalt  }
0x6e: {  	_ =	shalt  }
0x6f: {  	_ =	shalt  }
0x70: {  	_ =	shalt  }
0x71: {  	_ =	shalt  }
0x72: {  	_ =	shalt  }
0x73: {  	_ =	shalt  }
0x74: {  	_ =	shalt  }
0x75: {  	_ =	shalt  }
0x76: {  	_ =	shalt  }
0x77: {  	_ =	shalt  }
0x78: {  	_ =	shalt  }
0x79: {  	_ =	shalt  }
0x7a: {  	_ =	shalt  }
0x7b: {  	_ =	shalt  }
0x7c: {  	_ =	shalt  }
0x7d: {  	_ =	shalt  }
0x7e: {  	_ =	shalt  }
0x7f: {  	_ =	shalt  }
0x80: {  	_ =	shalt  }
0x81: {  	_ =	shalt  }
0x82: {  	_ =	shalt  }
0x83: {  	_ =	shalt  }
0x84: {  	_ =	shalt  }
0x85: {  	_ =	shalt  }
0x86: {  	_ =	shalt  }
0x87: {  	_ =	shalt  }
.Lfunc_end0:
.L_simem_size_0:
called_computation_lowered:
.L_overlay_start_0:
0x88: {  	s2 =	sld [smem:$0x3FD9]  }
0x89: {  	s3 =	sld [smem:$0x3FFE];
	_ =	sdelay $0x1  }
0x8a: {  	s1 =	srdreg.scid  }
0x8b: {  	s0 =	sand.u32 $0x1, s1  }
0x8c: {  	s17 =	sshll.u32 s0, $0xA;
	s2 =	sadd.s32 s3, s2  }
0x8d: {  	s2 =	sadd.s32 s2, s17  }
0x8e: {  	[smem:$0x3FB7] =	sst s2  }
0x8f: {  	_ = 	snop  }
0x90: {  	(tm) =	ssettm $0x1  }
0x91: {  	s18 =	sld [smem:$0x3FFB];
	_ =	sdelay $0x3  }
0x92: {  	_ =	strace s18  }
0x93: {  	s2 =	sld [smem:$0x3FFC];
	_ =	sdelay $0x3  }
0x94: {  	_ =	strace s2  }
0x95: {  	s2 =	sld [smem:$0x3FFD];
	_ =	sdelay $0x3  }
0x96: {  	_ =	strace s2  }
0x97: {  	_ =	strace $0x8FFFFFFF  }
0x98: {  	s19 =	sld [smem:$0x3FDB];
	_ =	sdelay $0x1  }
0x99: {  	s20 =	simm.s32 $_scs_section_size  }
0x9a: {  	s4 =	simm.s32 $_size__tile_overlayer_lowered;
	s5 =	simm.s32 $_tile_overlayer_lowered  }
0x9b: {  	s6 =	simm.s32 $0x1BFF;
	s21 =	sshll.u32 s5, $0x1;
	s3 =	sadd.s32 s20, s19  }
0x9c: {  	s22 =	simm.s32 $0x0;
	s4 =	sshll.u32 s4, $0x1;
	s5 =	sadd.s32 s21, s3  }
0x9d: {  	[timem:s22], [sflag:s6] =	dma.local [hbm:s5], s4  }
0x9e: {  	_ =	swait.ge [sflag:s6], s4  }
0x9f: {  	s4 =	ssub.s32 $0x0, s4;
	[sflag:s6] =	ssyncset.done $0x0  }
0xa0: {  	[sflag:s6] =	ssyncadd.s32 s4;
	_ =	sdelay $0x1  }
0xa1: {  	s23 =	simm.s32 $0x1B8B  }
0xa2: {  	_ =	swait.ge [sflag:s23], $0x1  }
0xa3: {  	[sflag:s23] =	ssyncset.done $0x0  }
0xa4: {  	[sflag:s23] =	ssyncadd.s32 $0xFFFFFFFF  }
0xa5: {  	s4 =	sld [smem:$0x0]  }
0xa6: {  	s5 =	sand.u32 $0xFFFFFFFE, s1  }
0xa7: {  	p0 =	sne.s32 s1, s5  }
0xa8: {  	s5 =	sshll.u32 @p0 s5, $0xE  }
0xa9: {  	s5 =	sadd.s32 @p0 $0x11B8D, s5;
	s6 =	sshll.u32 @p0 s4, $0x11  }
0xaa: {  	s5 =	sor.u32 @p0 s6, s5  }
0xab: {  	[sflag:s5] =	ssyncadd.remote.s32 @p0 $0x1;
	_ =	sdelay $0x1  }
0xac: {  	s5 =	simm.s32 @p0 $0x1B8D  }
0xad: {  	_ =	swait.eq @p0 [sflag:s5], $0x1  }
0xae: {  	[sflag:s5] =	ssyncadd.s32 @p0 $0xFFFFFFFF  }
0xaf: {  	s6 =	sshll.u32 @!p0 s1, $0xE  }
0xb0: {  	s6 =	sor.u32 @!p0 $0x4000, s6;
	s5 =	simm.s32 @!p0 $0x1B8D  }
0xb1: {  	s4 =	sshll.u32 @!p0 s4, $0x11;
	s6 =	sadd.s32 @!p0 $0x11B8D, s6;
	_ =	swait.eq @!p0 [sflag:s5], $0x1  }
0xb2: {  	s4 =	sor.u32 @!p0 s4, s6;
	[sflag:s5] =	ssyncadd.s32 @!p0 $0xFFFFFFFF  }
0xb3: {  	s25 =	simm.s32 $0x1B8E;
	s24 =	sld [smem:$0x3FFE];
	[sflag:s4] =	ssyncadd.remote.s32 @!p0 $0x1  }
0xb4: {  	s26 =	simm.s32 $execute0_lowered;
	[smem:$0x3FD2] =	sst s25  }
0xb5: {  	s5 =	sshll.u32 s26, $0x1;
	_ =	strace $0x80000049;
	[dreg:$0x1] =	wrdreg $0xFFFFFFFF  }
0xb6: {  	s28 =	simm.s32 $_size_execute0_lowered;
	s3 =	sadd.s32 s3, s5;
	[dreg:$0x0] =	wrdreg $0x0  }
0xb7: {  	s5 =	sshll.u32 s28, $0x1;
	[dreg:$0x2] =	wrdreg s3  }
0xb8: {  	[dreg:$0x3] =	wrdreg s5  }
0xb9: {  	[dreg:$0x4] =	wrdreg $0xC0  }
0xba: {  	_ =	task [dreg:s22], $0x5FFFF  }
0xbb: {  	[dreg:$0x1] =	wrdreg $0xFFFFFFFF  }
0xbc: {  	[dreg:$0x0] =	wrdreg $0x60  }
0xbd: {  	[dreg:$0x2] =	wrdreg s24  }
0xbe: {  	[dreg:$0x3] =	wrdreg $0x9  }
0xbf: {  	_ =	task.clear_ibuf [dreg:s22], $0x4FFFF;
	_ =	strace $0x90000049  }
0xc0: {  	s29 =	simm.s32 $0x9;
	_ =	strace $0x8000004B  }
0xc1: {  	_ =	swait.ge [sflag:s29], $0x1  }
0xc2: {  	[sflag:s29] =	ssyncadd.s32 $0xFFFFFFFF  }
0xc3: {  	_ =	strace $0x9000004B  }
0xc4: {  	_ =	sfence  }
0xc5: {  	s30 =	sld [smem:$0x0];
	_ =	sdelay $0x2  }
0xc6: {  	s31 =	sshll.u32 s1, $0xD;
	s1 =	sshrl.u32 s1, $0x2  }
0xc7: {  	s4 =	sand.u32 $0x4000, s31;
	s1 =	sadd.s32 s1, s30  }
0xc8: {  	s0 =	sor.u32 s4, s0;
	s1 =	sshll.u32 s1, $0x11  }
0xc9: {  	s0 =	sor.u32 s1, s0  }
0xca: {  	s0 =	sadd.s32 $0x8F2B, s0  }
0xcb: {  	[sflag:s0] =	ssyncadd.remote.s32 $0x1  }
0xcc: {  	_ =	sfence.sel $0xFFFF  }
0xcd: {  	[dreg:$0x0] =	wrdreg $0xFFFFFFFF;
	(pc) =	sbr.abs _section_cstart, $3  }
0xce: {  	[dreg:$0x1] =	wrdreg $0xFFFFFFFF  }
0xcf: {  	_ =	task.clear_ibuf [dreg:s22], $0x2FFFF;
	_ =	strace $0x9FFFFFFF  }
0xd0: {  	(tm) =	ssettm $0x7FFFFFFF  }
0xd1: {  	_ =	shalt  }
tec
execute0_lowered:
.L_overlay_start_1:
0x0: {  	(tag) =	ssettag $0x1  }
0x1: {  	s0 =	srdreg.scid  }
0x2: {  	s12 =	stileid.u32;
	s1 =	rddreg [dreg:$0x0];
	s2 =	simm.s32 $0x0  }
0x3: {  	s14 =	simm.s32 $0x1C00;
	s15 =	simm.s32 $0x2400;
	s16 =	simm.s32 $0x2C00  }
0x4: {  	s17 =	simm.s32 $0x3400;
	s18 =	simm.s32 $0x3C00;
	s19 =	simm.s32 $0x4400  }
0x5: {  	s28 =	simm.s32 $0x7400;
	s29 =	simm.s32 $0x7C00;
	s30 =	simm.s32 $0x8400  }
0x6: {  	s31 =	simm.s32 $0x3;
	s0 =	sand.u32 $0x1, s0;
	s10 =	smul.u32 $0x8800, s12  }
0x7: {  	s3 =	sshll.u32 s12, $0x1;
	[smem:$0x7FF] =	sst s2;
	s22 =	smul.u32 $0x11000, s12  }
0x8: {  	s4 =	sadd.s32 $0xBC00, s1;
	s7 =	sadd.s32 $0x1C1C00, s1;
	s11 =	smul.u32 $0x4400, s0  }
0x9: {  	s5 =	sor.u32 s0, s3;
	s8 =	ssub.s32 $0x2, s0;
	s0 =	smul.u32 $0x8800, s0  }
0xa: {  	s12 =	simm.s32 $0xC00;
	_ =	strace $0x8000004A;
	s6 =	smul.u32 $0x180, s5  }
0xb: {  	s3 =	sadd.s32 $0x1AEC00, s1;
	s5 =	smul.u32 $0x440, s5;
	s9 =	sshrl.u32 s8, $0x1  }
0xc: {  	s25 =	sadd.s32 s22, s7;
	s22 =	simm.s32 $0x4C00;
	s8 =	ssub.s32 s8, s9  }
0xd: {  	s0 =	sadd.s32 s0, s25;
	s25 =	simm.s32 $0x6400;
	s6 =	sadd.s32 s6, s1  }
0xe: {  	s1 =	sadd.s32 $0x2D1C00, s1;
	s5 =	sadd.s32 $0x400, s5;
	s26 =	smax.u32 s8, $0x1  }
0xf: {  	s0 =	sadd.s32 $0x800, s0;
	s8 =	simm.s32 $0x0;
	s20 =	sshll.u32 s5, $0x5  }
0x10: {  	s6 =	sadd.s32 $0x1BEC00, s6;
	s5 =	sshll.u32 s5, $0x4;
	[dreg:$0x5] =	wrdreg s26  }
0x11: {  	s23 =	sadd.s32 s10, s1;
	[dreg:$0x7] =	wrdreg s0;
	s26 =	simm.s32 $0x6C00  }
0x12: {  	s0 =	simm.s32 $0x1;
	[dreg:$0x2] =	wrdreg s6;
	s21 =	sadd.s32 s7, s20  }
.Ltmp0:
0x13: {  	s1 =	sadd.s32 s1, s5;
	s24 =	sadd.s32 s11, s23;
	(pc) =	sbr.rel .LBB2_1-.Ltmp0, $4  }
0x14: {  	s11 =	simm.s32 $0x5;
	s20 =	simm.s32 $0x40;
	s23 =	simm.s32 $0x5400  }
0x15: {  	v2 =	vlaneseq.u32;
	s5 =	simm.s32 $0x2;
	s6 =	simm.s32 $0x4;
	[dreg:$0x3] =	wrdreg s21  }
0x16: {  	vm0 =	vmmov $0xffff;
	v1 =	vshrl.u32 v2, $0x3;
	[dreg:$0x4] =	wrdreg s1;
	s1 =	sadd.s32 $0x400, s24;
	s21 =	simm.s32 $0x8C00  }
0x17: {  	v0 =	vand.u32 $0x7, v2;
	v2 =	vor.u32 $0x8, v2;
	v1 =	vmul.u32 $0x8, v1;
	s24 =	simm.s32 $0x5C00;
	[dreg:$0x6] =	wrdreg s1;
	s1 =	simm.s32 $0xAC00  }
.LBB2_4:
0x18: {  	_ =	swait.ge [sflag:s0], $0x4000  }
0x19: {  	[sflag:s0] =	ssyncset.done $0x0  }
0x1a: {  	[sflag:s0] =	ssyncadd.s32 $0xFFFFC000  }
0x1b: {  	_ =	swait.ge [sflag:s31], $0x2000  }
0x1c: {  	[sflag:s31] =	ssyncset.done $0x0  }
0x1d: {  	s7 =	rddreg [dreg:$0x3];
	[sflag:s31] =	ssyncadd.s32 $0xFFFFE000  }
0x1e: {  	[hbm4b:s7+s2] =	stream.linear.scatter [tilespmem:s12], [sflag:$0x5], $0x4000, $0x38;
	[tilespmem:$0xCC00] =	vst v63  }
0x1f: {  	_ =	swait.ge [sflag:s11], $0x4000  }
0x20: {  	[sflag:s11] =	ssyncset.done $0x0  }
0x21: {  	s10 =	rddreg [dreg:$0x4];
	[sflag:s11] =	ssyncadd.s32 $0xFFFFC000  }
0x22: {  	[hbm4b:s10+s2] =	stream.linear.scatter [tilespmem:s21], [sflag:$0x5], $0x2000, $0x38;
	[tilespmem:$0xCC00] =	vst v63  }
0x23: {  	_ =	swait.ge [sflag:s11], $0x2000  }
0x24: {  	s8 =	rddreg [dreg:$0x8]  }
0x25: {  	s13 =	rddreg [dreg:$0x5];
	s8 =	sadd.s32 $0x1, s8  }
0x26: {  	p0 =	sne.s32 s8, s13  }
.Ltmp1:
0x27: {  	_ = 	snop;
	(pc) =	sbr.rel @!p0 .LBB2_5-.Ltmp1, $3  }
0x28: {  	_ =	sdelay $0x1  }
0x29: {  	[sflag:s11] =	ssyncset.done $0x0  }
0x2a: {  	[sflag:s11] =	ssyncadd.s32 $0xFFFFE000  }
.LBB2_1:
0x2b: {  	[dreg:$0x8] =	wrdreg s8  }
0x2c: {  	s7 =	rddreg [dreg:$0x2]  }
0x2d: {  	[tilespmem:s2], [sflag:$0x5] =	stream.linear.gather [hbm4b:s7+s2], $0x880, $0x38;
	[tilespmem:$0xCC00] =	vst v63  }
0x2e: {  	_ =	swait.ge [sflag:s11], $0x880  }
0x2f: {  	[sflag:s11] =	ssyncset.done $0x0  }
0x30: {  	[sflag:s11] =	ssyncadd.s32 $0xFFFFF780  }
0x31: {  	v3 =	vld [tilespmem:$0x0];
	_ =	sdelay $0x4  }
0x32: {  	v4 =	vshll.u32 v3, $0x1  }
0x33: {  	v3 =	vand.u32 $0x7, v3;
	v4 =	vand.u32 $0xFFFFFFF0, v4  }
0x34: {  	v3 =	vor.u32 v3, v4  }
0x35: {  	v4 =	vperm.xlane v3, v0;
	_ =	sdelay $0x1  }
0x36: {  	v3 =	vperm.xlane v3, v2;
	v4 =	vadd.s32 v1, v4;
	_ =	sdelay $0x1  }
0x37: {  	v3 =	vadd.s32 v1, v3;
	_ =	sdelay $0x2  }
0x38: {  	[tilespmem:s12], [sflag:$0x1] =	stream.indirect_vreg.gather [hbm4b:s3+s2], $0x80, v4, vm0, $0xb8;
	[tilespmem:$0xCC00] =	vst v63  }
0x39: {  	s10 =	simm.s32 $0x1400  }
0x3a: {  	[tilespmem:s10], [sflag:$0x1] =	stream.indirect_vreg.gather [hbm4b:s3+s2], $0x80, v3, vm0, $0xb8;
	[tilespmem:$0xCC00] =	vst v63  }
0x3b: {  	v3 =	vld [tilespmem:$0x10];
	_ =	sdelay $0x4  }
0x3c: {  	v57 =	vshll.u32 v3, $0x1  }
0x3d: {  	v3 =	vand.u32 $0x7, v3;
	v4 =	vand.u32 $0xFFFFFFF0, v57  }
0x3e: {  	v3 =	vor.u32 v3, v4  }
0x3f: {  	v4 =	vperm.xlane v3, v0;
	_ =	sdelay $0x1  }
0x40: {  	v3 =	vperm.xlane v3, v2;
	v4 =	vadd.s32 v1, v4;
	_ =	sdelay $0x1  }
0x41: {  	v3 =	vadd.s32 v1, v3;
	_ =	sdelay $0x2  }
0x42: {  	[tilespmem:s14], [sflag:$0x1] =	stream.indirect_vreg.gather [hbm4b:s3+s2], $0x80, v4, vm0, $0xb8;
	[tilespmem:$0xCC00] =	vst v63  }
0x43: {  	_ = 	snop  }
0x44: {  	[tilespmem:s15], [sflag:$0x1] =	stream.indirect_vreg.gather [hbm4b:s3+s2], $0x80, v3, vm0, $0xb8;
	[tilespmem:$0xCC00] =	vst v63  }
0x45: {  	v3 =	vld [tilespmem:$0x20];
	_ =	sdelay $0x4  }
0x46: {  	v58 =	vshll.u32 v3, $0x1  }
0x47: {  	v3 =	vand.u32 $0x7, v3;
	v4 =	vand.u32 $0xFFFFFFF0, v58  }
0x48: {  	v3 =	vor.u32 v3, v4  }
0x49: {  	v4 =	vperm.xlane v3, v0;
	_ =	sdelay $0x1  }
0x4a: {  	v3 =	vperm.xlane v3, v2;
	v4 =	vadd.s32 v1, v4;
	_ =	sdelay $0x1  }
0x4b: {  	v3 =	vadd.s32 v1, v3;
	_ =	sdelay $0x2  }
0x4c: {  	[tilespmem:s16], [sflag:$0x1] =	stream.indirect_vreg.gather [hbm4b:s3+s2], $0x80, v4, vm0, $0xb8;
	[tilespmem:$0xCC00] =	vst v63  }
0x4d: {  	_ = 	snop  }
0x4e: {  	[tilespmem:s17], [sflag:$0x1] =	stream.indirect_vreg.gather [hbm4b:s3+s2], $0x80, v3, vm0, $0xb8;
	[tilespmem:$0xCC00] =	vst v63  }
0x4f: {  	v3 =	vld [tilespmem:$0x30];
	_ =	sdelay $0x4  }
0x50: {  	v59 =	vshll.u32 v3, $0x1  }
0x51: {  	v3 =	vand.u32 $0x7, v3;
	v4 =	vand.u32 $0xFFFFFFF0, v59  }
0x52: {  	v3 =	vor.u32 v3, v4  }
0x53: {  	v4 =	vperm.xlane v3, v0;
	_ =	sdelay $0x1  }
0x54: {  	v3 =	vperm.xlane v3, v2;
	v4 =	vadd.s32 v1, v4;
	_ =	sdelay $0x1  }
0x55: {  	v3 =	vadd.s32 v1, v3;
	_ =	sdelay $0x2  }
0x56: {  	[tilespmem:s18], [sflag:$0x1] =	stream.indirect_vreg.gather [hbm4b:s3+s2], $0x80, v4, vm0, $0xb8;
	[tilespmem:$0xCC00] =	vst v63  }
0x57: {  	_ = 	snop  }
0x58: {  	[tilespmem:s19], [sflag:$0x1] =	stream.indirect_vreg.gather [hbm4b:s3+s2], $0x80, v3, vm0, $0xb8;
	[tilespmem:$0xCC00] =	vst v63  }
0x59: {  	_ = 	snop  }
0x5a: {  	[tilespmem:s21], [sflag:$0x3] =	stream.indirect.gather [hbm4b:s4+s20], $0x80, s2, s20, $0xb8;
	[tilespmem:$0xCC00] =	vst v63  }
0x5b: {  	v3 =	vld [tilespmem:$0x80];
	_ =	sdelay $0x4  }
0x5c: {  	v60 =	vshll.u32 v3, $0x1  }
0x5d: {  	v3 =	vand.u32 $0x7, v3;
	v4 =	vand.u32 $0xFFFFFFF0, v60  }
0x5e: {  	v3 =	vor.u32 v3, v4  }
0x5f: {  	v4 =	vperm.xlane v3, v0;
	_ =	sdelay $0x1  }
0x60: {  	v3 =	vperm.xlane v3, v2;
	v4 =	vadd.s32 v1, v4;
	_ =	sdelay $0x1  }
0x61: {  	v3 =	vadd.s32 v1, v3;
	_ =	sdelay $0x2  }
0x62: {  	[tilespmem:s22], [sflag:$0x2] =	stream.indirect_vreg.gather [hbm4b:s3+s2], $0x80, v4, vm0, $0xb8;
	[tilespmem:$0xCC00] =	vst v63  }
0x63: {  	_ = 	snop  }
0x64: {  	[tilespmem:s23], [sflag:$0x2] =	stream.indirect_vreg.gather [hbm4b:s3+s2], $0x80, v3, vm0, $0xb8;
	[tilespmem:$0xCC00] =	vst v63  }
0x65: {  	v3 =	vld [tilespmem:$0x90];
	_ =	sdelay $0x4  }
0x66: {  	v61 =	vshll.u32 v3, $0x1  }
0x67: {  	v3 =	vand.u32 $0x7, v3;
	v4 =	vand.u32 $0xFFFFFFF0, v61  }
0x68: {  	v3 =	vor.u32 v3, v4  }
0x69: {  	v4 =	vperm.xlane v3, v0;
	_ =	sdelay $0x1  }
0x6a: {  	v3 =	vperm.xlane v3, v2;
	v4 =	vadd.s32 v1, v4;
	_ =	sdelay $0x1  }
0x6b: {  	v3 =	vadd.s32 v1, v3;
	_ =	sdelay $0x2  }
0x6c: {  	[tilespmem:s24], [sflag:$0x2] =	stream.indirect_vreg.gather [hbm4b:s3+s2], $0x80, v4, vm0, $0xb8;
	[tilespmem:$0xCC00] =	vst v63  }
0x6d: {  	_ = 	snop  }
0x6e: {  	[tilespmem:s25], [sflag:$0x2] =	stream.indirect_vreg.gather [hbm4b:s3+s2], $0x80, v3, vm0, $0xb8;
	[tilespmem:$0xCC00] =	vst v63  }
0x6f: {  	v3 =	vld [tilespmem:$0xA0];
	_ =	sdelay $0x4  }
0x70: {  	v62 =	vshll.u32 v3, $0x1  }
0x71: {  	v3 =	vand.u32 $0x7, v3;
	v4 =	vand.u32 $0xFFFFFFF0, v62  }
0x72: {  	v3 =	vor.u32 v3, v4  }
0x73: {  	v4 =	vperm.xlane v3, v0;
	_ =	sdelay $0x1  }
0x74: {  	v3 =	vperm.xlane v3, v2;
	v4 =	vadd.s32 v1, v4;
	_ =	sdelay $0x1  }
0x75: {  	v3 =	vadd.s32 v1, v3;
	_ =	sdelay $0x2  }
0x76: {  	[tilespmem:s26], [sflag:$0x2] =	stream.indirect_vreg.gather [hbm4b:s3+s2], $0x80, v4, vm0, $0xb8;
	[tilespmem:$0xCC00] =	vst v63  }
0x77: {  	_ = 	snop  }
0x78: {  	[tilespmem:s28], [sflag:$0x2] =	stream.indirect_vreg.gather [hbm4b:s3+s2], $0x80, v3, vm0, $0xb8;
	[tilespmem:$0xCC00] =	vst v63  }
0x79: {  	v3 =	vld [tilespmem:$0xB0];
	_ =	sdelay $0x4  }
0x7a: {  	v63 =	vshll.u32 v3, $0x1  }
0x7b: {  	v3 =	vand.u32 $0x7, v3;
	v4 =	vand.u32 $0xFFFFFFF0, v63  }
0x7c: {  	v3 =	vor.u32 v3, v4  }
0x7d: {  	v4 =	vperm.xlane v3, v0;
	_ =	sdelay $0x1  }
0x7e: {  	v3 =	vperm.xlane v3, v2;
	v4 =	vadd.s32 v1, v4;
	_ =	sdelay $0x1  }
0x7f: {  	v3 =	vadd.s32 v1, v3;
	_ =	sdelay $0x2  }
0x80: {  	[tilespmem:s29], [sflag:$0x2] =	stream.indirect_vreg.gather [hbm4b:s3+s2], $0x80, v4, vm0, $0xb8;
	[tilespmem:$0xCC00] =	vst v63  }
0x81: {  	s9 =	rddreg [dreg:$0x6]  }
0x82: {  	[tilespmem:s30], [sflag:$0x2] =	stream.indirect_vreg.gather [hbm4b:s3+s2], $0x80, v3, vm0, $0xb8;
	[tilespmem:$0xCC00] =	vst v63  }
0x83: {  	s13 =	simm.s32 $0x80;
	s8 =	simm.s32 $0x0;
	s10 =	rddreg [dreg:$0x7]  }
0x84: {  	[tilespmem:s1], [sflag:$0x4] =	stream.indirect.gather [hbm4b:s4+s20], $0x80, s13, s20, $0xb8;
	[tilespmem:$0xCC00] =	vst v63  }
.LBB2_2:
0x85: {  	_ =	swait.ge [sflag:s0], $0x4000  }
0x86: {  	[sflag:s0] =	ssyncset.done $0x0  }
0x87: {  	[sflag:s0] =	ssyncadd.s32 $0xFFFFC000  }
0x88: {  	_ =	swait.ge [sflag:s31], $0x2000  }
0x89: {  	[sflag:s31] =	ssyncset.done $0x0  }
0x8a: {  	s7 =	sadd.s32 $0xFFFFF800, s10;
	[sflag:s31] =	ssyncadd.s32 $0xFFFFE000  }
0x8b: {  	[hbm4b:s7+s2] =	stream.linear.scatter [tilespmem:s12], [sflag:$0x5], $0x4000, $0x38;
	[tilespmem:$0xCC00] =	vst v63  }
0x8c: {  	_ =	swait.ge [sflag:s11], $0x4000  }
0x8d: {  	[sflag:s11] =	ssyncset.done $0x0  }
0x8e: {  	s13 =	sadd.s32 $0xFFFFFC00, s9;
	[sflag:s11] =	ssyncadd.s32 $0xFFFFC000  }
0x8f: {  	[hbm4b:s13+s2] =	stream.linear.scatter [tilespmem:s21], [sflag:$0x5], $0x2000, $0x38;
	[tilespmem:$0xCC00] =	vst v63  }
0x90: {  	_ =	swait.ge [sflag:s11], $0x2000  }
0x91: {  	[sflag:s11] =	ssyncset.done $0x0  }
0x92: {  	s7 =	sshra.s32 s8, $0x2;
	[sflag:s11] =	ssyncadd.s32 $0xFFFFE000  }
0x93: {  	v3 =	vld [tilespmem:s7+$0x100];
	_ =	sdelay $0x4  }
0x94: {  	v4 =	vshll.u32 v3, $0x1  }
0x95: {  	v3 =	vand.u32 $0x7, v3;
	v4 =	vand.u32 $0xFFFFFFF0, v4  }
0x96: {  	v3 =	vor.u32 v3, v4  }
0x97: {  	v4 =	vperm.xlane v3, v0;
	_ =	sdelay $0x1  }
0x98: {  	v3 =	vperm.xlane v3, v2;
	v4 =	vadd.s32 v1, v4;
	_ =	sdelay $0x1  }
0x99: {  	v3 =	vadd.s32 v1, v3;
	_ =	sdelay $0x2  }
0x9a: {  	[tilespmem:s12], [sflag:$0x1] =	stream.indirect_vreg.gather [hbm4b:s3+s2], $0x80, v4, vm0, $0xb8;
	[tilespmem:$0xCC00] =	vst v63  }
0x9b: {  	s13 =	simm.s32 $0x1400  }
0x9c: {  	[tilespmem:s13], [sflag:$0x1] =	stream.indirect_vreg.gather [hbm4b:s3+s2], $0x80, v3, vm0, $0xb8;
	[tilespmem:$0xCC00] =	vst v63  }
0x9d: {  	v3 =	vld [tilespmem:s7+$0x110];
	_ =	sdelay $0x4  }
0x9e: {  	v61 =	vshll.u32 v3, $0x1  }
0x9f: {  	v3 =	vand.u32 $0x7, v3;
	v4 =	vand.u32 $0xFFFFFFF0, v61  }
0xa0: {  	v3 =	vor.u32 v3, v4  }
0xa1: {  	v4 =	vperm.xlane v3, v0;
	_ =	sdelay $0x1  }
0xa2: {  	v3 =	vperm.xlane v3, v2;
	v4 =	vadd.s32 v1, v4;
	_ =	sdelay $0x1  }
0xa3: {  	v3 =	vadd.s32 v1, v3;
	_ =	sdelay $0x2  }
0xa4: {  	[tilespmem:s14], [sflag:$0x1] =	stream.indirect_vreg.gather [hbm4b:s3+s2], $0x80, v4, vm0, $0xb8;
	[tilespmem:$0xCC00] =	vst v63  }
0xa5: {  	_ = 	snop  }
0xa6: {  	[tilespmem:s15], [sflag:$0x1] =	stream.indirect_vreg.gather [hbm4b:s3+s2], $0x80, v3, vm0, $0xb8;
	[tilespmem:$0xCC00] =	vst v63  }
0xa7: {  	v3 =	vld [tilespmem:s7+$0x120];
	_ =	sdelay $0x4  }
0xa8: {  	v62 =	vshll.u32 v3, $0x1  }
0xa9: {  	v3 =	vand.u32 $0x7, v3;
	v4 =	vand.u32 $0xFFFFFFF0, v62  }
0xaa: {  	v3 =	vor.u32 v3, v4  }
0xab: {  	v4 =	vperm.xlane v3, v0;
	_ =	sdelay $0x1  }
0xac: {  	v3 =	vperm.xlane v3, v2;
	v4 =	vadd.s32 v1, v4;
	_ =	sdelay $0x1  }
0xad: {  	v3 =	vadd.s32 v1, v3;
	_ =	sdelay $0x2  }
0xae: {  	[tilespmem:s16], [sflag:$0x1] =	stream.indirect_vreg.gather [hbm4b:s3+s2], $0x80, v4, vm0, $0xb8;
	[tilespmem:$0xCC00] =	vst v63  }
0xaf: {  	_ = 	snop  }
0xb0: {  	[tilespmem:s17], [sflag:$0x1] =	stream.indirect_vreg.gather [hbm4b:s3+s2], $0x80, v3, vm0, $0xb8;
	[tilespmem:$0xCC00] =	vst v63  }
0xb1: {  	v3 =	vld [tilespmem:s7+$0x130];
	_ =	sdelay $0x4  }
0xb2: {  	v63 =	vshll.u32 v3, $0x1  }
0xb3: {  	v3 =	vand.u32 $0x7, v3;
	v4 =	vand.u32 $0xFFFFFFF0, v63  }
0xb4: {  	v3 =	vor.u32 v3, v4  }
0xb5: {  	v4 =	vperm.xlane v3, v0;
	_ =	sdelay $0x1  }
0xb6: {  	v3 =	vperm.xlane v3, v2;
	v4 =	vadd.s32 v1, v4;
	_ =	sdelay $0x1  }
0xb7: {  	v3 =	vadd.s32 v1, v3;
	_ =	sdelay $0x2  }
0xb8: {  	[tilespmem:s18], [sflag:$0x1] =	stream.indirect_vreg.gather [hbm4b:s3+s2], $0x80, v4, vm0, $0xb8;
	[tilespmem:$0xCC00] =	vst v63  }
0xb9: {  	_ = 	snop  }
0xba: {  	[tilespmem:s19], [sflag:$0x1] =	stream.indirect_vreg.gather [hbm4b:s3+s2], $0x80, v3, vm0, $0xb8;
	[tilespmem:$0xCC00] =	vst v63  }
0xbb: {  	s13 =	sadd.s32 $0x100, s7  }
0xbc: {  	[tilespmem:s21], [sflag:$0x3] =	stream.indirect.gather [hbm4b:s4+s20], $0x80, s13, s20, $0xb8;
	[tilespmem:$0xCC00] =	vst v63  }
0xbd: {  	_ =	swait.ge [sflag:s5], $0x4000  }
0xbe: {  	[sflag:s5] =	ssyncset.done $0x0  }
0xbf: {  	[sflag:s5] =	ssyncadd.s32 $0xFFFFC000  }
0xc0: {  	_ =	swait.ge [sflag:s6], $0x2000  }
0xc1: {  	[sflag:s6] =	ssyncset.done $0x0  }
0xc2: {  	[sflag:s6] =	ssyncadd.s32 $0xFFFFE000  }
0xc3: {  	[hbm4b:s10+s2] =	stream.linear.scatter [tilespmem:s22], [sflag:$0x5], $0x4000, $0x38;
	[tilespmem:$0xCC00] =	vst v63  }
0xc4: {  	_ =	swait.ge [sflag:s11], $0x4000  }
0xc5: {  	p0 =	seq.s32 s8, $0x1C00;
	[sflag:s11] =	ssyncset.done $0x0  }
.Ltmp2:
0xc6: {  	[sflag:s11] =	ssyncadd.s32 $0xFFFFC000;
	(pc) =	sbr.rel @p0 .LBB2_4-.Ltmp2, $4  }
0xc7: {  	[hbm4b:s9+s2] =	stream.linear.scatter [tilespmem:s1], [sflag:$0x5], $0x2000, $0x38;
	[tilespmem:$0xCC00] =	vst v63  }
0xc8: {  	_ =	swait.ge [sflag:s11], $0x2000  }
0xc9: {  	[sflag:s11] =	ssyncset.done $0x0  }
0xca: {  	[sflag:s11] =	ssyncadd.s32 $0xFFFFE000  }
0xcb: {  	v3 =	vld [tilespmem:s7+$0x180];
	_ =	sdelay $0x4  }
0xcc: {  	v4 =	vshll.u32 v3, $0x1  }
0xcd: {  	v3 =	vand.u32 $0x7, v3;
	v4 =	vand.u32 $0xFFFFFFF0, v4  }
0xce: {  	v3 =	vor.u32 v3, v4  }
0xcf: {  	v4 =	vperm.xlane v3, v0;
	_ =	sdelay $0x1  }
0xd0: {  	v3 =	vperm.xlane v3, v2;
	v4 =	vadd.s32 v1, v4;
	_ =	sdelay $0x1  }
0xd1: {  	v3 =	vadd.s32 v1, v3;
	_ =	sdelay $0x2  }
0xd2: {  	[tilespmem:s22], [sflag:$0x2] =	stream.indirect_vreg.gather [hbm4b:s3+s2], $0x80, v4, vm0, $0xb8;
	[tilespmem:$0xCC00] =	vst v63  }
0xd3: {  	_ = 	snop  }
0xd4: {  	[tilespmem:s23], [sflag:$0x2] =	stream.indirect_vreg.gather [hbm4b:s3+s2], $0x80, v3, vm0, $0xb8;
	[tilespmem:$0xCC00] =	vst v63  }
0xd5: {  	v3 =	vld [tilespmem:s7+$0x190];
	_ =	sdelay $0x4  }
0xd6: {  	v61 =	vshll.u32 v3, $0x1  }
0xd7: {  	v3 =	vand.u32 $0x7, v3;
	v4 =	vand.u32 $0xFFFFFFF0, v61  }
0xd8: {  	v3 =	vor.u32 v3, v4  }
0xd9: {  	v4 =	vperm.xlane v3, v0;
	_ =	sdelay $0x1  }
0xda: {  	v3 =	vperm.xlane v3, v2;
	v4 =	vadd.s32 v1, v4;
	_ =	sdelay $0x1  }
0xdb: {  	v3 =	vadd.s32 v1, v3;
	_ =	sdelay $0x2  }
0xdc: {  	[tilespmem:s24], [sflag:$0x2] =	stream.indirect_vreg.gather [hbm4b:s3+s2], $0x80, v4, vm0, $0xb8;
	[tilespmem:$0xCC00] =	vst v63  }
0xdd: {  	_ = 	snop  }
0xde: {  	[tilespmem:s25], [sflag:$0x2] =	stream.indirect_vreg.gather [hbm4b:s3+s2], $0x80, v3, vm0, $0xb8;
	[tilespmem:$0xCC00] =	vst v63  }
0xdf: {  	v3 =	vld [tilespmem:s7+$0x1A0];
	_ =	sdelay $0x4  }
0xe0: {  	v62 =	vshll.u32 v3, $0x1  }
0xe1: {  	v3 =	vand.u32 $0x7, v3;
	v4 =	vand.u32 $0xFFFFFFF0, v62  }
0xe2: {  	v3 =	vor.u32 v3, v4  }
0xe3: {  	v4 =	vperm.xlane v3, v0;
	_ =	sdelay $0x1  }
0xe4: {  	v3 =	vperm.xlane v3, v2;
	v4 =	vadd.s32 v1, v4;
	_ =	sdelay $0x1  }
0xe5: {  	v3 =	vadd.s32 v1, v3;
	_ =	sdelay $0x2  }
0xe6: {  	[tilespmem:s26], [sflag:$0x2] =	stream.indirect_vreg.gather [hbm4b:s3+s2], $0x80, v4, vm0, $0xb8;
	[tilespmem:$0xCC00] =	vst v63  }
0xe7: {  	_ = 	snop  }
0xe8: {  	[tilespmem:s28], [sflag:$0x2] =	stream.indirect_vreg.gather [hbm4b:s3+s2], $0x80, v3, vm0, $0xb8;
	[tilespmem:$0xCC00] =	vst v63  }
0xe9: {  	v3 =	vld [tilespmem:s7+$0x1B0];
	_ =	sdelay $0x4  }
0xea: {  	v63 =	vshll.u32 v3, $0x1  }
0xeb: {  	v3 =	vand.u32 $0x7, v3;
	v4 =	vand.u32 $0xFFFFFFF0, v63  }
0xec: {  	v3 =	vor.u32 v3, v4  }
0xed: {  	v4 =	vperm.xlane v3, v0;
	_ =	sdelay $0x1  }
0xee: {  	v4 =	vadd.s32 v1, v4  }
0xef: {  	v3 =	vperm.xlane v3, v2;
	_ =	sdelay $0x1  }
0xf0: {  	v3 =	vadd.s32 v1, v3;
	_ =	sdelay $0x1  }
0xf1: {  	[tilespmem:s29], [sflag:$0x2] =	stream.indirect_vreg.gather [hbm4b:s3+s2], $0x80, v4, vm0, $0xb8;
	[tilespmem:$0xCC00] =	vst v63  }
.Ltmp3:
0xf2: {  	_ = 	snop;
	(pc) =	sbr.rel .LBB2_2-.Ltmp3, $4  }
0xf3: {  	s13 =	sadd.s32 $0x180, s7  }
0xf4: {  	[tilespmem:s30], [sflag:$0x2] =	stream.indirect_vreg.gather [hbm4b:s3+s2], $0x80, v3, vm0, $0xb8;
	[tilespmem:$0xCC00] =	vst v63  }
0xf5: {  	s9 =	sadd.s32 $0x800, s9;
	s10 =	sadd.s32 $0x1000, s10;
	s8 =	sadd.s32 $0x400, s8  }
0xf6: {  	[tilespmem:s1], [sflag:$0x4] =	stream.indirect.gather [hbm4b:s4+s20], $0x80, s13, s20, $0xb8;
	[tilespmem:$0xCC00] =	vst v63  }
.LBB2_5:
0xf7: {  	_ =	sfence.sel $0x180000  }
0xf8: {  	[bflag:$0x0] =	sbarrier.arrive $0xFFFF  }
0xf9: {  	_ =	strace $0x9000004A  }
0xfa: {  	s0 =	stileid.u32;
	[bflag:$0x2] =	sbarrier.arrive $0xFFFF  }
0xfb: {  	p0 =	sne.s32 s0, $0x0;
	s0 =	rddreg [dreg:$0x1]  }
0xfc: {  	s0 =	sadd.s32 @!p0 $0x100000, s0  }
0xfd: {  	[sflag:s0] =	ssyncadd.tile.s32 @!p0 $0x1;
	_ =	shalt  }
.Lfunc_end2:
_tile_overlayer_lowered:
.L_overlay_start_2:
0xfe: {  	(tag) =	ssettag $0x2  }
0xff: {  	s0 =	rddreg [dreg:$0x0];
	s2 =	stileid.u32  }
0x100: {  	s1 =	rddreg [dreg:$0x1];
	p0 =	sne.s32 s2, $0x0  }
0x101: {  	s3 =	rddreg [dreg:$0x2];
	[bflag:$0x3] =	sbarrier.arrive $0xFFFF;
	s2 =	simm.s32 @!p0 $0x1C05  }
0x102: {  	[timem:s3], [sflag:s2] =	dma.local @!p0 [hbm:s0], s1  }
0x103: {  	s0 =	simm.s32 @!p0 $0x5  }
0x104: {  	_ =	swait.ge @!p0 [sflag:s0], s1  }
0x105: {  	s1 =	ssub.s32 @!p0 $0x0, s1;
	[sflag:s0] =	ssyncset.done @!p0 $0x0  }
0x106: {  	[sflag:s0] =	ssyncadd.s32 @!p0 s1  }
0x107: {  	[bflag:$0x3] =	sbarrier.arrive $0xFFFF  }
0x108: {  	_ =	shalt  }

</sc_bundles>
